<compile_context>
chip_gen: v7x
topology: tpu7x:2x2x1
jax: 0.10.2.dev20260603
libtpu: 0.0.44.dev20260713+nightly
codegen_flags: <defaults>
</compile_context>

<pallas_src>
import functools

import jax
import jax.numpy as jnp
from jax import lax
from jax.experimental import pallas as pl
from jax.experimental.pallas import tpu as pltpu
from jax.experimental.pallas import tpu_sc as plsc

_EMB = 1024
_F4 = 32
_N = 16384
_NCOORD = 4
_SLICES = 8
_PW = _N // _SLICES
_L = 16
_G = _PW // _L

_mesh = plsc.VectorSubcoreMesh(core_axis_name="c", subcore_axis_name="s")


@functools.partial(
    pl.kernel,
    out_type=jax.ShapeDtypeStruct((_N, _NCOORD * _F4), jnp.float32),
    mesh=_mesh,
    scratch_types=[
        pltpu.VMEM((_PW,), jnp.float32),
        pltpu.VMEM((_EMB, _F4), jnp.float32),
        pltpu.VMEM((_PW // 2, _F4), jnp.float32),
        pltpu.VMEM((_PW // 2, _F4), jnp.float32),
        pltpu.SemaphoreType.DMA,
        pltpu.SemaphoreType.DMA,
        pltpu.SemaphoreType.DMA,
        pltpu.SemaphoreType.DMA,
    ],
    compiler_params=pltpu.CompilerParams(
        use_tc_tiling_on_sc=False, needs_layout_passes=False
    ),
)
def _emb_kernel(pos_hbm, table_hbm, out_hbm, pos_v, tq_v, out0_v, out1_v, sem0, sem1, sem2, sem3):
    wid = lax.axis_index("s") * 2 + lax.axis_index("c")
    j = wid % _NCOORD
    sl = wid // _NCOORD
    base = sl * _PW

    tdma = pltpu.async_copy(table_hbm.at[:, pl.ds(j * _F4, _F4)], tq_v, sem0)
    pdma = pltpu.async_copy(pos_hbm.at[j, pl.ds(base, _PW)], pos_v, sem1)
    tdma.wait()
    pdma.wait()

    lanes = lax.iota(jnp.int32, _L)
    half = _PW // 2

    handles = []
    for c, (buf, sem) in enumerate(((out0_v, sem2), (out1_v, sem3))):

        @plsc.parallel_loop(0, _G // 2, step=1, unroll=4)
        def body(g, _c=c, _buf=buf):
            row = g * _L + lanes
            pv = pos_v[pl.ds(_c * half + g * _L, _L)]
            d = pv * float(_EMB)
            dc = jnp.minimum(jnp.maximum(d, 0.0), float(_EMB - 1))
            li = dc.astype(jnp.int32)
            lw = d - li.astype(jnp.float32)
            rw = 1.0 - lw
            ri = jnp.minimum(li + 1, _EMB - 1)
            for k in range(0, _F4, 4):
                kvs = [lanes ^ (k + i) for i in range(4)]
                lvs = [plsc.load_gather(tq_v, [li, kv]) for kv in kvs]
                rvs = [plsc.load_gather(tq_v, [ri, kv]) for kv in kvs]
                os_ = [lw * a + rw * b for a, b in zip(lvs, rvs)]
                for kv, o in zip(kvs, os_):
                    plsc.store_scatter(_buf, [row, kv], o)

        handles.append(
            pltpu.async_copy(
                buf,
                out_hbm.at[pl.ds(base + c * half, half), pl.ds(j * _F4, _F4)],
                sem,
            )
        )
    for h in handles:
        h.wait()


def kernel(seq_positions, lookup_weight):
    pos_t = seq_positions.T
    tab128 = lookup_weight.reshape(_EMB, _NCOORD * _F4)
    return _emb_kernel(pos_t, tab128)

# --- scband reference (transcript-rebuilt; emitter-appended) ---
"""Pipeline reference for scband-embedding-15350213116277 (READ-ONLY COPY).

The authoritative reference and input builder live on the scoring server;
editing this copy changes nothing except your own understanding.
"""

import jax, jax.numpy as jnp
import numpy as np

EMB_NUM = 1024
FEATURES = 128
N = 16384


def setup_inputs(seed: int = 0) -> dict:
    key = jax.random.key(seed)
    k1, k2 = jax.random.split(key)
    # boxes normalized to [0, 1): N x 4 (y1, x1, y2, x2)
    seq_positions = jax.random.uniform(k1, (N, 4), dtype=jnp.float32)
    # learned lookup table: torch.nn.Embedding(emb_num * 4, features // 4)
    lookup_weight = jax.random.normal(k2, (EMB_NUM * 4, FEATURES // 4), dtype=jnp.float32)
    return {"seq_positions": seq_positions, "lookup_weight": lookup_weight}


def _compute_weights(data, emb_num):
    # standard fractional-interpolation weights over the lookup table bins
    data = data * emb_num
    left_ind = jnp.clip(data, 0, emb_num - 1).astype(jnp.int32)
    right_ind = jnp.clip(left_ind + 1, 0, emb_num - 1)
    left_weight = data - left_ind.astype(jnp.float32)
    right_weight = 1.0 - left_weight
    return left_ind, right_ind, left_weight, right_weight


def reference(seq_positions, lookup_weight):
    emb_num = EMB_NUM
    features = FEATURES
    n = seq_positions.shape[0]
    boxes = seq_positions.reshape(n, 4)
    # over_boxes=True -> use raw y1x1y2x2 coordinates
    xywh = boxes
    left_ind, right_ind, left_weight, right_weight = _compute_weights(xywh, emb_num)
    f = features // 4
    pos_emb_table = lookup_weight.reshape(emb_num, 4, f)  # (emb_num, 4, f)
    col = jnp.arange(4)[None, :]  # (1, 4)
    # gather along dim 0: out[i, j, :] = table[ind[i, j], j, :]
    left_emb = pos_emb_table[left_ind, col]   # (N, 4, f)
    right_emb = pos_emb_table[right_ind, col]  # (N, 4, f)
    pos_emb = left_weight[:, :, None] * left_emb + right_weight[:, :, None] * right_emb
    pos_emb = pos_emb.reshape(n, 4 * f)
    return pos_emb

if __name__ == "__main__":
    import jax
    _d = setup_inputs()
    print(jax.jit(kernel)(*tuple(_d.values())))

</pallas_src>

<mosaic_0001>
#map = affine_map<(d0, d1) -> (0, 0)>
module attributes {stable_mosaic.version = 14 : i64} {
  func.func @_emb_kernel(%arg0: i32, %arg1: i32, %arg2: memref<4x16384xf32, #tpu.memory_space<hbm>>, %arg3: memref<1024x128xf32, #tpu.memory_space<hbm>>, %arg4: memref<16384x128xf32, #tpu.memory_space<hbm>>, %arg5: memref<2048xf32, #tpu.memory_space<vmem>>, %arg6: memref<1024x32xf32, #tpu.memory_space<vmem>>, %arg7: memref<1024x32xf32, #tpu.memory_space<vmem>>, %arg8: memref<1024x32xf32, #tpu.memory_space<vmem>>, %arg9: memref<!tpu.dma_semaphore, #tpu.memory_space<semaphore_mem>>, %arg10: memref<!tpu.dma_semaphore, #tpu.memory_space<semaphore_mem>>, %arg11: memref<!tpu.dma_semaphore, #tpu.memory_space<semaphore_mem>>, %arg12: memref<!tpu.dma_semaphore, #tpu.memory_space<semaphore_mem>>) attributes {dimension_semantics = [#tpu.dimension_semantics<core_parallel>, #tpu.dimension_semantics<subcore_parallel>], iteration_bounds = array<i64: 2, 16>, scalar_prefetch = 0 : i64, scratch_operands = 8 : i64, tpu.core_type = #tpu.core_type<sc_vector_subcore>, window_params = [{transform_indices = #map}, {transform_indices = #map}, {transform_indices = #map}]} {
    %mul3A = arith.constant 2 : i32
    %mul3A_0 = arith.muli %arg1, %mul3A : i32
    %add3A = arith.addi %mul3A_0, %arg0 : i32
    %jit3A = arith.constant 4 : i32
    %eq3A = arith.constant 0 : i32
    %eq3A_1 = arith.cmpi eq, %jit3A, %eq3A : i32
    %jit3A_2 = arith.constant 1 : i32
    %select_n3A = arith.select %eq3A_1, %jit3A_2, %jit3A : i32
    %rem3A = arith.remsi %add3A, %select_n3A : i32
    %ne3A = arith.constant 0 : i32
    %ne3A_3 = arith.cmpi ne, %rem3A, %ne3A : i32
    %lt3A = arith.constant 0 : i32
    %lt3A_4 = arith.cmpi slt, %rem3A, %lt3A : i32
    %lt3A_5 = arith.constant 0 : i32
    %lt3A_6 = arith.cmpi slt, %select_n3A, %lt3A_5 : i32
    %ne3A_7 = arith.xori %lt3A_4, %lt3A_6 : i1
    %and3A = arith.andi %ne3A_7, %ne3A_3 : i1
    %add3A_8 = arith.addi %rem3A, %select_n3A : i32
    %select_n3A_9 = arith.select %and3A, %add3A_8, %rem3A : i32
    %jit3A_10 = arith.constant 4 : i32
    %div3A = arith.divsi %add3A, %jit3A_10 : i32
    %sign3A = arith.constant 0 : i32
    %sign3A_11 = arith.cmpi sgt, %add3A, %sign3A : i32
    %sign3A_12 = arith.extui %sign3A_11 : i1 to i32
    %sign3A_13 = arith.constant 0 : i32
    %sign3A_14 = arith.cmpi slt, %add3A, %sign3A_13 : i32
    %sign3A_15 = arith.extui %sign3A_14 : i1 to i32
    %sign3A_16 = arith.subi %sign3A_12, %sign3A_15 : i32
    %sign3A_17 = arith.constant 0 : i32
    %sign3A_18 = arith.cmpi sgt, %jit3A_10, %sign3A_17 : i32
    %sign3A_19 = arith.extui %sign3A_18 : i1 to i32
    %sign3A_20 = arith.constant 0 : i32
    %sign3A_21 = arith.cmpi slt, %jit3A_10, %sign3A_20 : i32
    %sign3A_22 = arith.extui %sign3A_21 : i1 to i32
    %sign3A_23 = arith.subi %sign3A_19, %sign3A_22 : i32
    %ne3A_24 = arith.cmpi ne, %sign3A_16, %sign3A_23 : i32
    %rem3A_25 = arith.remsi %add3A, %jit3A_10 : i32
    %ne3A_26 = arith.constant 0 : i32
    %ne3A_27 = arith.cmpi ne, %rem3A_25, %ne3A_26 : i32
    %and3A_28 = arith.andi %ne3A_24, %ne3A_27 : i1
    %sub3A = arith.constant 1 : i32
    %sub3A_29 = arith.subi %div3A, %sub3A : i32
    %select_n3A_30 = arith.select %and3A_28, %sub3A_29, %div3A : i32
    %mul3A_31 = arith.constant 2048 : i32
    %mul3A_32 = arith.muli %select_n3A_30, %mul3A_31 : i32
    %mul3A_33 = arith.constant 32 : i32
    %mul3A_34 = arith.muli %select_n3A_9, %mul3A_33 : i32
    %dma_start3A = arith.constant 0 : i32
    %dma_start3A_35 = tpu.memref_slice %arg3[%dma_start3A, %mul3A_34] : memref<1024x128xf32, #tpu.memory_space<hbm>> -> memref<1024x32xf32, #tpu.memory_space<hbm>>
    %dma_start3A_36 = arith.constant 0 : i32
    %dma_start3A_37 = tpu.memref_slice %arg3[%dma_start3A_36, %mul3A_34] : memref<1024x128xf32, #tpu.memory_space<hbm>> -> memref<1024x32xf32, #tpu.memory_space<hbm>>
    tpu.enqueue_dma source(%dma_start3A_37 : memref<1024x32xf32, #tpu.memory_space<hbm>>) target(%arg6 : memref<1024x32xf32, #tpu.memory_space<vmem>>) target_semaphore(%arg9 : memref<!tpu.dma_semaphore, #tpu.memory_space<semaphore_mem>>)
    %dma_start3A_38 = tpu.memref_slice %arg2[%select_n3A_9, %mul3A_32] : memref<4x16384xf32, #tpu.memory_space<hbm>> -> memref<1x2048xf32, #tpu.memory_space<hbm>>
    %dma_start3A_39 = tpu.memref_squeeze %dma_start3A_38 : memref<1x2048xf32, #tpu.memory_space<hbm>> -> memref<2048xf32, #tpu.memory_space<hbm>>
    %dma_start3A_40 = tpu.memref_slice %arg2[%select_n3A_9, %mul3A_32] : memref<4x16384xf32, #tpu.memory_space<hbm>> -> memref<1x2048xf32, #tpu.memory_space<hbm>>
    %dma_start3A_41 = tpu.memref_squeeze %dma_start3A_40 : memref<1x2048xf32, #tpu.memory_space<hbm>> -> memref<2048xf32, #tpu.memory_space<hbm>>
    tpu.enqueue_dma source(%dma_start3A_41 : memref<2048xf32, #tpu.memory_space<hbm>>) target(%arg5 : memref<2048xf32, #tpu.memory_space<vmem>>) target_semaphore(%arg10 : memref<!tpu.dma_semaphore, #tpu.memory_space<semaphore_mem>>)
    %dma_wait3A = arith.constant 0 : i32
    %dma_wait3A_42 = tpu.memref_slice %arg3[%dma_wait3A, %mul3A_34] : memref<1024x128xf32, #tpu.memory_space<hbm>> -> memref<1024x32xf32, #tpu.memory_space<hbm>>
    %dma_wait3A_43 = arith.constant 0 : i32
    %dma_wait3A_44 = tpu.memref_slice %arg3[%dma_wait3A_43, %mul3A_34] : memref<1024x128xf32, #tpu.memory_space<hbm>> -> memref<1024x32xf32, #tpu.memory_space<hbm>>
    tpu.wait_dma2 semaphore(%arg9 : memref<!tpu.dma_semaphore, #tpu.memory_space<semaphore_mem>>) src(%dma_wait3A_44 : memref<1024x32xf32, #tpu.memory_space<hbm>>) dst(%arg6 : memref<1024x32xf32, #tpu.memory_space<vmem>>)
    %dma_wait3A_45 = tpu.memref_slice %arg2[%select_n3A_9, %mul3A_32] : memref<4x16384xf32, #tpu.memory_space<hbm>> -> memref<1x2048xf32, #tpu.memory_space<hbm>>
    %dma_wait3A_46 = tpu.memref_squeeze %dma_wait3A_45 : memref<1x2048xf32, #tpu.memory_space<hbm>> -> memref<2048xf32, #tpu.memory_space<hbm>>
    %dma_wait3A_47 = tpu.memref_slice %arg2[%select_n3A_9, %mul3A_32] : memref<4x16384xf32, #tpu.memory_space<hbm>> -> memref<1x2048xf32, #tpu.memory_space<hbm>>
    %dma_wait3A_48 = tpu.memref_squeeze %dma_wait3A_47 : memref<1x2048xf32, #tpu.memory_space<hbm>> -> memref<2048xf32, #tpu.memory_space<hbm>>
    tpu.wait_dma2 semaphore(%arg10 : memref<!tpu.dma_semaphore, #tpu.memory_space<semaphore_mem>>) src(%dma_wait3A_48 : memref<2048xf32, #tpu.memory_space<hbm>>) dst(%arg5 : memref<2048xf32, #tpu.memory_space<vmem>>)
    %iota3A = tpu.iota {dimensions = array<i32: 0>} : vector<16xi32>
    %parallel_loop3A = arith.constant 0 : i32
    %parallel_loop3A_49 = arith.constant 64 : i32
    %parallel_loop3A_50 = arith.constant 1 : i32
    scf.for %parallel_loop3A_70 = %parallel_loop3A to %parallel_loop3A_49 step %parallel_loop3A_50  : i32 {
      %parallel_loop3A_71 = arith.constant 16 : i32
      %parallel_loop3A_72 = arith.muli %parallel_loop3A_70, %parallel_loop3A_71 : i32
      %parallel_loop3A_73 = vector.broadcast %parallel_loop3A_72 : i32 to vector<16xi32>
      %parallel_loop3A_74 = arith.addi %parallel_loop3A_73, %iota3A : vector<16xi32>
      %parallel_loop3A_75 = arith.constant 16 : i32
      %parallel_loop3A_76 = arith.muli %parallel_loop3A_70, %parallel_loop3A_75 : i32
      %parallel_loop3A_77 = arith.constant 0 : i32
      %parallel_loop3A_78 = arith.addi %parallel_loop3A_77, %parallel_loop3A_76 : i32
      %parallel_loop3A_79 = arith.index_cast %parallel_loop3A_78 : i32 to index
      %parallel_loop3A_80 = tpu.vector_load %arg5[%parallel_loop3A_79] {strides = array<i32>} : memref<2048xf32, #tpu.memory_space<vmem>>, vector<16xf32>,
      %parallel_loop3A_81 = arith.constant 1.024000e+03 : f32
      %parallel_loop3A_82 = vector.broadcast %parallel_loop3A_81 : f32 to vector<16xf32>
      %parallel_loop3A_83 = arith.mulf %parallel_loop3A_80, %parallel_loop3A_82 : vector<16xf32>
      %parallel_loop3A_84 = arith.constant 0.000000e+00 : f32
      %parallel_loop3A_85 = vector.broadcast %parallel_loop3A_84 : f32 to vector<16xf32>
      %parallel_loop3A_86 = arith.maximumf %parallel_loop3A_83, %parallel_loop3A_85 : vector<16xf32>
      %parallel_loop3A_87 = arith.constant 1.023000e+03 : f32
      %parallel_loop3A_88 = vector.broadcast %parallel_loop3A_87 : f32 to vector<16xf32>
      %parallel_loop3A_89 = arith.minimumf %parallel_loop3A_86, %parallel_loop3A_88 : vector<16xf32>
      %parallel_loop3A_90 = arith.fptosi %parallel_loop3A_89 : vector<16xf32> to vector<16xi32>
      %parallel_loop3A_91 = arith.sitofp %parallel_loop3A_90 : vector<16xi32> to vector<16xf32>
      %parallel_loop3A_92 = arith.subf %parallel_loop3A_83, %parallel_loop3A_91 : vector<16xf32>
      %parallel_loop3A_93 = arith.constant 1.000000e+00 : f32
      %parallel_loop3A_94 = vector.broadcast %parallel_loop3A_93 : f32 to vector<16xf32>
      %parallel_loop3A_95 = arith.subf %parallel_loop3A_94, %parallel_loop3A_92 : vector<16xf32>
      %parallel_loop3A_96 = arith.constant 1 : i32
      %parallel_loop3A_97 = vector.broadcast %parallel_loop3A_96 : i32 to vector<16xi32>
      %parallel_loop3A_98 = arith.addi %parallel_loop3A_90, %parallel_loop3A_97 : vector<16xi32>
      %parallel_loop3A_99 = arith.constant 1023 : i32
      %parallel_loop3A_100 = vector.broadcast %parallel_loop3A_99 : i32 to vector<16xi32>
      %parallel_loop3A_101 = arith.minsi %parallel_loop3A_98, %parallel_loop3A_100 : vector<16xi32>
      %parallel_loop3A_102 = arith.constant 0 : i32
      %parallel_loop3A_103 = vector.broadcast %parallel_loop3A_102 : i32 to vector<16xi32>
      %parallel_loop3A_104 = arith.xori %iota3A, %parallel_loop3A_103 : vector<16xi32>
      %parallel_loop3A_105 = arith.constant 1 : i32
      %parallel_loop3A_106 = vector.broadcast %parallel_loop3A_105 : i32 to vector<16xi32>
      %parallel_loop3A_107 = arith.xori %iota3A, %parallel_loop3A_106 : vector<16xi32>
      %parallel_loop3A_108 = arith.constant 2 : i32
      %parallel_loop3A_109 = vector.broadcast %parallel_loop3A_108 : i32 to vector<16xi32>
      %parallel_loop3A_110 = arith.xori %iota3A, %parallel_loop3A_109 : vector<16xi32>
      %parallel_loop3A_111 = arith.constant 3 : i32
      %parallel_loop3A_112 = vector.broadcast %parallel_loop3A_111 : i32 to vector<16xi32>
      %parallel_loop3A_113 = arith.xori %iota3A, %parallel_loop3A_112 : vector<16xi32>
      %parallel_loop3A_114 = tpu.vector_load_idx %arg6[%parallel_loop3A_90, %parallel_loop3A_104] : memref<1024x32xf32, #tpu.memory_space<vmem>>[vector<16xi32>, vector<16xi32>], vector<16xf32>,
      %parallel_loop3A_115 = tpu.vector_load_idx %arg6[%parallel_loop3A_90, %parallel_loop3A_107] : memref<1024x32xf32, #tpu.memory_space<vmem>>[vector<16xi32>, vector<16xi32>], vector<16xf32>,
      %parallel_loop3A_116 = tpu.vector_load_idx %arg6[%parallel_loop3A_90, %parallel_loop3A_110] : memref<1024x32xf32, #tpu.memory_space<vmem>>[vector<16xi32>, vector<16xi32>], vector<16xf32>,
      %parallel_loop3A_117 = tpu.vector_load_idx %arg6[%parallel_loop3A_90, %parallel_loop3A_113] : memref<1024x32xf32, #tpu.memory_space<vmem>>[vector<16xi32>, vector<16xi32>], vector<16xf32>,
      %parallel_loop3A_118 = tpu.vector_load_idx %arg6[%parallel_loop3A_101, %parallel_loop3A_104] : memref<1024x32xf32, #tpu.memory_space<vmem>>[vector<16xi32>, vector<16xi32>], vector<16xf32>,
      %parallel_loop3A_119 = tpu.vector_load_idx %arg6[%parallel_loop3A_101, %parallel_loop3A_107] : memref<1024x32xf32, #tpu.memory_space<vmem>>[vector<16xi32>, vector<16xi32>], vector<16xf32>,
      %parallel_loop3A_120 = tpu.vector_load_idx %arg6[%parallel_loop3A_101, %parallel_loop3A_110] : memref<1024x32xf32, #tpu.memory_space<vmem>>[vector<16xi32>, vector<16xi32>], vector<16xf32>,
      %parallel_loop3A_121 = tpu.vector_load_idx %arg6[%parallel_loop3A_101, %parallel_loop3A_113] : memref<1024x32xf32, #tpu.memory_space<vmem>>[vector<16xi32>, vector<16xi32>], vector<16xf32>,
      %parallel_loop3A_122 = arith.mulf %parallel_loop3A_92, %parallel_loop3A_114 : vector<16xf32>
      %parallel_loop3A_123 = arith.mulf %parallel_loop3A_95, %parallel_loop3A_118 : vector<16xf32>
      %parallel_loop3A_124 = arith.addf %parallel_loop3A_122, %parallel_loop3A_123 : vector<16xf32>
      %parallel_loop3A_125 = arith.mulf %parallel_loop3A_92, %parallel_loop3A_115 : vector<16xf32>
      %parallel_loop3A_126 = arith.mulf %parallel_loop3A_95, %parallel_loop3A_119 : vector<16xf32>
      %parallel_loop3A_127 = arith.addf %parallel_loop3A_125, %parallel_loop3A_126 : vector<16xf32>
      %parallel_loop3A_128 = arith.mulf %parallel_loop3A_92, %parallel_loop3A_116 : vector<16xf32>
      %parallel_loop3A_129 = arith.mulf %parallel_loop3A_95, %parallel_loop3A_120 : vector<16xf32>
      %parallel_loop3A_130 = arith.addf %parallel_loop3A_128, %parallel_loop3A_129 : vector<16xf32>
      %parallel_loop3A_131 = arith.mulf %parallel_loop3A_92, %parallel_loop3A_117 : vector<16xf32>
      %parallel_loop3A_132 = arith.mulf %parallel_loop3A_95, %parallel_loop3A_121 : vector<16xf32>
      %parallel_loop3A_133 = arith.addf %parallel_loop3A_131, %parallel_loop3A_132 : vector<16xf32>
      tpu.vector_store_idx %arg7[%parallel_loop3A_74, %parallel_loop3A_104], %parallel_loop3A_124 : memref<1024x32xf32, #tpu.memory_space<vmem>>[vector<16xi32>, vector<16xi32>], vector<16xf32>,
      tpu.vector_store_idx %arg7[%parallel_loop3A_74, %parallel_loop3A_107], %parallel_loop3A_127 : memref<1024x32xf32, #tpu.memory_space<vmem>>[vector<16xi32>, vector<16xi32>], vector<16xf32>,
      tpu.vector_store_idx %arg7[%parallel_loop3A_74, %parallel_loop3A_110], %parallel_loop3A_130 : memref<1024x32xf32, #tpu.memory_space<vmem>>[vector<16xi32>, vector<16xi32>], vector<16xf32>,
      tpu.vector_store_idx %arg7[%parallel_loop3A_74, %parallel_loop3A_113], %parallel_loop3A_133 : memref<1024x32xf32, #tpu.memory_space<vmem>>[vector<16xi32>, vector<16xi32>], vector<16xf32>,
      %parallel_loop3A_134 = arith.constant 4 : i32
      %parallel_loop3A_135 = vector.broadcast %parallel_loop3A_134 : i32 to vector<16xi32>
      %parallel_loop3A_136 = arith.xori %iota3A, %parallel_loop3A_135 : vector<16xi32>
      %parallel_loop3A_137 = arith.constant 5 : i32
      %parallel_loop3A_138 = vector.broadcast %parallel_loop3A_137 : i32 to vector<16xi32>
      %parallel_loop3A_139 = arith.xori %iota3A, %parallel_loop3A_138 : vector<16xi32>
      %parallel_loop3A_140 = arith.constant 6 : i32
      %parallel_loop3A_141 = vector.broadcast %parallel_loop3A_140 : i32 to vector<16xi32>
      %parallel_loop3A_142 = arith.xori %iota3A, %parallel_loop3A_141 : vector<16xi32>
      %parallel_loop3A_143 = arith.constant 7 : i32
      %parallel_loop3A_144 = vector.broadcast %parallel_loop3A_143 : i32 to vector<16xi32>
      %parallel_loop3A_145 = arith.xori %iota3A, %parallel_loop3A_144 : vector<16xi32>
      %parallel_loop3A_146 = tpu.vector_load_idx %arg6[%parallel_loop3A_90, %parallel_loop3A_136] : memref<1024x32xf32, #tpu.memory_space<vmem>>[vector<16xi32>, vector<16xi32>], vector<16xf32>,
      %parallel_loop3A_147 = tpu.vector_load_idx %arg6[%parallel_loop3A_90, %parallel_loop3A_139] : memref<1024x32xf32, #tpu.memory_space<vmem>>[vector<16xi32>, vector<16xi32>], vector<16xf32>,
      %parallel_loop3A_148 = tpu.vector_load_idx %arg6[%parallel_loop3A_90, %parallel_loop3A_142] : memref<1024x32xf32, #tpu.memory_space<vmem>>[vector<16xi32>, vector<16xi32>], vector<16xf32>,
      %parallel_loop3A_149 = tpu.vector_load_idx %arg6[%parallel_loop3A_90, %parallel_loop3A_145] : memref<1024x32xf32, #tpu.memory_space<vmem>>[vector<16xi32>, vector<16xi32>], vector<16xf32>,
      %parallel_loop3A_150 = tpu.vector_load_idx %arg6[%parallel_loop3A_101, %parallel_loop3A_136] : memref<1024x32xf32, #tpu.memory_space<vmem>>[vector<16xi32>, vector<16xi32>], vector<16xf32>,
      %parallel_loop3A_151 = tpu.vector_load_idx %arg6[%parallel_loop3A_101, %parallel_loop3A_139] : memref<1024x32xf32, #tpu.memory_space<vmem>>[vector<16xi32>, vector<16xi32>], vector<16xf32>,
      %parallel_loop3A_152 = tpu.vector_load_idx %arg6[%parallel_loop3A_101, %parallel_loop3A_142] : memref<1024x32xf32, #tpu.memory_space<vmem>>[vector<16xi32>, vector<16xi32>], vector<16xf32>,
      %parallel_loop3A_153 = tpu.vector_load_idx %arg6[%parallel_loop3A_101, %parallel_loop3A_145] : memref<1024x32xf32, #tpu.memory_space<vmem>>[vector<16xi32>, vector<16xi32>], vector<16xf32>,
      %parallel_loop3A_154 = arith.mulf %parallel_loop3A_92, %parallel_loop3A_146 : vector<16xf32>
      %parallel_loop3A_155 = arith.mulf %parallel_loop3A_95, %parallel_loop3A_150 : vector<16xf32>
      %parallel_loop3A_156 = arith.addf %parallel_loop3A_154, %parallel_loop3A_155 : vector<16xf32>
      %parallel_loop3A_157 = arith.mulf %parallel_loop3A_92, %parallel_loop3A_147 : vector<16xf32>
      %parallel_loop3A_158 = arith.mulf %parallel_loop3A_95, %parallel_loop3A_151 : vector<16xf32>
      %parallel_loop3A_159 = arith.addf %parallel_loop3A_157, %parallel_loop3A_158 : vector<16xf32>
      %parallel_loop3A_160 = arith.mulf %parallel_loop3A_92, %parallel_loop3A_148 : vector<16xf32>
      %parallel_loop3A_161 = arith.mulf %parallel_loop3A_95, %parallel_loop3A_152 : vector<16xf32>
      %parallel_loop3A_162 = arith.addf %parallel_loop3A_160, %parallel_loop3A_161 : vector<16xf32>
      %parallel_loop3A_163 = arith.mulf %parallel_loop3A_92, %parallel_loop3A_149 : vector<16xf32>
      %parallel_loop3A_164 = arith.mulf %parallel_loop3A_95, %parallel_loop3A_153 : vector<16xf32>
      %parallel_loop3A_165 = arith.addf %parallel_loop3A_163, %parallel_loop3A_164 : vector<16xf32>
      tpu.vector_store_idx %arg7[%parallel_loop3A_74, %parallel_loop3A_136], %parallel_loop3A_156 : memref<1024x32xf32, #tpu.memory_space<vmem>>[vector<16xi32>, vector<16xi32>], vector<16xf32>,
      tpu.vector_store_idx %arg7[%parallel_loop3A_74, %parallel_loop3A_139], %parallel_loop3A_159 : memref<1024x32xf32, #tpu.memory_space<vmem>>[vector<16xi32>, vector<16xi32>], vector<16xf32>,
      tpu.vector_store_idx %arg7[%parallel_loop3A_74, %parallel_loop3A_142], %parallel_loop3A_162 : memref<1024x32xf32, #tpu.memory_space<vmem>>[vector<16xi32>, vector<16xi32>], vector<16xf32>,
      tpu.vector_store_idx %arg7[%parallel_loop3A_74, %parallel_loop3A_145], %parallel_loop3A_165 : memref<1024x32xf32, #tpu.memory_space<vmem>>[vector<16xi32>, vector<16xi32>], vector<16xf32>,
      %parallel_loop3A_166 = arith.constant 8 : i32
      %parallel_loop3A_167 = vector.broadcast %parallel_loop3A_166 : i32 to vector<16xi32>
      %parallel_loop3A_168 = arith.xori %iota3A, %parallel_loop3A_167 : vector<16xi32>
      %parallel_loop3A_169 = arith.constant 9 : i32
      %parallel_loop3A_170 = vector.broadcast %parallel_loop3A_169 : i32 to vector<16xi32>
      %parallel_loop3A_171 = arith.xori %iota3A, %parallel_loop3A_170 : vector<16xi32>
      %parallel_loop3A_172 = arith.constant 10 : i32
      %parallel_loop3A_173 = vector.broadcast %parallel_loop3A_172 : i32 to vector<16xi32>
      %parallel_loop3A_174 = arith.xori %iota3A, %parallel_loop3A_173 : vector<16xi32>
      %parallel_loop3A_175 = arith.constant 11 : i32
      %parallel_loop3A_176 = vector.broadcast %parallel_loop3A_175 : i32 to vector<16xi32>
      %parallel_loop3A_177 = arith.xori %iota3A, %parallel_loop3A_176 : vector<16xi32>
      %parallel_loop3A_178 = tpu.vector_load_idx %arg6[%parallel_loop3A_90, %parallel_loop3A_168] : memref<1024x32xf32, #tpu.memory_space<vmem>>[vector<16xi32>, vector<16xi32>], vector<16xf32>,
      %parallel_loop3A_179 = tpu.vector_load_idx %arg6[%parallel_loop3A_90, %parallel_loop3A_171] : memref<1024x32xf32, #tpu.memory_space<vmem>>[vector<16xi32>, vector<16xi32>], vector<16xf32>,
      %parallel_loop3A_180 = tpu.vector_load_idx %arg6[%parallel_loop3A_90, %parallel_loop3A_174] : memref<1024x32xf32, #tpu.memory_space<vmem>>[vector<16xi32>, vector<16xi32>], vector<16xf32>,
      %parallel_loop3A_181 = tpu.vector_load_idx %arg6[%parallel_loop3A_90, %parallel_loop3A_177] : memref<1024x32xf32, #tpu.memory_space<vmem>>[vector<16xi32>, vector<16xi32>], vector<16xf32>,
      %parallel_loop3A_182 = tpu.vector_load_idx %arg6[%parallel_loop3A_101, %parallel_loop3A_168] : memref<1024x32xf32, #tpu.memory_space<vmem>>[vector<16xi32>, vector<16xi32>], vector<16xf32>,
      %parallel_loop3A_183 = tpu.vector_load_idx %arg6[%parallel_loop3A_101, %parallel_loop3A_171] : memref<1024x32xf32, #tpu.memory_space<vmem>>[vector<16xi32>, vector<16xi32>], vector<16xf32>,
      %parallel_loop3A_184 = tpu.vector_load_idx %arg6[%parallel_loop3A_101, %parallel_loop3A_174] : memref<1024x32xf32, #tpu.memory_space<vmem>>[vector<16xi32>, vector<16xi32>], vector<16xf32>,
      %parallel_loop3A_185 = tpu.vector_load_idx %arg6[%parallel_loop3A_101, %parallel_loop3A_177] : memref<1024x32xf32, #tpu.memory_space<vmem>>[vector<16xi32>, vector<16xi32>], vector<16xf32>,
      %parallel_loop3A_186 = arith.mulf %parallel_loop3A_92, %parallel_loop3A_178 : vector<16xf32>
      %parallel_loop3A_187 = arith.mulf %parallel_loop3A_95, %parallel_loop3A_182 : vector<16xf32>
      %parallel_loop3A_188 = arith.addf %parallel_loop3A_186, %parallel_loop3A_187 : vector<16xf32>
      %parallel_loop3A_189 = arith.mulf %parallel_loop3A_92, %parallel_loop3A_179 : vector<16xf32>
      %parallel_loop3A_190 = arith.mulf %parallel_loop3A_95, %parallel_loop3A_183 : vector<16xf32>
      %parallel_loop3A_191 = arith.addf %parallel_loop3A_189, %parallel_loop3A_190 : vector<16xf32>
      %parallel_loop3A_192 = arith.mulf %parallel_loop3A_92, %parallel_loop3A_180 : vector<16xf32>
      %parallel_loop3A_193 = arith.mulf %parallel_loop3A_95, %parallel_loop3A_184 : vector<16xf32>
      %parallel_loop3A_194 = arith.addf %parallel_loop3A_192, %parallel_loop3A_193 : vector<16xf32>
      %parallel_loop3A_195 = arith.mulf %parallel_loop3A_92, %parallel_loop3A_181 : vector<16xf32>
      %parallel_loop3A_196 = arith.mulf %parallel_loop3A_95, %parallel_loop3A_185 : vector<16xf32>
      %parallel_loop3A_197 = arith.addf %parallel_loop3A_195, %parallel_loop3A_196 : vector<16xf32>
      tpu.vector_store_idx %arg7[%parallel_loop3A_74, %parallel_loop3A_168], %parallel_loop3A_188 : memref<1024x32xf32, #tpu.memory_space<vmem>>[vector<16xi32>, vector<16xi32>], vector<16xf32>,
      tpu.vector_store_idx %arg7[%parallel_loop3A_74, %parallel_loop3A_171], %parallel_loop3A_191 : memref<1024x32xf32, #tpu.memory_space<vmem>>[vector<16xi32>, vector<16xi32>], vector<16xf32>,
      tpu.vector_store_idx %arg7[%parallel_loop3A_74, %parallel_loop3A_174], %parallel_loop3A_194 : memref<1024x32xf32, #tpu.memory_space<vmem>>[vector<16xi32>, vector<16xi32>], vector<16xf32>,
      tpu.vector_store_idx %arg7[%parallel_loop3A_74, %parallel_loop3A_177], %parallel_loop3A_197 : memref<1024x32xf32, #tpu.memory_space<vmem>>[vector<16xi32>, vector<16xi32>], vector<16xf32>,
      %parallel_loop3A_198 = arith.constant 12 : i32
      %parallel_loop3A_199 = vector.broadcast %parallel_loop3A_198 : i32 to vector<16xi32>
      %parallel_loop3A_200 = arith.xori %iota3A, %parallel_loop3A_199 : vector<16xi32>
      %parallel_loop3A_201 = arith.constant 13 : i32
      %parallel_loop3A_202 = vector.broadcast %parallel_loop3A_201 : i32 to vector<16xi32>
      %parallel_loop3A_203 = arith.xori %iota3A, %parallel_loop3A_202 : vector<16xi32>
      %parallel_loop3A_204 = arith.constant 14 : i32
      %parallel_loop3A_205 = vector.broadcast %parallel_loop3A_204 : i32 to vector<16xi32>
      %parallel_loop3A_206 = arith.xori %iota3A, %parallel_loop3A_205 : vector<16xi32>
      %parallel_loop3A_207 = arith.constant 15 : i32
      %parallel_loop3A_208 = vector.broadcast %parallel_loop3A_207 : i32 to vector<16xi32>
      %parallel_loop3A_209 = arith.xori %iota3A, %parallel_loop3A_208 : vector<16xi32>
      %parallel_loop3A_210 = tpu.vector_load_idx %arg6[%parallel_loop3A_90, %parallel_loop3A_200] : memref<1024x32xf32, #tpu.memory_space<vmem>>[vector<16xi32>, vector<16xi32>], vector<16xf32>,
      %parallel_loop3A_211 = tpu.vector_load_idx %arg6[%parallel_loop3A_90, %parallel_loop3A_203] : memref<1024x32xf32, #tpu.memory_space<vmem>>[vector<16xi32>, vector<16xi32>], vector<16xf32>,
      %parallel_loop3A_212 = tpu.vector_load_idx %arg6[%parallel_loop3A_90, %parallel_loop3A_206] : memref<1024x32xf32, #tpu.memory_space<vmem>>[vector<16xi32>, vector<16xi32>], vector<16xf32>,
      %parallel_loop3A_213 = tpu.vector_load_idx %arg6[%parallel_loop3A_90, %parallel_loop3A_209] : memref<1024x32xf32, #tpu.memory_space<vmem>>[vector<16xi32>, vector<16xi32>], vector<16xf32>,
      %parallel_loop3A_214 = tpu.vector_load_idx %arg6[%parallel_loop3A_101, %parallel_loop3A_200] : memref<1024x32xf32, #tpu.memory_space<vmem>>[vector<16xi32>, vector<16xi32>], vector<16xf32>,
      %parallel_loop3A_215 = tpu.vector_load_idx %arg6[%parallel_loop3A_101, %parallel_loop3A_203] : memref<1024x32xf32, #tpu.memory_space<vmem>>[vector<16xi32>, vector<16xi32>], vector<16xf32>,
      %parallel_loop3A_216 = tpu.vector_load_idx %arg6[%parallel_loop3A_101, %parallel_loop3A_206] : memref<1024x32xf32, #tpu.memory_space<vmem>>[vector<16xi32>, vector<16xi32>], vector<16xf32>,
      %parallel_loop3A_217 = tpu.vector_load_idx %arg6[%parallel_loop3A_101, %parallel_loop3A_209] : memref<1024x32xf32, #tpu.memory_space<vmem>>[vector<16xi32>, vector<16xi32>], vector<16xf32>,
      %parallel_loop3A_218 = arith.mulf %parallel_loop3A_92, %parallel_loop3A_210 : vector<16xf32>
      %parallel_loop3A_219 = arith.mulf %parallel_loop3A_95, %parallel_loop3A_214 : vector<16xf32>
      %parallel_loop3A_220 = arith.addf %parallel_loop3A_218, %parallel_loop3A_219 : vector<16xf32>
      %parallel_loop3A_221 = arith.mulf %parallel_loop3A_92, %parallel_loop3A_211 : vector<16xf32>
      %parallel_loop3A_222 = arith.mulf %parallel_loop3A_95, %parallel_loop3A_215 : vector<16xf32>
      %parallel_loop3A_223 = arith.addf %parallel_loop3A_221, %parallel_loop3A_222 : vector<16xf32>
      %parallel_loop3A_224 = arith.mulf %parallel_loop3A_92, %parallel_loop3A_212 : vector<16xf32>
      %parallel_loop3A_225 = arith.mulf %parallel_loop3A_95, %parallel_loop3A_216 : vector<16xf32>
      %parallel_loop3A_226 = arith.addf %parallel_loop3A_224, %parallel_loop3A_225 : vector<16xf32>
      %parallel_loop3A_227 = arith.mulf %parallel_loop3A_92, %parallel_loop3A_213 : vector<16xf32>
      %parallel_loop3A_228 = arith.mulf %parallel_loop3A_95, %parallel_loop3A_217 : vector<16xf32>
      %parallel_loop3A_229 = arith.addf %parallel_loop3A_227, %parallel_loop3A_228 : vector<16xf32>
      tpu.vector_store_idx %arg7[%parallel_loop3A_74, %parallel_loop3A_200], %parallel_loop3A_220 : memref<1024x32xf32, #tpu.memory_space<vmem>>[vector<16xi32>, vector<16xi32>], vector<16xf32>,
      tpu.vector_store_idx %arg7[%parallel_loop3A_74, %parallel_loop3A_203], %parallel_loop3A_223 : memref<1024x32xf32, #tpu.memory_space<vmem>>[vector<16xi32>, vector<16xi32>], vector<16xf32>,
      tpu.vector_store_idx %arg7[%parallel_loop3A_74, %parallel_loop3A_206], %parallel_loop3A_226 : memref<1024x32xf32, #tpu.memory_space<vmem>>[vector<16xi32>, vector<16xi32>], vector<16xf32>,
      tpu.vector_store_idx %arg7[%parallel_loop3A_74, %parallel_loop3A_209], %parallel_loop3A_229 : memref<1024x32xf32, #tpu.memory_space<vmem>>[vector<16xi32>, vector<16xi32>], vector<16xf32>,
      %parallel_loop3A_230 = arith.constant 16 : i32
      %parallel_loop3A_231 = vector.broadcast %parallel_loop3A_230 : i32 to vector<16xi32>
      %parallel_loop3A_232 = arith.xori %iota3A, %parallel_loop3A_231 : vector<16xi32>
      %parallel_loop3A_233 = arith.constant 17 : i32
      %parallel_loop3A_234 = vector.broadcast %parallel_loop3A_233 : i32 to vector<16xi32>
      %parallel_loop3A_235 = arith.xori %iota3A, %parallel_loop3A_234 : vector<16xi32>
      %parallel_loop3A_236 = arith.constant 18 : i32
      %parallel_loop3A_237 = vector.broadcast %parallel_loop3A_236 : i32 to vector<16xi32>
      %parallel_loop3A_238 = arith.xori %iota3A, %parallel_loop3A_237 : vector<16xi32>
      %parallel_loop3A_239 = arith.constant 19 : i32
      %parallel_loop3A_240 = vector.broadcast %parallel_loop3A_239 : i32 to vector<16xi32>
      %parallel_loop3A_241 = arith.xori %iota3A, %parallel_loop3A_240 : vector<16xi32>
      %parallel_loop3A_242 = tpu.vector_load_idx %arg6[%parallel_loop3A_90, %parallel_loop3A_232] : memref<1024x32xf32, #tpu.memory_space<vmem>>[vector<16xi32>, vector<16xi32>], vector<16xf32>,
      %parallel_loop3A_243 = tpu.vector_load_idx %arg6[%parallel_loop3A_90, %parallel_loop3A_235] : memref<1024x32xf32, #tpu.memory_space<vmem>>[vector<16xi32>, vector<16xi32>], vector<16xf32>,
      %parallel_loop3A_244 = tpu.vector_load_idx %arg6[%parallel_loop3A_90, %parallel_loop3A_238] : memref<1024x32xf32, #tpu.memory_space<vmem>>[vector<16xi32>, vector<16xi32>], vector<16xf32>,
      %parallel_loop3A_245 = tpu.vector_load_idx %arg6[%parallel_loop3A_90, %parallel_loop3A_241] : memref<1024x32xf32, #tpu.memory_space<vmem>>[vector<16xi32>, vector<16xi32>], vector<16xf32>,
      %parallel_loop3A_246 = tpu.vector_load_idx %arg6[%parallel_loop3A_101, %parallel_loop3A_232] : memref<1024x32xf32, #tpu.memory_space<vmem>>[vector<16xi32>, vector<16xi32>], vector<16xf32>,
      %parallel_loop3A_247 = tpu.vector_load_idx %arg6[%parallel_loop3A_101, %parallel_loop3A_235] : memref<1024x32xf32, #tpu.memory_space<vmem>>[vector<16xi32>, vector<16xi32>], vector<16xf32>,
      %parallel_loop3A_248 = tpu.vector_load_idx %arg6[%parallel_loop3A_101, %parallel_loop3A_238] : memref<1024x32xf32, #tpu.memory_space<vmem>>[vector<16xi32>, vector<16xi32>], vector<16xf32>,
      %parallel_loop3A_249 = tpu.vector_load_idx %arg6[%parallel_loop3A_101, %parallel_loop3A_241] : memref<1024x32xf32, #tpu.memory_space<vmem>>[vector<16xi32>, vector<16xi32>], vector<16xf32>,
      %parallel_loop3A_250 = arith.mulf %parallel_loop3A_92, %parallel_loop3A_242 : vector<16xf32>
      %parallel_loop3A_251 = arith.mulf %parallel_loop3A_95, %parallel_loop3A_246 : vector<16xf32>
      %parallel_loop3A_252 = arith.addf %parallel_loop3A_250, %parallel_loop3A_251 : vector<16xf32>
      %parallel_loop3A_253 = arith.mulf %parallel_loop3A_92, %parallel_loop3A_243 : vector<16xf32>
      %parallel_loop3A_254 = arith.mulf %parallel_loop3A_95, %parallel_loop3A_247 : vector<16xf32>
      %parallel_loop3A_255 = arith.addf %parallel_loop3A_253, %parallel_loop3A_254 : vector<16xf32>
      %parallel_loop3A_256 = arith.mulf %parallel_loop3A_92, %parallel_loop3A_244 : vector<16xf32>
      %parallel_loop3A_257 = arith.mulf %parallel_loop3A_95, %parallel_loop3A_248 : vector<16xf32>
      %parallel_loop3A_258 = arith.addf %parallel_loop3A_256, %parallel_loop3A_257 : vector<16xf32>
      %parallel_loop3A_259 = arith.mulf %parallel_loop3A_92, %parallel_loop3A_245 : vector<16xf32>
      %parallel_loop3A_260 = arith.mulf %parallel_loop3A_95, %parallel_loop3A_249 : vector<16xf32>
      %parallel_loop3A_261 = arith.addf %parallel_loop3A_259, %parallel_loop3A_260 : vector<16xf32>
      tpu.vector_store_idx %arg7[%parallel_loop3A_74, %parallel_loop3A_232], %parallel_loop3A_252 : memref<1024x32xf32, #tpu.memory_space<vmem>>[vector<16xi32>, vector<16xi32>], vector<16xf32>,
      tpu.vector_store_idx %arg7[%parallel_loop3A_74, %parallel_loop3A_235], %parallel_loop3A_255 : memref<1024x32xf32, #tpu.memory_space<vmem>>[vector<16xi32>, vector<16xi32>], vector<16xf32>,
      tpu.vector_store_idx %arg7[%parallel_loop3A_74, %parallel_loop3A_238], %parallel_loop3A_258 : memref<1024x32xf32, #tpu.memory_space<vmem>>[vector<16xi32>, vector<16xi32>], vector<16xf32>,
      tpu.vector_store_idx %arg7[%parallel_loop3A_74, %parallel_loop3A_241], %parallel_loop3A_261 : memref<1024x32xf32, #tpu.memory_space<vmem>>[vector<16xi32>, vector<16xi32>], vector<16xf32>,
      %parallel_loop3A_262 = arith.constant 20 : i32
      %parallel_loop3A_263 = vector.broadcast %parallel_loop3A_262 : i32 to vector<16xi32>
      %parallel_loop3A_264 = arith.xori %iota3A, %parallel_loop3A_263 : vector<16xi32>
      %parallel_loop3A_265 = arith.constant 21 : i32
      %parallel_loop3A_266 = vector.broadcast %parallel_loop3A_265 : i32 to vector<16xi32>
      %parallel_loop3A_267 = arith.xori %iota3A, %parallel_loop3A_266 : vector<16xi32>
      %parallel_loop3A_268 = arith.constant 22 : i32
      %parallel_loop3A_269 = vector.broadcast %parallel_loop3A_268 : i32 to vector<16xi32>
      %parallel_loop3A_270 = arith.xori %iota3A, %parallel_loop3A_269 : vector<16xi32>
      %parallel_loop3A_271 = arith.constant 23 : i32
      %parallel_loop3A_272 = vector.broadcast %parallel_loop3A_271 : i32 to vector<16xi32>
      %parallel_loop3A_273 = arith.xori %iota3A, %parallel_loop3A_272 : vector<16xi32>
      %parallel_loop3A_274 = tpu.vector_load_idx %arg6[%parallel_loop3A_90, %parallel_loop3A_264] : memref<1024x32xf32, #tpu.memory_space<vmem>>[vector<16xi32>, vector<16xi32>], vector<16xf32>,
      %parallel_loop3A_275 = tpu.vector_load_idx %arg6[%parallel_loop3A_90, %parallel_loop3A_267] : memref<1024x32xf32, #tpu.memory_space<vmem>>[vector<16xi32>, vector<16xi32>], vector<16xf32>,
      %parallel_loop3A_276 = tpu.vector_load_idx %arg6[%parallel_loop3A_90, %parallel_loop3A_270] : memref<1024x32xf32, #tpu.memory_space<vmem>>[vector<16xi32>, vector<16xi32>], vector<16xf32>,
      %parallel_loop3A_277 = tpu.vector_load_idx %arg6[%parallel_loop3A_90, %parallel_loop3A_273] : memref<1024x32xf32, #tpu.memory_space<vmem>>[vector<16xi32>, vector<16xi32>], vector<16xf32>,
      %parallel_loop3A_278 = tpu.vector_load_idx %arg6[%parallel_loop3A_101, %parallel_loop3A_264] : memref<1024x32xf32, #tpu.memory_space<vmem>>[vector<16xi32>, vector<16xi32>], vector<16xf32>,
      %parallel_loop3A_279 = tpu.vector_load_idx %arg6[%parallel_loop3A_101, %parallel_loop3A_267] : memref<1024x32xf32, #tpu.memory_space<vmem>>[vector<16xi32>, vector<16xi32>], vector<16xf32>,
      %parallel_loop3A_280 = tpu.vector_load_idx %arg6[%parallel_loop3A_101, %parallel_loop3A_270] : memref<1024x32xf32, #tpu.memory_space<vmem>>[vector<16xi32>, vector<16xi32>], vector<16xf32>,
      %parallel_loop3A_281 = tpu.vector_load_idx %arg6[%parallel_loop3A_101, %parallel_loop3A_273] : memref<1024x32xf32, #tpu.memory_space<vmem>>[vector<16xi32>, vector<16xi32>], vector<16xf32>,
      %parallel_loop3A_282 = arith.mulf %parallel_loop3A_92, %parallel_loop3A_274 : vector<16xf32>
      %parallel_loop3A_283 = arith.mulf %parallel_loop3A_95, %parallel_loop3A_278 : vector<16xf32>
      %parallel_loop3A_284 = arith.addf %parallel_loop3A_282, %parallel_loop3A_283 : vector<16xf32>
      %parallel_loop3A_285 = arith.mulf %parallel_loop3A_92, %parallel_loop3A_275 : vector<16xf32>
      %parallel_loop3A_286 = arith.mulf %parallel_loop3A_95, %parallel_loop3A_279 : vector<16xf32>
      %parallel_loop3A_287 = arith.addf %parallel_loop3A_285, %parallel_loop3A_286 : vector<16xf32>
      %parallel_loop3A_288 = arith.mulf %parallel_loop3A_92, %parallel_loop3A_276 : vector<16xf32>
      %parallel_loop3A_289 = arith.mulf %parallel_loop3A_95, %parallel_loop3A_280 : vector<16xf32>
      %parallel_loop3A_290 = arith.addf %parallel_loop3A_288, %parallel_loop3A_289 : vector<16xf32>
      %parallel_loop3A_291 = arith.mulf %parallel_loop3A_92, %parallel_loop3A_277 : vector<16xf32>
      %parallel_loop3A_292 = arith.mulf %parallel_loop3A_95, %parallel_loop3A_281 : vector<16xf32>
      %parallel_loop3A_293 = arith.addf %parallel_loop3A_291, %parallel_loop3A_292 : vector<16xf32>
      tpu.vector_store_idx %arg7[%parallel_loop3A_74, %parallel_loop3A_264], %parallel_loop3A_284 : memref<1024x32xf32, #tpu.memory_space<vmem>>[vector<16xi32>, vector<16xi32>], vector<16xf32>,
      tpu.vector_store_idx %arg7[%parallel_loop3A_74, %parallel_loop3A_267], %parallel_loop3A_287 : memref<1024x32xf32, #tpu.memory_space<vmem>>[vector<16xi32>, vector<16xi32>], vector<16xf32>,
      tpu.vector_store_idx %arg7[%parallel_loop3A_74, %parallel_loop3A_270], %parallel_loop3A_290 : memref<1024x32xf32, #tpu.memory_space<vmem>>[vector<16xi32>, vector<16xi32>], vector<16xf32>,
      tpu.vector_store_idx %arg7[%parallel_loop3A_74, %parallel_loop3A_273], %parallel_loop3A_293 : memref<1024x32xf32, #tpu.memory_space<vmem>>[vector<16xi32>, vector<16xi32>], vector<16xf32>,
      %parallel_loop3A_294 = arith.constant 24 : i32
      %parallel_loop3A_295 = vector.broadcast %parallel_loop3A_294 : i32 to vector<16xi32>
      %parallel_loop3A_296 = arith.xori %iota3A, %parallel_loop3A_295 : vector<16xi32>
      %parallel_loop3A_297 = arith.constant 25 : i32
      %parallel_loop3A_298 = vector.broadcast %parallel_loop3A_297 : i32 to vector<16xi32>
      %parallel_loop3A_299 = arith.xori %iota3A, %parallel_loop3A_298 : vector<16xi32>
      %parallel_loop3A_300 = arith.constant 26 : i32
      %parallel_loop3A_301 = vector.broadcast %parallel_loop3A_300 : i32 to vector<16xi32>
      %parallel_loop3A_302 = arith.xori %iota3A, %parallel_loop3A_301 : vector<16xi32>
      %parallel_loop3A_303 = arith.constant 27 : i32
      %parallel_loop3A_304 = vector.broadcast %parallel_loop3A_303 : i32 to vector<16xi32>
      %parallel_loop3A_305 = arith.xori %iota3A, %parallel_loop3A_304 : vector<16xi32>
      %parallel_loop3A_306 = tpu.vector_load_idx %arg6[%parallel_loop3A_90, %parallel_loop3A_296] : memref<1024x32xf32, #tpu.memory_space<vmem>>[vector<16xi32>, vector<16xi32>], vector<16xf32>,
      %parallel_loop3A_307 = tpu.vector_load_idx %arg6[%parallel_loop3A_90, %parallel_loop3A_299] : memref<1024x32xf32, #tpu.memory_space<vmem>>[vector<16xi32>, vector<16xi32>], vector<16xf32>,
      %parallel_loop3A_308 = tpu.vector_load_idx %arg6[%parallel_loop3A_90, %parallel_loop3A_302] : memref<1024x32xf32, #tpu.memory_space<vmem>>[vector<16xi32>, vector<16xi32>], vector<16xf32>,
      %parallel_loop3A_309 = tpu.vector_load_idx %arg6[%parallel_loop3A_90, %parallel_loop3A_305] : memref<1024x32xf32, #tpu.memory_space<vmem>>[vector<16xi32>, vector<16xi32>], vector<16xf32>,
      %parallel_loop3A_310 = tpu.vector_load_idx %arg6[%parallel_loop3A_101, %parallel_loop3A_296] : memref<1024x32xf32, #tpu.memory_space<vmem>>[vector<16xi32>, vector<16xi32>], vector<16xf32>,
      %parallel_loop3A_311 = tpu.vector_load_idx %arg6[%parallel_loop3A_101, %parallel_loop3A_299] : memref<1024x32xf32, #tpu.memory_space<vmem>>[vector<16xi32>, vector<16xi32>], vector<16xf32>,
      %parallel_loop3A_312 = tpu.vector_load_idx %arg6[%parallel_loop3A_101, %parallel_loop3A_302] : memref<1024x32xf32, #tpu.memory_space<vmem>>[vector<16xi32>, vector<16xi32>], vector<16xf32>,
      %parallel_loop3A_313 = tpu.vector_load_idx %arg6[%parallel_loop3A_101, %parallel_loop3A_305] : memref<1024x32xf32, #tpu.memory_space<vmem>>[vector<16xi32>, vector<16xi32>], vector<16xf32>,
      %parallel_loop3A_314 = arith.mulf %parallel_loop3A_92, %parallel_loop3A_306 : vector<16xf32>
      %parallel_loop3A_315 = arith.mulf %parallel_loop3A_95, %parallel_loop3A_310 : vector<16xf32>
      %parallel_loop3A_316 = arith.addf %parallel_loop3A_314, %parallel_loop3A_315 : vector<16xf32>
      %parallel_loop3A_317 = arith.mulf %parallel_loop3A_92, %parallel_loop3A_307 : vector<16xf32>
      %parallel_loop3A_318 = arith.mulf %parallel_loop3A_95, %parallel_loop3A_311 : vector<16xf32>
      %parallel_loop3A_319 = arith.addf %parallel_loop3A_317, %parallel_loop3A_318 : vector<16xf32>
      %parallel_loop3A_320 = arith.mulf %parallel_loop3A_92, %parallel_loop3A_308 : vector<16xf32>
      %parallel_loop3A_321 = arith.mulf %parallel_loop3A_95, %parallel_loop3A_312 : vector<16xf32>
      %parallel_loop3A_322 = arith.addf %parallel_loop3A_320, %parallel_loop3A_321 : vector<16xf32>
      %parallel_loop3A_323 = arith.mulf %parallel_loop3A_92, %parallel_loop3A_309 : vector<16xf32>
      %parallel_loop3A_324 = arith.mulf %parallel_loop3A_95, %parallel_loop3A_313 : vector<16xf32>
      %parallel_loop3A_325 = arith.addf %parallel_loop3A_323, %parallel_loop3A_324 : vector<16xf32>
      tpu.vector_store_idx %arg7[%parallel_loop3A_74, %parallel_loop3A_296], %parallel_loop3A_316 : memref<1024x32xf32, #tpu.memory_space<vmem>>[vector<16xi32>, vector<16xi32>], vector<16xf32>,
      tpu.vector_store_idx %arg7[%parallel_loop3A_74, %parallel_loop3A_299], %parallel_loop3A_319 : memref<1024x32xf32, #tpu.memory_space<vmem>>[vector<16xi32>, vector<16xi32>], vector<16xf32>,
      tpu.vector_store_idx %arg7[%parallel_loop3A_74, %parallel_loop3A_302], %parallel_loop3A_322 : memref<1024x32xf32, #tpu.memory_space<vmem>>[vector<16xi32>, vector<16xi32>], vector<16xf32>,
      tpu.vector_store_idx %arg7[%parallel_loop3A_74, %parallel_loop3A_305], %parallel_loop3A_325 : memref<1024x32xf32, #tpu.memory_space<vmem>>[vector<16xi32>, vector<16xi32>], vector<16xf32>,
      %parallel_loop3A_326 = arith.constant 28 : i32
      %parallel_loop3A_327 = vector.broadcast %parallel_loop3A_326 : i32 to vector<16xi32>
      %parallel_loop3A_328 = arith.xori %iota3A, %parallel_loop3A_327 : vector<16xi32>
      %parallel_loop3A_329 = arith.constant 29 : i32
      %parallel_loop3A_330 = vector.broadcast %parallel_loop3A_329 : i32 to vector<16xi32>
      %parallel_loop3A_331 = arith.xori %iota3A, %parallel_loop3A_330 : vector<16xi32>
      %parallel_loop3A_332 = arith.constant 30 : i32
      %parallel_loop3A_333 = vector.broadcast %parallel_loop3A_332 : i32 to vector<16xi32>
      %parallel_loop3A_334 = arith.xori %iota3A, %parallel_loop3A_333 : vector<16xi32>
      %parallel_loop3A_335 = arith.constant 31 : i32
      %parallel_loop3A_336 = vector.broadcast %parallel_loop3A_335 : i32 to vector<16xi32>
      %parallel_loop3A_337 = arith.xori %iota3A, %parallel_loop3A_336 : vector<16xi32>
      %parallel_loop3A_338 = tpu.vector_load_idx %arg6[%parallel_loop3A_90, %parallel_loop3A_328] : memref<1024x32xf32, #tpu.memory_space<vmem>>[vector<16xi32>, vector<16xi32>], vector<16xf32>,
      %parallel_loop3A_339 = tpu.vector_load_idx %arg6[%parallel_loop3A_90, %parallel_loop3A_331] : memref<1024x32xf32, #tpu.memory_space<vmem>>[vector<16xi32>, vector<16xi32>], vector<16xf32>,
      %parallel_loop3A_340 = tpu.vector_load_idx %arg6[%parallel_loop3A_90, %parallel_loop3A_334] : memref<1024x32xf32, #tpu.memory_space<vmem>>[vector<16xi32>, vector<16xi32>], vector<16xf32>,
      %parallel_loop3A_341 = tpu.vector_load_idx %arg6[%parallel_loop3A_90, %parallel_loop3A_337] : memref<1024x32xf32, #tpu.memory_space<vmem>>[vector<16xi32>, vector<16xi32>], vector<16xf32>,
      %parallel_loop3A_342 = tpu.vector_load_idx %arg6[%parallel_loop3A_101, %parallel_loop3A_328] : memref<1024x32xf32, #tpu.memory_space<vmem>>[vector<16xi32>, vector<16xi32>], vector<16xf32>,
      %parallel_loop3A_343 = tpu.vector_load_idx %arg6[%parallel_loop3A_101, %parallel_loop3A_331] : memref<1024x32xf32, #tpu.memory_space<vmem>>[vector<16xi32>, vector<16xi32>], vector<16xf32>,
      %parallel_loop3A_344 = tpu.vector_load_idx %arg6[%parallel_loop3A_101, %parallel_loop3A_334] : memref<1024x32xf32, #tpu.memory_space<vmem>>[vector<16xi32>, vector<16xi32>], vector<16xf32>,
      %parallel_loop3A_345 = tpu.vector_load_idx %arg6[%parallel_loop3A_101, %parallel_loop3A_337] : memref<1024x32xf32, #tpu.memory_space<vmem>>[vector<16xi32>, vector<16xi32>], vector<16xf32>,
      %parallel_loop3A_346 = arith.mulf %parallel_loop3A_92, %parallel_loop3A_338 : vector<16xf32>
      %parallel_loop3A_347 = arith.mulf %parallel_loop3A_95, %parallel_loop3A_342 : vector<16xf32>
      %parallel_loop3A_348 = arith.addf %parallel_loop3A_346, %parallel_loop3A_347 : vector<16xf32>
      %parallel_loop3A_349 = arith.mulf %parallel_loop3A_92, %parallel_loop3A_339 : vector<16xf32>
      %parallel_loop3A_350 = arith.mulf %parallel_loop3A_95, %parallel_loop3A_343 : vector<16xf32>
      %parallel_loop3A_351 = arith.addf %parallel_loop3A_349, %parallel_loop3A_350 : vector<16xf32>
      %parallel_loop3A_352 = arith.mulf %parallel_loop3A_92, %parallel_loop3A_340 : vector<16xf32>
      %parallel_loop3A_353 = arith.mulf %parallel_loop3A_95, %parallel_loop3A_344 : vector<16xf32>
      %parallel_loop3A_354 = arith.addf %parallel_loop3A_352, %parallel_loop3A_353 : vector<16xf32>
      %parallel_loop3A_355 = arith.mulf %parallel_loop3A_92, %parallel_loop3A_341 : vector<16xf32>
      %parallel_loop3A_356 = arith.mulf %parallel_loop3A_95, %parallel_loop3A_345 : vector<16xf32>
      %parallel_loop3A_357 = arith.addf %parallel_loop3A_355, %parallel_loop3A_356 : vector<16xf32>
      tpu.vector_store_idx %arg7[%parallel_loop3A_74, %parallel_loop3A_328], %parallel_loop3A_348 : memref<1024x32xf32, #tpu.memory_space<vmem>>[vector<16xi32>, vector<16xi32>], vector<16xf32>,
      tpu.vector_store_idx %arg7[%parallel_loop3A_74, %parallel_loop3A_331], %parallel_loop3A_351 : memref<1024x32xf32, #tpu.memory_space<vmem>>[vector<16xi32>, vector<16xi32>], vector<16xf32>,
      tpu.vector_store_idx %arg7[%parallel_loop3A_74, %parallel_loop3A_334], %parallel_loop3A_354 : memref<1024x32xf32, #tpu.memory_space<vmem>>[vector<16xi32>, vector<16xi32>], vector<16xf32>,
      tpu.vector_store_idx %arg7[%parallel_loop3A_74, %parallel_loop3A_337], %parallel_loop3A_357 : memref<1024x32xf32, #tpu.memory_space<vmem>>[vector<16xi32>, vector<16xi32>], vector<16xf32>,
    } {sc.loop_unroll_factor = 4 : i64, sc.parallel_access}
    %add3A_51 = arith.constant 0 : i32
    %add3A_52 = arith.addi %mul3A_32, %add3A_51 : i32
    %mul3A_53 = arith.constant 32 : i32
    %mul3A_54 = arith.muli %select_n3A_9, %mul3A_53 : i32
    %dma_start3A_55 = tpu.memref_slice %arg4[%add3A_52, %mul3A_54] : memref<16384x128xf32, #tpu.memory_space<hbm>> -> memref<1024x32xf32, #tpu.memory_space<hbm>>
    %dma_start3A_56 = tpu.memref_slice %arg4[%add3A_52, %mul3A_54] : memref<16384x128xf32, #tpu.memory_space<hbm>> -> memref<1024x32xf32, #tpu.memory_space<hbm>>
    tpu.enqueue_dma source(%arg7 : memref<1024x32xf32, #tpu.memory_space<vmem>>) target(%dma_start3A_56 : memref<1024x32xf32, #tpu.memory_space<hbm>>) target_semaphore(%arg11 : memref<!tpu.dma_semaphore, #tpu.memory_space<semaphore_mem>>)
    %parallel_loop3A_57 = arith.constant 0 : i32
    %parallel_loop3A_58 = arith.constant 64 : i32
    %parallel_loop3A_59 = arith.constant 1 : i32
    scf.for %parallel_loop3A_70 = %parallel_loop3A_57 to %parallel_loop3A_58 step %parallel_loop3A_59  : i32 {
      %parallel_loop3A_71 = arith.constant 16 : i32
      %parallel_loop3A_72 = arith.muli %parallel_loop3A_70, %parallel_loop3A_71 : i32
      %parallel_loop3A_73 = vector.broadcast %parallel_loop3A_72 : i32 to vector<16xi32>
      %parallel_loop3A_74 = arith.addi %parallel_loop3A_73, %iota3A : vector<16xi32>
      %parallel_loop3A_75 = arith.constant 16 : i32
      %parallel_loop3A_76 = arith.muli %parallel_loop3A_70, %parallel_loop3A_75 : i32
      %parallel_loop3A_77 = arith.constant 1024 : i32
      %parallel_loop3A_78 = arith.addi %parallel_loop3A_77, %parallel_loop3A_76 : i32
      %parallel_loop3A_79 = arith.index_cast %parallel_loop3A_78 : i32 to index
      %parallel_loop3A_80 = tpu.vector_load %arg5[%parallel_loop3A_79] {strides = array<i32>} : memref<2048xf32, #tpu.memory_space<vmem>>, vector<16xf32>,
      %parallel_loop3A_81 = arith.constant 1.024000e+03 : f32
      %parallel_loop3A_82 = vector.broadcast %parallel_loop3A_81 : f32 to vector<16xf32>
      %parallel_loop3A_83 = arith.mulf %parallel_loop3A_80, %parallel_loop3A_82 : vector<16xf32>
      %parallel_loop3A_84 = arith.constant 0.000000e+00 : f32
      %parallel_loop3A_85 = vector.broadcast %parallel_loop3A_84 : f32 to vector<16xf32>
      %parallel_loop3A_86 = arith.maximumf %parallel_loop3A_83, %parallel_loop3A_85 : vector<16xf32>
      %parallel_loop3A_87 = arith.constant 1.023000e+03 : f32
      %parallel_loop3A_88 = vector.broadcast %parallel_loop3A_87 : f32 to vector<16xf32>
      %parallel_loop3A_89 = arith.minimumf %parallel_loop3A_86, %parallel_loop3A_88 : vector<16xf32>
      %parallel_loop3A_90 = arith.fptosi %parallel_loop3A_89 : vector<16xf32> to vector<16xi32>
      %parallel_loop3A_91 = arith.sitofp %parallel_loop3A_90 : vector<16xi32> to vector<16xf32>
      %parallel_loop3A_92 = arith.subf %parallel_loop3A_83, %parallel_loop3A_91 : vector<16xf32>
      %parallel_loop3A_93 = arith.constant 1.000000e+00 : f32
      %parallel_loop3A_94 = vector.broadcast %parallel_loop3A_93 : f32 to vector<16xf32>
      %parallel_loop3A_95 = arith.subf %parallel_loop3A_94, %parallel_loop3A_92 : vector<16xf32>
      %parallel_loop3A_96 = arith.constant 1 : i32
      %parallel_loop3A_97 = vector.broadcast %parallel_loop3A_96 : i32 to vector<16xi32>
      %parallel_loop3A_98 = arith.addi %parallel_loop3A_90, %parallel_loop3A_97 : vector<16xi32>
      %parallel_loop3A_99 = arith.constant 1023 : i32
      %parallel_loop3A_100 = vector.broadcast %parallel_loop3A_99 : i32 to vector<16xi32>
      %parallel_loop3A_101 = arith.minsi %parallel_loop3A_98, %parallel_loop3A_100 : vector<16xi32>
      %parallel_loop3A_102 = arith.constant 0 : i32
      %parallel_loop3A_103 = vector.broadcast %parallel_loop3A_102 : i32 to vector<16xi32>
      %parallel_loop3A_104 = arith.xori %iota3A, %parallel_loop3A_103 : vector<16xi32>
      %parallel_loop3A_105 = arith.constant 1 : i32
      %parallel_loop3A_106 = vector.broadcast %parallel_loop3A_105 : i32 to vector<16xi32>
      %parallel_loop3A_107 = arith.xori %iota3A, %parallel_loop3A_106 : vector<16xi32>
      %parallel_loop3A_108 = arith.constant 2 : i32
      %parallel_loop3A_109 = vector.broadcast %parallel_loop3A_108 : i32 to vector<16xi32>
      %parallel_loop3A_110 = arith.xori %iota3A, %parallel_loop3A_109 : vector<16xi32>
      %parallel_loop3A_111 = arith.constant 3 : i32
      %parallel_loop3A_112 = vector.broadcast %parallel_loop3A_111 : i32 to vector<16xi32>
      %parallel_loop3A_113 = arith.xori %iota3A, %parallel_loop3A_112 : vector<16xi32>
      %parallel_loop3A_114 = tpu.vector_load_idx %arg6[%parallel_loop3A_90, %parallel_loop3A_104] : memref<1024x32xf32, #tpu.memory_space<vmem>>[vector<16xi32>, vector<16xi32>], vector<16xf32>,
      %parallel_loop3A_115 = tpu.vector_load_idx %arg6[%parallel_loop3A_90, %parallel_loop3A_107] : memref<1024x32xf32, #tpu.memory_space<vmem>>[vector<16xi32>, vector<16xi32>], vector<16xf32>,
      %parallel_loop3A_116 = tpu.vector_load_idx %arg6[%parallel_loop3A_90, %parallel_loop3A_110] : memref<1024x32xf32, #tpu.memory_space<vmem>>[vector<16xi32>, vector<16xi32>], vector<16xf32>,
      %parallel_loop3A_117 = tpu.vector_load_idx %arg6[%parallel_loop3A_90, %parallel_loop3A_113] : memref<1024x32xf32, #tpu.memory_space<vmem>>[vector<16xi32>, vector<16xi32>], vector<16xf32>,
      %parallel_loop3A_118 = tpu.vector_load_idx %arg6[%parallel_loop3A_101, %parallel_loop3A_104] : memref<1024x32xf32, #tpu.memory_space<vmem>>[vector<16xi32>, vector<16xi32>], vector<16xf32>,
      %parallel_loop3A_119 = tpu.vector_load_idx %arg6[%parallel_loop3A_101, %parallel_loop3A_107] : memref<1024x32xf32, #tpu.memory_space<vmem>>[vector<16xi32>, vector<16xi32>], vector<16xf32>,
      %parallel_loop3A_120 = tpu.vector_load_idx %arg6[%parallel_loop3A_101, %parallel_loop3A_110] : memref<1024x32xf32, #tpu.memory_space<vmem>>[vector<16xi32>, vector<16xi32>], vector<16xf32>,
      %parallel_loop3A_121 = tpu.vector_load_idx %arg6[%parallel_loop3A_101, %parallel_loop3A_113] : memref<1024x32xf32, #tpu.memory_space<vmem>>[vector<16xi32>, vector<16xi32>], vector<16xf32>,
      %parallel_loop3A_122 = arith.mulf %parallel_loop3A_92, %parallel_loop3A_114 : vector<16xf32>
      %parallel_loop3A_123 = arith.mulf %parallel_loop3A_95, %parallel_loop3A_118 : vector<16xf32>
      %parallel_loop3A_124 = arith.addf %parallel_loop3A_122, %parallel_loop3A_123 : vector<16xf32>
      %parallel_loop3A_125 = arith.mulf %parallel_loop3A_92, %parallel_loop3A_115 : vector<16xf32>
      %parallel_loop3A_126 = arith.mulf %parallel_loop3A_95, %parallel_loop3A_119 : vector<16xf32>
      %parallel_loop3A_127 = arith.addf %parallel_loop3A_125, %parallel_loop3A_126 : vector<16xf32>
      %parallel_loop3A_128 = arith.mulf %parallel_loop3A_92, %parallel_loop3A_116 : vector<16xf32>
      %parallel_loop3A_129 = arith.mulf %parallel_loop3A_95, %parallel_loop3A_120 : vector<16xf32>
      %parallel_loop3A_130 = arith.addf %parallel_loop3A_128, %parallel_loop3A_129 : vector<16xf32>
      %parallel_loop3A_131 = arith.mulf %parallel_loop3A_92, %parallel_loop3A_117 : vector<16xf32>
      %parallel_loop3A_132 = arith.mulf %parallel_loop3A_95, %parallel_loop3A_121 : vector<16xf32>
      %parallel_loop3A_133 = arith.addf %parallel_loop3A_131, %parallel_loop3A_132 : vector<16xf32>
      tpu.vector_store_idx %arg8[%parallel_loop3A_74, %parallel_loop3A_104], %parallel_loop3A_124 : memref<1024x32xf32, #tpu.memory_space<vmem>>[vector<16xi32>, vector<16xi32>], vector<16xf32>,
      tpu.vector_store_idx %arg8[%parallel_loop3A_74, %parallel_loop3A_107], %parallel_loop3A_127 : memref<1024x32xf32, #tpu.memory_space<vmem>>[vector<16xi32>, vector<16xi32>], vector<16xf32>,
      tpu.vector_store_idx %arg8[%parallel_loop3A_74, %parallel_loop3A_110], %parallel_loop3A_130 : memref<1024x32xf32, #tpu.memory_space<vmem>>[vector<16xi32>, vector<16xi32>], vector<16xf32>,
      tpu.vector_store_idx %arg8[%parallel_loop3A_74, %parallel_loop3A_113], %parallel_loop3A_133 : memref<1024x32xf32, #tpu.memory_space<vmem>>[vector<16xi32>, vector<16xi32>], vector<16xf32>,
      %parallel_loop3A_134 = arith.constant 4 : i32
      %parallel_loop3A_135 = vector.broadcast %parallel_loop3A_134 : i32 to vector<16xi32>
      %parallel_loop3A_136 = arith.xori %iota3A, %parallel_loop3A_135 : vector<16xi32>
      %parallel_loop3A_137 = arith.constant 5 : i32
      %parallel_loop3A_138 = vector.broadcast %parallel_loop3A_137 : i32 to vector<16xi32>
      %parallel_loop3A_139 = arith.xori %iota3A, %parallel_loop3A_138 : vector<16xi32>
      %parallel_loop3A_140 = arith.constant 6 : i32
      %parallel_loop3A_141 = vector.broadcast %parallel_loop3A_140 : i32 to vector<16xi32>
      %parallel_loop3A_142 = arith.xori %iota3A, %parallel_loop3A_141 : vector<16xi32>
      %parallel_loop3A_143 = arith.constant 7 : i32
      %parallel_loop3A_144 = vector.broadcast %parallel_loop3A_143 : i32 to vector<16xi32>
      %parallel_loop3A_145 = arith.xori %iota3A, %parallel_loop3A_144 : vector<16xi32>
      %parallel_loop3A_146 = tpu.vector_load_idx %arg6[%parallel_loop3A_90, %parallel_loop3A_136] : memref<1024x32xf32, #tpu.memory_space<vmem>>[vector<16xi32>, vector<16xi32>], vector<16xf32>,
      %parallel_loop3A_147 = tpu.vector_load_idx %arg6[%parallel_loop3A_90, %parallel_loop3A_139] : memref<1024x32xf32, #tpu.memory_space<vmem>>[vector<16xi32>, vector<16xi32>], vector<16xf32>,
      %parallel_loop3A_148 = tpu.vector_load_idx %arg6[%parallel_loop3A_90, %parallel_loop3A_142] : memref<1024x32xf32, #tpu.memory_space<vmem>>[vector<16xi32>, vector<16xi32>], vector<16xf32>,
      %parallel_loop3A_149 = tpu.vector_load_idx %arg6[%parallel_loop3A_90, %parallel_loop3A_145] : memref<1024x32xf32, #tpu.memory_space<vmem>>[vector<16xi32>, vector<16xi32>], vector<16xf32>,
      %parallel_loop3A_150 = tpu.vector_load_idx %arg6[%parallel_loop3A_101, %parallel_loop3A_136] : memref<1024x32xf32, #tpu.memory_space<vmem>>[vector<16xi32>, vector<16xi32>], vector<16xf32>,
      %parallel_loop3A_151 = tpu.vector_load_idx %arg6[%parallel_loop3A_101, %parallel_loop3A_139] : memref<1024x32xf32, #tpu.memory_space<vmem>>[vector<16xi32>, vector<16xi32>], vector<16xf32>,
      %parallel_loop3A_152 = tpu.vector_load_idx %arg6[%parallel_loop3A_101, %parallel_loop3A_142] : memref<1024x32xf32, #tpu.memory_space<vmem>>[vector<16xi32>, vector<16xi32>], vector<16xf32>,
      %parallel_loop3A_153 = tpu.vector_load_idx %arg6[%parallel_loop3A_101, %parallel_loop3A_145] : memref<1024x32xf32, #tpu.memory_space<vmem>>[vector<16xi32>, vector<16xi32>], vector<16xf32>,
      %parallel_loop3A_154 = arith.mulf %parallel_loop3A_92, %parallel_loop3A_146 : vector<16xf32>
      %parallel_loop3A_155 = arith.mulf %parallel_loop3A_95, %parallel_loop3A_150 : vector<16xf32>
      %parallel_loop3A_156 = arith.addf %parallel_loop3A_154, %parallel_loop3A_155 : vector<16xf32>
      %parallel_loop3A_157 = arith.mulf %parallel_loop3A_92, %parallel_loop3A_147 : vector<16xf32>
      %parallel_loop3A_158 = arith.mulf %parallel_loop3A_95, %parallel_loop3A_151 : vector<16xf32>
      %parallel_loop3A_159 = arith.addf %parallel_loop3A_157, %parallel_loop3A_158 : vector<16xf32>
      %parallel_loop3A_160 = arith.mulf %parallel_loop3A_92, %parallel_loop3A_148 : vector<16xf32>
      %parallel_loop3A_161 = arith.mulf %parallel_loop3A_95, %parallel_loop3A_152 : vector<16xf32>
      %parallel_loop3A_162 = arith.addf %parallel_loop3A_160, %parallel_loop3A_161 : vector<16xf32>
      %parallel_loop3A_163 = arith.mulf %parallel_loop3A_92, %parallel_loop3A_149 : vector<16xf32>
      %parallel_loop3A_164 = arith.mulf %parallel_loop3A_95, %parallel_loop3A_153 : vector<16xf32>
      %parallel_loop3A_165 = arith.addf %parallel_loop3A_163, %parallel_loop3A_164 : vector<16xf32>
      tpu.vector_store_idx %arg8[%parallel_loop3A_74, %parallel_loop3A_136], %parallel_loop3A_156 : memref<1024x32xf32, #tpu.memory_space<vmem>>[vector<16xi32>, vector<16xi32>], vector<16xf32>,
      tpu.vector_store_idx %arg8[%parallel_loop3A_74, %parallel_loop3A_139], %parallel_loop3A_159 : memref<1024x32xf32, #tpu.memory_space<vmem>>[vector<16xi32>, vector<16xi32>], vector<16xf32>,
      tpu.vector_store_idx %arg8[%parallel_loop3A_74, %parallel_loop3A_142], %parallel_loop3A_162 : memref<1024x32xf32, #tpu.memory_space<vmem>>[vector<16xi32>, vector<16xi32>], vector<16xf32>,
      tpu.vector_store_idx %arg8[%parallel_loop3A_74, %parallel_loop3A_145], %parallel_loop3A_165 : memref<1024x32xf32, #tpu.memory_space<vmem>>[vector<16xi32>, vector<16xi32>], vector<16xf32>,
      %parallel_loop3A_166 = arith.constant 8 : i32
      %parallel_loop3A_167 = vector.broadcast %parallel_loop3A_166 : i32 to vector<16xi32>
      %parallel_loop3A_168 = arith.xori %iota3A, %parallel_loop3A_167 : vector<16xi32>
      %parallel_loop3A_169 = arith.constant 9 : i32
      %parallel_loop3A_170 = vector.broadcast %parallel_loop3A_169 : i32 to vector<16xi32>
      %parallel_loop3A_171 = arith.xori %iota3A, %parallel_loop3A_170 : vector<16xi32>
      %parallel_loop3A_172 = arith.constant 10 : i32
      %parallel_loop3A_173 = vector.broadcast %parallel_loop3A_172 : i32 to vector<16xi32>
      %parallel_loop3A_174 = arith.xori %iota3A, %parallel_loop3A_173 : vector<16xi32>
      %parallel_loop3A_175 = arith.constant 11 : i32
      %parallel_loop3A_176 = vector.broadcast %parallel_loop3A_175 : i32 to vector<16xi32>
      %parallel_loop3A_177 = arith.xori %iota3A, %parallel_loop3A_176 : vector<16xi32>
      %parallel_loop3A_178 = tpu.vector_load_idx %arg6[%parallel_loop3A_90, %parallel_loop3A_168] : memref<1024x32xf32, #tpu.memory_space<vmem>>[vector<16xi32>, vector<16xi32>], vector<16xf32>,
      %parallel_loop3A_179 = tpu.vector_load_idx %arg6[%parallel_loop3A_90, %parallel_loop3A_171] : memref<1024x32xf32, #tpu.memory_space<vmem>>[vector<16xi32>, vector<16xi32>], vector<16xf32>,
      %parallel_loop3A_180 = tpu.vector_load_idx %arg6[%parallel_loop3A_90, %parallel_loop3A_174] : memref<1024x32xf32, #tpu.memory_space<vmem>>[vector<16xi32>, vector<16xi32>], vector<16xf32>,
      %parallel_loop3A_181 = tpu.vector_load_idx %arg6[%parallel_loop3A_90, %parallel_loop3A_177] : memref<1024x32xf32, #tpu.memory_space<vmem>>[vector<16xi32>, vector<16xi32>], vector<16xf32>,
      %parallel_loop3A_182 = tpu.vector_load_idx %arg6[%parallel_loop3A_101, %parallel_loop3A_168] : memref<1024x32xf32, #tpu.memory_space<vmem>>[vector<16xi32>, vector<16xi32>], vector<16xf32>,
      %parallel_loop3A_183 = tpu.vector_load_idx %arg6[%parallel_loop3A_101, %parallel_loop3A_171] : memref<1024x32xf32, #tpu.memory_space<vmem>>[vector<16xi32>, vector<16xi32>], vector<16xf32>,
      %parallel_loop3A_184 = tpu.vector_load_idx %arg6[%parallel_loop3A_101, %parallel_loop3A_174] : memref<1024x32xf32, #tpu.memory_space<vmem>>[vector<16xi32>, vector<16xi32>], vector<16xf32>,
      %parallel_loop3A_185 = tpu.vector_load_idx %arg6[%parallel_loop3A_101, %parallel_loop3A_177] : memref<1024x32xf32, #tpu.memory_space<vmem>>[vector<16xi32>, vector<16xi32>], vector<16xf32>,
      %parallel_loop3A_186 = arith.mulf %parallel_loop3A_92, %parallel_loop3A_178 : vector<16xf32>
      %parallel_loop3A_187 = arith.mulf %parallel_loop3A_95, %parallel_loop3A_182 : vector<16xf32>
      %parallel_loop3A_188 = arith.addf %parallel_loop3A_186, %parallel_loop3A_187 : vector<16xf32>
      %parallel_loop3A_189 = arith.mulf %parallel_loop3A_92, %parallel_loop3A_179 : vector<16xf32>
      %parallel_loop3A_190 = arith.mulf %parallel_loop3A_95, %parallel_loop3A_183 : vector<16xf32>
      %parallel_loop3A_191 = arith.addf %parallel_loop3A_189, %parallel_loop3A_190 : vector<16xf32>
      %parallel_loop3A_192 = arith.mulf %parallel_loop3A_92, %parallel_loop3A_180 : vector<16xf32>
      %parallel_loop3A_193 = arith.mulf %parallel_loop3A_95, %parallel_loop3A_184 : vector<16xf32>
      %parallel_loop3A_194 = arith.addf %parallel_loop3A_192, %parallel_loop3A_193 : vector<16xf32>
      %parallel_loop3A_195 = arith.mulf %parallel_loop3A_92, %parallel_loop3A_181 : vector<16xf32>
      %parallel_loop3A_196 = arith.mulf %parallel_loop3A_95, %parallel_loop3A_185 : vector<16xf32>
      %parallel_loop3A_197 = arith.addf %parallel_loop3A_195, %parallel_loop3A_196 : vector<16xf32>
      tpu.vector_store_idx %arg8[%parallel_loop3A_74, %parallel_loop3A_168], %parallel_loop3A_188 : memref<1024x32xf32, #tpu.memory_space<vmem>>[vector<16xi32>, vector<16xi32>], vector<16xf32>,
      tpu.vector_store_idx %arg8[%parallel_loop3A_74, %parallel_loop3A_171], %parallel_loop3A_191 : memref<1024x32xf32, #tpu.memory_space<vmem>>[vector<16xi32>, vector<16xi32>], vector<16xf32>,
      tpu.vector_store_idx %arg8[%parallel_loop3A_74, %parallel_loop3A_174], %parallel_loop3A_194 : memref<1024x32xf32, #tpu.memory_space<vmem>>[vector<16xi32>, vector<16xi32>], vector<16xf32>,
      tpu.vector_store_idx %arg8[%parallel_loop3A_74, %parallel_loop3A_177], %parallel_loop3A_197 : memref<1024x32xf32, #tpu.memory_space<vmem>>[vector<16xi32>, vector<16xi32>], vector<16xf32>,
      %parallel_loop3A_198 = arith.constant 12 : i32
      %parallel_loop3A_199 = vector.broadcast %parallel_loop3A_198 : i32 to vector<16xi32>
      %parallel_loop3A_200 = arith.xori %iota3A, %parallel_loop3A_199 : vector<16xi32>
      %parallel_loop3A_201 = arith.constant 13 : i32
      %parallel_loop3A_202 = vector.broadcast %parallel_loop3A_201 : i32 to vector<16xi32>
      %parallel_loop3A_203 = arith.xori %iota3A, %parallel_loop3A_202 : vector<16xi32>
      %parallel_loop3A_204 = arith.constant 14 : i32
      %parallel_loop3A_205 = vector.broadcast %parallel_loop3A_204 : i32 to vector<16xi32>
      %parallel_loop3A_206 = arith.xori %iota3A, %parallel_loop3A_205 : vector<16xi32>
      %parallel_loop3A_207 = arith.constant 15 : i32
      %parallel_loop3A_208 = vector.broadcast %parallel_loop3A_207 : i32 to vector<16xi32>
      %parallel_loop3A_209 = arith.xori %iota3A, %parallel_loop3A_208 : vector<16xi32>
      %parallel_loop3A_210 = tpu.vector_load_idx %arg6[%parallel_loop3A_90, %parallel_loop3A_200] : memref<1024x32xf32, #tpu.memory_space<vmem>>[vector<16xi32>, vector<16xi32>], vector<16xf32>,
      %parallel_loop3A_211 = tpu.vector_load_idx %arg6[%parallel_loop3A_90, %parallel_loop3A_203] : memref<1024x32xf32, #tpu.memory_space<vmem>>[vector<16xi32>, vector<16xi32>], vector<16xf32>,
      %parallel_loop3A_212 = tpu.vector_load_idx %arg6[%parallel_loop3A_90, %parallel_loop3A_206] : memref<1024x32xf32, #tpu.memory_space<vmem>>[vector<16xi32>, vector<16xi32>], vector<16xf32>,
      %parallel_loop3A_213 = tpu.vector_load_idx %arg6[%parallel_loop3A_90, %parallel_loop3A_209] : memref<1024x32xf32, #tpu.memory_space<vmem>>[vector<16xi32>, vector<16xi32>], vector<16xf32>,
      %parallel_loop3A_214 = tpu.vector_load_idx %arg6[%parallel_loop3A_101, %parallel_loop3A_200] : memref<1024x32xf32, #tpu.memory_space<vmem>>[vector<16xi32>, vector<16xi32>], vector<16xf32>,
      %parallel_loop3A_215 = tpu.vector_load_idx %arg6[%parallel_loop3A_101, %parallel_loop3A_203] : memref<1024x32xf32, #tpu.memory_space<vmem>>[vector<16xi32>, vector<16xi32>], vector<16xf32>,
      %parallel_loop3A_216 = tpu.vector_load_idx %arg6[%parallel_loop3A_101, %parallel_loop3A_206] : memref<1024x32xf32, #tpu.memory_space<vmem>>[vector<16xi32>, vector<16xi32>], vector<16xf32>,
      %parallel_loop3A_217 = tpu.vector_load_idx %arg6[%parallel_loop3A_101, %parallel_loop3A_209] : memref<1024x32xf32, #tpu.memory_space<vmem>>[vector<16xi32>, vector<16xi32>], vector<16xf32>,
      %parallel_loop3A_218 = arith.mulf %parallel_loop3A_92, %parallel_loop3A_210 : vector<16xf32>
      %parallel_loop3A_219 = arith.mulf %parallel_loop3A_95, %parallel_loop3A_214 : vector<16xf32>
      %parallel_loop3A_220 = arith.addf %parallel_loop3A_218, %parallel_loop3A_219 : vector<16xf32>
      %parallel_loop3A_221 = arith.mulf %parallel_loop3A_92, %parallel_loop3A_211 : vector<16xf32>
      %parallel_loop3A_222 = arith.mulf %parallel_loop3A_95, %parallel_loop3A_215 : vector<16xf32>
      %parallel_loop3A_223 = arith.addf %parallel_loop3A_221, %parallel_loop3A_222 : vector<16xf32>
      %parallel_loop3A_224 = arith.mulf %parallel_loop3A_92, %parallel_loop3A_212 : vector<16xf32>
      %parallel_loop3A_225 = arith.mulf %parallel_loop3A_95, %parallel_loop3A_216 : vector<16xf32>
      %parallel_loop3A_226 = arith.addf %parallel_loop3A_224, %parallel_loop3A_225 : vector<16xf32>
      %parallel_loop3A_227 = arith.mulf %parallel_loop3A_92, %parallel_loop3A_213 : vector<16xf32>
      %parallel_loop3A_228 = arith.mulf %parallel_loop3A_95, %parallel_loop3A_217 : vector<16xf32>
      %parallel_loop3A_229 = arith.addf %parallel_loop3A_227, %parallel_loop3A_228 : vector<16xf32>
      tpu.vector_store_idx %arg8[%parallel_loop3A_74, %parallel_loop3A_200], %parallel_loop3A_220 : memref<1024x32xf32, #tpu.memory_space<vmem>>[vector<16xi32>, vector<16xi32>], vector<16xf32>,
      tpu.vector_store_idx %arg8[%parallel_loop3A_74, %parallel_loop3A_203], %parallel_loop3A_223 : memref<1024x32xf32, #tpu.memory_space<vmem>>[vector<16xi32>, vector<16xi32>], vector<16xf32>,
      tpu.vector_store_idx %arg8[%parallel_loop3A_74, %parallel_loop3A_206], %parallel_loop3A_226 : memref<1024x32xf32, #tpu.memory_space<vmem>>[vector<16xi32>, vector<16xi32>], vector<16xf32>,
      tpu.vector_store_idx %arg8[%parallel_loop3A_74, %parallel_loop3A_209], %parallel_loop3A_229 : memref<1024x32xf32, #tpu.memory_space<vmem>>[vector<16xi32>, vector<16xi32>], vector<16xf32>,
      %parallel_loop3A_230 = arith.constant 16 : i32
      %parallel_loop3A_231 = vector.broadcast %parallel_loop3A_230 : i32 to vector<16xi32>
      %parallel_loop3A_232 = arith.xori %iota3A, %parallel_loop3A_231 : vector<16xi32>
      %parallel_loop3A_233 = arith.constant 17 : i32
      %parallel_loop3A_234 = vector.broadcast %parallel_loop3A_233 : i32 to vector<16xi32>
      %parallel_loop3A_235 = arith.xori %iota3A, %parallel_loop3A_234 : vector<16xi32>
      %parallel_loop3A_236 = arith.constant 18 : i32
      %parallel_loop3A_237 = vector.broadcast %parallel_loop3A_236 : i32 to vector<16xi32>
      %parallel_loop3A_238 = arith.xori %iota3A, %parallel_loop3A_237 : vector<16xi32>
      %parallel_loop3A_239 = arith.constant 19 : i32
      %parallel_loop3A_240 = vector.broadcast %parallel_loop3A_239 : i32 to vector<16xi32>
      %parallel_loop3A_241 = arith.xori %iota3A, %parallel_loop3A_240 : vector<16xi32>
      %parallel_loop3A_242 = tpu.vector_load_idx %arg6[%parallel_loop3A_90, %parallel_loop3A_232] : memref<1024x32xf32, #tpu.memory_space<vmem>>[vector<16xi32>, vector<16xi32>], vector<16xf32>,
      %parallel_loop3A_243 = tpu.vector_load_idx %arg6[%parallel_loop3A_90, %parallel_loop3A_235] : memref<1024x32xf32, #tpu.memory_space<vmem>>[vector<16xi32>, vector<16xi32>], vector<16xf32>,
      %parallel_loop3A_244 = tpu.vector_load_idx %arg6[%parallel_loop3A_90, %parallel_loop3A_238] : memref<1024x32xf32, #tpu.memory_space<vmem>>[vector<16xi32>, vector<16xi32>], vector<16xf32>,
      %parallel_loop3A_245 = tpu.vector_load_idx %arg6[%parallel_loop3A_90, %parallel_loop3A_241] : memref<1024x32xf32, #tpu.memory_space<vmem>>[vector<16xi32>, vector<16xi32>], vector<16xf32>,
      %parallel_loop3A_246 = tpu.vector_load_idx %arg6[%parallel_loop3A_101, %parallel_loop3A_232] : memref<1024x32xf32, #tpu.memory_space<vmem>>[vector<16xi32>, vector<16xi32>], vector<16xf32>,
      %parallel_loop3A_247 = tpu.vector_load_idx %arg6[%parallel_loop3A_101, %parallel_loop3A_235] : memref<1024x32xf32, #tpu.memory_space<vmem>>[vector<16xi32>, vector<16xi32>], vector<16xf32>,
      %parallel_loop3A_248 = tpu.vector_load_idx %arg6[%parallel_loop3A_101, %parallel_loop3A_238] : memref<1024x32xf32, #tpu.memory_space<vmem>>[vector<16xi32>, vector<16xi32>], vector<16xf32>,
      %parallel_loop3A_249 = tpu.vector_load_idx %arg6[%parallel_loop3A_101, %parallel_loop3A_241] : memref<1024x32xf32, #tpu.memory_space<vmem>>[vector<16xi32>, vector<16xi32>], vector<16xf32>,
      %parallel_loop3A_250 = arith.mulf %parallel_loop3A_92, %parallel_loop3A_242 : vector<16xf32>
      %parallel_loop3A_251 = arith.mulf %parallel_loop3A_95, %parallel_loop3A_246 : vector<16xf32>
      %parallel_loop3A_252 = arith.addf %parallel_loop3A_250, %parallel_loop3A_251 : vector<16xf32>
      %parallel_loop3A_253 = arith.mulf %parallel_loop3A_92, %parallel_loop3A_243 : vector<16xf32>
      %parallel_loop3A_254 = arith.mulf %parallel_loop3A_95, %parallel_loop3A_247 : vector<16xf32>
      %parallel_loop3A_255 = arith.addf %parallel_loop3A_253, %parallel_loop3A_254 : vector<16xf32>
      %parallel_loop3A_256 = arith.mulf %parallel_loop3A_92, %parallel_loop3A_244 : vector<16xf32>
      %parallel_loop3A_257 = arith.mulf %parallel_loop3A_95, %parallel_loop3A_248 : vector<16xf32>
      %parallel_loop3A_258 = arith.addf %parallel_loop3A_256, %parallel_loop3A_257 : vector<16xf32>
      %parallel_loop3A_259 = arith.mulf %parallel_loop3A_92, %parallel_loop3A_245 : vector<16xf32>
      %parallel_loop3A_260 = arith.mulf %parallel_loop3A_95, %parallel_loop3A_249 : vector<16xf32>
      %parallel_loop3A_261 = arith.addf %parallel_loop3A_259, %parallel_loop3A_260 : vector<16xf32>
      tpu.vector_store_idx %arg8[%parallel_loop3A_74, %parallel_loop3A_232], %parallel_loop3A_252 : memref<1024x32xf32, #tpu.memory_space<vmem>>[vector<16xi32>, vector<16xi32>], vector<16xf32>,
      tpu.vector_store_idx %arg8[%parallel_loop3A_74, %parallel_loop3A_235], %parallel_loop3A_255 : memref<1024x32xf32, #tpu.memory_space<vmem>>[vector<16xi32>, vector<16xi32>], vector<16xf32>,
      tpu.vector_store_idx %arg8[%parallel_loop3A_74, %parallel_loop3A_238], %parallel_loop3A_258 : memref<1024x32xf32, #tpu.memory_space<vmem>>[vector<16xi32>, vector<16xi32>], vector<16xf32>,
      tpu.vector_store_idx %arg8[%parallel_loop3A_74, %parallel_loop3A_241], %parallel_loop3A_261 : memref<1024x32xf32, #tpu.memory_space<vmem>>[vector<16xi32>, vector<16xi32>], vector<16xf32>,
      %parallel_loop3A_262 = arith.constant 20 : i32
      %parallel_loop3A_263 = vector.broadcast %parallel_loop3A_262 : i32 to vector<16xi32>
      %parallel_loop3A_264 = arith.xori %iota3A, %parallel_loop3A_263 : vector<16xi32>
      %parallel_loop3A_265 = arith.constant 21 : i32
      %parallel_loop3A_266 = vector.broadcast %parallel_loop3A_265 : i32 to vector<16xi32>
      %parallel_loop3A_267 = arith.xori %iota3A, %parallel_loop3A_266 : vector<16xi32>
      %parallel_loop3A_268 = arith.constant 22 : i32
      %parallel_loop3A_269 = vector.broadcast %parallel_loop3A_268 : i32 to vector<16xi32>
      %parallel_loop3A_270 = arith.xori %iota3A, %parallel_loop3A_269 : vector<16xi32>
      %parallel_loop3A_271 = arith.constant 23 : i32
      %parallel_loop3A_272 = vector.broadcast %parallel_loop3A_271 : i32 to vector<16xi32>
      %parallel_loop3A_273 = arith.xori %iota3A, %parallel_loop3A_272 : vector<16xi32>
      %parallel_loop3A_274 = tpu.vector_load_idx %arg6[%parallel_loop3A_90, %parallel_loop3A_264] : memref<1024x32xf32, #tpu.memory_space<vmem>>[vector<16xi32>, vector<16xi32>], vector<16xf32>,
      %parallel_loop3A_275 = tpu.vector_load_idx %arg6[%parallel_loop3A_90, %parallel_loop3A_267] : memref<1024x32xf32, #tpu.memory_space<vmem>>[vector<16xi32>, vector<16xi32>], vector<16xf32>,
      %parallel_loop3A_276 = tpu.vector_load_idx %arg6[%parallel_loop3A_90, %parallel_loop3A_270] : memref<1024x32xf32, #tpu.memory_space<vmem>>[vector<16xi32>, vector<16xi32>], vector<16xf32>,
      %parallel_loop3A_277 = tpu.vector_load_idx %arg6[%parallel_loop3A_90, %parallel_loop3A_273] : memref<1024x32xf32, #tpu.memory_space<vmem>>[vector<16xi32>, vector<16xi32>], vector<16xf32>,
      %parallel_loop3A_278 = tpu.vector_load_idx %arg6[%parallel_loop3A_101, %parallel_loop3A_264] : memref<1024x32xf32, #tpu.memory_space<vmem>>[vector<16xi32>, vector<16xi32>], vector<16xf32>,
      %parallel_loop3A_279 = tpu.vector_load_idx %arg6[%parallel_loop3A_101, %parallel_loop3A_267] : memref<1024x32xf32, #tpu.memory_space<vmem>>[vector<16xi32>, vector<16xi32>], vector<16xf32>,
      %parallel_loop3A_280 = tpu.vector_load_idx %arg6[%parallel_loop3A_101, %parallel_loop3A_270] : memref<1024x32xf32, #tpu.memory_space<vmem>>[vector<16xi32>, vector<16xi32>], vector<16xf32>,
      %parallel_loop3A_281 = tpu.vector_load_idx %arg6[%parallel_loop3A_101, %parallel_loop3A_273] : memref<1024x32xf32, #tpu.memory_space<vmem>>[vector<16xi32>, vector<16xi32>], vector<16xf32>,
      %parallel_loop3A_282 = arith.mulf %parallel_loop3A_92, %parallel_loop3A_274 : vector<16xf32>
      %parallel_loop3A_283 = arith.mulf %parallel_loop3A_95, %parallel_loop3A_278 : vector<16xf32>
      %parallel_loop3A_284 = arith.addf %parallel_loop3A_282, %parallel_loop3A_283 : vector<16xf32>
      %parallel_loop3A_285 = arith.mulf %parallel_loop3A_92, %parallel_loop3A_275 : vector<16xf32>
      %parallel_loop3A_286 = arith.mulf %parallel_loop3A_95, %parallel_loop3A_279 : vector<16xf32>
      %parallel_loop3A_287 = arith.addf %parallel_loop3A_285, %parallel_loop3A_286 : vector<16xf32>
      %parallel_loop3A_288 = arith.mulf %parallel_loop3A_92, %parallel_loop3A_276 : vector<16xf32>
      %parallel_loop3A_289 = arith.mulf %parallel_loop3A_95, %parallel_loop3A_280 : vector<16xf32>
      %parallel_loop3A_290 = arith.addf %parallel_loop3A_288, %parallel_loop3A_289 : vector<16xf32>
      %parallel_loop3A_291 = arith.mulf %parallel_loop3A_92, %parallel_loop3A_277 : vector<16xf32>
      %parallel_loop3A_292 = arith.mulf %parallel_loop3A_95, %parallel_loop3A_281 : vector<16xf32>
      %parallel_loop3A_293 = arith.addf %parallel_loop3A_291, %parallel_loop3A_292 : vector<16xf32>
      tpu.vector_store_idx %arg8[%parallel_loop3A_74, %parallel_loop3A_264], %parallel_loop3A_284 : memref<1024x32xf32, #tpu.memory_space<vmem>>[vector<16xi32>, vector<16xi32>], vector<16xf32>,
      tpu.vector_store_idx %arg8[%parallel_loop3A_74, %parallel_loop3A_267], %parallel_loop3A_287 : memref<1024x32xf32, #tpu.memory_space<vmem>>[vector<16xi32>, vector<16xi32>], vector<16xf32>,
      tpu.vector_store_idx %arg8[%parallel_loop3A_74, %parallel_loop3A_270], %parallel_loop3A_290 : memref<1024x32xf32, #tpu.memory_space<vmem>>[vector<16xi32>, vector<16xi32>], vector<16xf32>,
      tpu.vector_store_idx %arg8[%parallel_loop3A_74, %parallel_loop3A_273], %parallel_loop3A_293 : memref<1024x32xf32, #tpu.memory_space<vmem>>[vector<16xi32>, vector<16xi32>], vector<16xf32>,
      %parallel_loop3A_294 = arith.constant 24 : i32
      %parallel_loop3A_295 = vector.broadcast %parallel_loop3A_294 : i32 to vector<16xi32>
      %parallel_loop3A_296 = arith.xori %iota3A, %parallel_loop3A_295 : vector<16xi32>
      %parallel_loop3A_297 = arith.constant 25 : i32
      %parallel_loop3A_298 = vector.broadcast %parallel_loop3A_297 : i32 to vector<16xi32>
      %parallel_loop3A_299 = arith.xori %iota3A, %parallel_loop3A_298 : vector<16xi32>
      %parallel_loop3A_300 = arith.constant 26 : i32
      %parallel_loop3A_301 = vector.broadcast %parallel_loop3A_300 : i32 to vector<16xi32>
      %parallel_loop3A_302 = arith.xori %iota3A, %parallel_loop3A_301 : vector<16xi32>
      %parallel_loop3A_303 = arith.constant 27 : i32
      %parallel_loop3A_304 = vector.broadcast %parallel_loop3A_303 : i32 to vector<16xi32>
      %parallel_loop3A_305 = arith.xori %iota3A, %parallel_loop3A_304 : vector<16xi32>
      %parallel_loop3A_306 = tpu.vector_load_idx %arg6[%parallel_loop3A_90, %parallel_loop3A_296] : memref<1024x32xf32, #tpu.memory_space<vmem>>[vector<16xi32>, vector<16xi32>], vector<16xf32>,
      %parallel_loop3A_307 = tpu.vector_load_idx %arg6[%parallel_loop3A_90, %parallel_loop3A_299] : memref<1024x32xf32, #tpu.memory_space<vmem>>[vector<16xi32>, vector<16xi32>], vector<16xf32>,
      %parallel_loop3A_308 = tpu.vector_load_idx %arg6[%parallel_loop3A_90, %parallel_loop3A_302] : memref<1024x32xf32, #tpu.memory_space<vmem>>[vector<16xi32>, vector<16xi32>], vector<16xf32>,
      %parallel_loop3A_309 = tpu.vector_load_idx %arg6[%parallel_loop3A_90, %parallel_loop3A_305] : memref<1024x32xf32, #tpu.memory_space<vmem>>[vector<16xi32>, vector<16xi32>], vector<16xf32>,
      %parallel_loop3A_310 = tpu.vector_load_idx %arg6[%parallel_loop3A_101, %parallel_loop3A_296] : memref<1024x32xf32, #tpu.memory_space<vmem>>[vector<16xi32>, vector<16xi32>], vector<16xf32>,
      %parallel_loop3A_311 = tpu.vector_load_idx %arg6[%parallel_loop3A_101, %parallel_loop3A_299] : memref<1024x32xf32, #tpu.memory_space<vmem>>[vector<16xi32>, vector<16xi32>], vector<16xf32>,
      %parallel_loop3A_312 = tpu.vector_load_idx %arg6[%parallel_loop3A_101, %parallel_loop3A_302] : memref<1024x32xf32, #tpu.memory_space<vmem>>[vector<16xi32>, vector<16xi32>], vector<16xf32>,
      %parallel_loop3A_313 = tpu.vector_load_idx %arg6[%parallel_loop3A_101, %parallel_loop3A_305] : memref<1024x32xf32, #tpu.memory_space<vmem>>[vector<16xi32>, vector<16xi32>], vector<16xf32>,
      %parallel_loop3A_314 = arith.mulf %parallel_loop3A_92, %parallel_loop3A_306 : vector<16xf32>
      %parallel_loop3A_315 = arith.mulf %parallel_loop3A_95, %parallel_loop3A_310 : vector<16xf32>
      %parallel_loop3A_316 = arith.addf %parallel_loop3A_314, %parallel_loop3A_315 : vector<16xf32>
      %parallel_loop3A_317 = arith.mulf %parallel_loop3A_92, %parallel_loop3A_307 : vector<16xf32>
      %parallel_loop3A_318 = arith.mulf %parallel_loop3A_95, %parallel_loop3A_311 : vector<16xf32>
      %parallel_loop3A_319 = arith.addf %parallel_loop3A_317, %parallel_loop3A_318 : vector<16xf32>
      %parallel_loop3A_320 = arith.mulf %parallel_loop3A_92, %parallel_loop3A_308 : vector<16xf32>
      %parallel_loop3A_321 = arith.mulf %parallel_loop3A_95, %parallel_loop3A_312 : vector<16xf32>
      %parallel_loop3A_322 = arith.addf %parallel_loop3A_320, %parallel_loop3A_321 : vector<16xf32>
      %parallel_loop3A_323 = arith.mulf %parallel_loop3A_92, %parallel_loop3A_309 : vector<16xf32>
      %parallel_loop3A_324 = arith.mulf %parallel_loop3A_95, %parallel_loop3A_313 : vector<16xf32>
      %parallel_loop3A_325 = arith.addf %parallel_loop3A_323, %parallel_loop3A_324 : vector<16xf32>
      tpu.vector_store_idx %arg8[%parallel_loop3A_74, %parallel_loop3A_296], %parallel_loop3A_316 : memref<1024x32xf32, #tpu.memory_space<vmem>>[vector<16xi32>, vector<16xi32>], vector<16xf32>,
      tpu.vector_store_idx %arg8[%parallel_loop3A_74, %parallel_loop3A_299], %parallel_loop3A_319 : memref<1024x32xf32, #tpu.memory_space<vmem>>[vector<16xi32>, vector<16xi32>], vector<16xf32>,
      tpu.vector_store_idx %arg8[%parallel_loop3A_74, %parallel_loop3A_302], %parallel_loop3A_322 : memref<1024x32xf32, #tpu.memory_space<vmem>>[vector<16xi32>, vector<16xi32>], vector<16xf32>,
      tpu.vector_store_idx %arg8[%parallel_loop3A_74, %parallel_loop3A_305], %parallel_loop3A_325 : memref<1024x32xf32, #tpu.memory_space<vmem>>[vector<16xi32>, vector<16xi32>], vector<16xf32>,
      %parallel_loop3A_326 = arith.constant 28 : i32
      %parallel_loop3A_327 = vector.broadcast %parallel_loop3A_326 : i32 to vector<16xi32>
      %parallel_loop3A_328 = arith.xori %iota3A, %parallel_loop3A_327 : vector<16xi32>
      %parallel_loop3A_329 = arith.constant 29 : i32
      %parallel_loop3A_330 = vector.broadcast %parallel_loop3A_329 : i32 to vector<16xi32>
      %parallel_loop3A_331 = arith.xori %iota3A, %parallel_loop3A_330 : vector<16xi32>
      %parallel_loop3A_332 = arith.constant 30 : i32
      %parallel_loop3A_333 = vector.broadcast %parallel_loop3A_332 : i32 to vector<16xi32>
      %parallel_loop3A_334 = arith.xori %iota3A, %parallel_loop3A_333 : vector<16xi32>
      %parallel_loop3A_335 = arith.constant 31 : i32
      %parallel_loop3A_336 = vector.broadcast %parallel_loop3A_335 : i32 to vector<16xi32>
      %parallel_loop3A_337 = arith.xori %iota3A, %parallel_loop3A_336 : vector<16xi32>
      %parallel_loop3A_338 = tpu.vector_load_idx %arg6[%parallel_loop3A_90, %parallel_loop3A_328] : memref<1024x32xf32, #tpu.memory_space<vmem>>[vector<16xi32>, vector<16xi32>], vector<16xf32>,
      %parallel_loop3A_339 = tpu.vector_load_idx %arg6[%parallel_loop3A_90, %parallel_loop3A_331] : memref<1024x32xf32, #tpu.memory_space<vmem>>[vector<16xi32>, vector<16xi32>], vector<16xf32>,
      %parallel_loop3A_340 = tpu.vector_load_idx %arg6[%parallel_loop3A_90, %parallel_loop3A_334] : memref<1024x32xf32, #tpu.memory_space<vmem>>[vector<16xi32>, vector<16xi32>], vector<16xf32>,
      %parallel_loop3A_341 = tpu.vector_load_idx %arg6[%parallel_loop3A_90, %parallel_loop3A_337] : memref<1024x32xf32, #tpu.memory_space<vmem>>[vector<16xi32>, vector<16xi32>], vector<16xf32>,
      %parallel_loop3A_342 = tpu.vector_load_idx %arg6[%parallel_loop3A_101, %parallel_loop3A_328] : memref<1024x32xf32, #tpu.memory_space<vmem>>[vector<16xi32>, vector<16xi32>], vector<16xf32>,
      %parallel_loop3A_343 = tpu.vector_load_idx %arg6[%parallel_loop3A_101, %parallel_loop3A_331] : memref<1024x32xf32, #tpu.memory_space<vmem>>[vector<16xi32>, vector<16xi32>], vector<16xf32>,
      %parallel_loop3A_344 = tpu.vector_load_idx %arg6[%parallel_loop3A_101, %parallel_loop3A_334] : memref<1024x32xf32, #tpu.memory_space<vmem>>[vector<16xi32>, vector<16xi32>], vector<16xf32>,
      %parallel_loop3A_345 = tpu.vector_load_idx %arg6[%parallel_loop3A_101, %parallel_loop3A_337] : memref<1024x32xf32, #tpu.memory_space<vmem>>[vector<16xi32>, vector<16xi32>], vector<16xf32>,
      %parallel_loop3A_346 = arith.mulf %parallel_loop3A_92, %parallel_loop3A_338 : vector<16xf32>
      %parallel_loop3A_347 = arith.mulf %parallel_loop3A_95, %parallel_loop3A_342 : vector<16xf32>
      %parallel_loop3A_348 = arith.addf %parallel_loop3A_346, %parallel_loop3A_347 : vector<16xf32>
      %parallel_loop3A_349 = arith.mulf %parallel_loop3A_92, %parallel_loop3A_339 : vector<16xf32>
      %parallel_loop3A_350 = arith.mulf %parallel_loop3A_95, %parallel_loop3A_343 : vector<16xf32>
      %parallel_loop3A_351 = arith.addf %parallel_loop3A_349, %parallel_loop3A_350 : vector<16xf32>
      %parallel_loop3A_352 = arith.mulf %parallel_loop3A_92, %parallel_loop3A_340 : vector<16xf32>
      %parallel_loop3A_353 = arith.mulf %parallel_loop3A_95, %parallel_loop3A_344 : vector<16xf32>
      %parallel_loop3A_354 = arith.addf %parallel_loop3A_352, %parallel_loop3A_353 : vector<16xf32>
      %parallel_loop3A_355 = arith.mulf %parallel_loop3A_92, %parallel_loop3A_341 : vector<16xf32>
      %parallel_loop3A_356 = arith.mulf %parallel_loop3A_95, %parallel_loop3A_345 : vector<16xf32>
      %parallel_loop3A_357 = arith.addf %parallel_loop3A_355, %parallel_loop3A_356 : vector<16xf32>
      tpu.vector_store_idx %arg8[%parallel_loop3A_74, %parallel_loop3A_328], %parallel_loop3A_348 : memref<1024x32xf32, #tpu.memory_space<vmem>>[vector<16xi32>, vector<16xi32>], vector<16xf32>,
      tpu.vector_store_idx %arg8[%parallel_loop3A_74, %parallel_loop3A_331], %parallel_loop3A_351 : memref<1024x32xf32, #tpu.memory_space<vmem>>[vector<16xi32>, vector<16xi32>], vector<16xf32>,
      tpu.vector_store_idx %arg8[%parallel_loop3A_74, %parallel_loop3A_334], %parallel_loop3A_354 : memref<1024x32xf32, #tpu.memory_space<vmem>>[vector<16xi32>, vector<16xi32>], vector<16xf32>,
      tpu.vector_store_idx %arg8[%parallel_loop3A_74, %parallel_loop3A_337], %parallel_loop3A_357 : memref<1024x32xf32, #tpu.memory_space<vmem>>[vector<16xi32>, vector<16xi32>], vector<16xf32>,
    } {sc.loop_unroll_factor = 4 : i64, sc.parallel_access}
    %add3A_60 = arith.constant 1024 : i32
    %add3A_61 = arith.addi %mul3A_32, %add3A_60 : i32
    %mul3A_62 = arith.constant 32 : i32
    %mul3A_63 = arith.muli %select_n3A_9, %mul3A_62 : i32
    %dma_start3A_64 = tpu.memref_slice %arg4[%add3A_61, %mul3A_63] : memref<16384x128xf32, #tpu.memory_space<hbm>> -> memref<1024x32xf32, #tpu.memory_space<hbm>>
    %dma_start3A_65 = tpu.memref_slice %arg4[%add3A_61, %mul3A_63] : memref<16384x128xf32, #tpu.memory_space<hbm>> -> memref<1024x32xf32, #tpu.memory_space<hbm>>
    tpu.enqueue_dma source(%arg8 : memref<1024x32xf32, #tpu.memory_space<vmem>>) target(%dma_start3A_65 : memref<1024x32xf32, #tpu.memory_space<hbm>>) target_semaphore(%arg12 : memref<!tpu.dma_semaphore, #tpu.memory_space<semaphore_mem>>)
    %dma_wait3A_66 = tpu.memref_slice %arg4[%add3A_52, %mul3A_54] : memref<16384x128xf32, #tpu.memory_space<hbm>> -> memref<1024x32xf32, #tpu.memory_space<hbm>>
    %dma_wait3A_67 = tpu.memref_slice %arg4[%add3A_52, %mul3A_54] : memref<16384x128xf32, #tpu.memory_space<hbm>> -> memref<1024x32xf32, #tpu.memory_space<hbm>>
    tpu.wait_dma2 semaphore(%arg11 : memref<!tpu.dma_semaphore, #tpu.memory_space<semaphore_mem>>) src(%arg7 : memref<1024x32xf32, #tpu.memory_space<vmem>>) dst(%dma_wait3A_67 : memref<1024x32xf32, #tpu.memory_space<hbm>>)
    %dma_wait3A_68 = tpu.memref_slice %arg4[%add3A_61, %mul3A_63] : memref<16384x128xf32, #tpu.memory_space<hbm>> -> memref<1024x32xf32, #tpu.memory_space<hbm>>
    %dma_wait3A_69 = tpu.memref_slice %arg4[%add3A_61, %mul3A_63] : memref<16384x128xf32, #tpu.memory_space<hbm>> -> memref<1024x32xf32, #tpu.memory_space<hbm>>
    tpu.wait_dma2 semaphore(%arg12 : memref<!tpu.dma_semaphore, #tpu.memory_space<semaphore_mem>>) src(%arg8 : memref<1024x32xf32, #tpu.memory_space<vmem>>) dst(%dma_wait3A_69 : memref<1024x32xf32, #tpu.memory_space<hbm>>)
    return
  }
}

</mosaic_0001>

<sc_bundles>
// kernel: kernel.3.cloned.1.call-start
scs
__scs_entry_jumppad:
0x0: {  	(pc) =	sbr.rel $0x88, $3  }
0x1: {  	(tag) =	ssettag $0x0;
	lr =	simm.s32 $0x1  }
0x2: {  	[smem:$0x3F9F] =	sst lr;
	_ =	strace $0xD0000000  }
0x3: {  	_ = 	snop  }
0x4: {  	_ = 	snop  }
0x5: {  	_ = 	snop  }
0x6: {  	_ = 	snop  }
0x7: {  	_ = 	snop  }
__scs_overlays_trampoline_lowered:
0x8: {  	[smem:$0x3FAE] =	sst s0  }
0x9: {  	[smem:$0x3FAF] =	sst s1  }
0xa: {  	[smem:$0x3FB0] =	sst s2  }
0xb: {  	[smem:$0x3FB1] =	sst s3  }
0xc: {  	[smem:$0x3FB2] =	sst s4  }
0xd: {  	[smem:$0x3FB3] =	sst s5  }
0xe: {  	[smem:$0x3FB4] =	sst s6  }
0xf: {  	[smem:$0x3FB5] =	sst s7  }
0x10: {  	[smem:$0x3FB6] =	sst s8  }
0x11: {  	[smem:$0x3FB7] =	sst s9;
	s0 =	simm.s32 @!p0 $0x0  }
0x12: {  	s1 =	sld [smem:$0x3F9D];
	s0 =	simm.s32 @p0 $0x1  }
0x13: {  	[smem:$0x3FB8] =	sst s0;
	s0 =	simm.s32 @!p1 $0x0  }
0x14: {  	s2 =	sld [smem:$0x3F9C];
	s0 =	simm.s32 @p1 $0x1  }
0x15: {  	[smem:$0x3FB9] =	sst s0;
	s0 =	simm.s32 @!p2 $0x0  }
0x16: {  	s3 =	sld [smem:$0x3FDB];
	s0 =	simm.s32 @p2 $0x1  }
0x17: {  	s4 =	simm.s32 $0x1BF5;
	[smem:$0x3FBB] =	sst s0  }
0x18: {  	s0 =	sld [smem:$0x3F9E];
	_ =	swait.ge [sflag:s4], $0x0  }
0x19: {  	s7 =	sld [smem:$0x3F9F]  }
0x1a: {  	s8 =	sadd.s32 $0xFFFFE003, lr  }
0x1b: {  	s9 =	sadd.s32 $0xFFFFFEF7, lr;
	s5 =	simm.s32 $0xFFFFFFFF;
	p2 =	slt.u32 s8, $0xFFFFF086  }
0x1c: {  	p1 =	slt.u32 s9, $0xF7A;
	s5 =	simm.s32 @!p2 $0x0  }
0x1d: {  	s5 =	simm.s32 @p1 $0x1;
	p0 =	seq.s32 s7, s2  }
0x1e: {  	s7 =	smul.u32 @!p0 $0xF7A, s2;
	p2 =	seq.s32 @!p0 s5, $0x0  }
0x1f: {  	s9 =	smul.u32 $0xF7A, s1;
	s8 =	simm.s32 @!p0 $0x1BF5;
	p2 =	por !p2, p0  }
0x20: {  	[sflag:s8] =	ssyncset.s32 @!p0 $0xFFFFF086;
	s6 =	sadd.s32 @!p0 s3, s7;
	s7 =	simm.s32 @!p0 $0x108  }
0x21: {  	s3 =	sadd.s32 s3, s9;
	s6 =	sadd.s32 @!p0 $0x88, s6;
	s7 =	simm.s32 @p2 $0x1082  }
0x22: {  	[simem:s7], [sflag:s8] =	dma.local @!p0 [hbm:s6], $0xF7A  }
0x23: {  	s9 =	sor.u32 $0xD0000000, s2;
	s6 =	simm.s32 $0x108;
	_ =	swait.ge @!p0 [sflag:s8], $0x0  }
0x24: {  	s3 =	sadd.s32 $0x88, s3;
	s6 =	simm.s32 @!p1 $0x1082;
	[sflag:s4] =	ssyncset.s32 $0xFFFFF086  }
0x25: {  	[simem:s6], [sflag:s4] =	dma.local [hbm:s3], $0xF7A  }
0x26: {  	[smem:$0x3F9F] =	sst s1;
	(tag) =	ssettag s2;
	_ =	strace s9  }
0x27: {  	s1 =	sld [smem:$0x3FAF]  }
0x28: {  	s2 =	sld [smem:$0x3FB0]  }
0x29: {  	s4 =	sld [smem:$0x3FB2]  }
0x2a: {  	p0 =	seq.s32 s5, $0x0;
	s5 =	sld [smem:$0x3FB3]  }
0x2b: {  	s6 =	sld [smem:$0x3FB4]  }
0x2c: {  	s7 =	sld [smem:$0x3FB5]  }
0x2d: {  	s3 =	simm.s32 $0x108;
	s8 =	sld [smem:$0x3FB6]  }
0x2e: {  	s3 =	simm.s32 @!p0 $0x1082;
	s9 =	sld [smem:$0x3FB7]  }
0x2f: {  	lr =	sadd.s32 s0, s3;
	s0 =	sld [smem:$0x3FAE]  }
0x30: {  	s3 =	sld [smem:$0x3FB1]  }
0x31: {  	[smem:$0x3FBA] =	sst s10  }
0x32: {  	s10 =	sld [smem:$0x3FB8];
	_ =	sdelay $0x3  }
0x33: {  	p0 =	seq.s32 s10, $0x1;
	s10 =	sld [smem:$0x3FBA];
	_ =	sdelay $0x3  }
0x34: {  	[smem:$0x3FBA] =	sst s10  }
0x35: {  	s10 =	sld [smem:$0x3FB9];
	_ =	sdelay $0x3  }
0x36: {  	p1 =	seq.s32 s10, $0x1;
	s10 =	sld [smem:$0x3FBA];
	_ =	sdelay $0x3  }
0x37: {  	[smem:$0x3FBA] =	sst s10  }
0x38: {  	s10 =	sld [smem:$0x3FBB]  }
0x39: {  	_ = 	snop;
	(pc) =	sbr.ind lr, $3  }
0x3a: {  	_ = 	snop  }
0x3b: {  	_ = 	snop  }
0x3c: {  	p2 =	seq.s32 s10, $0x1;
	s10 =	sld [smem:$0x3FBA]  }
0x3d: {  	_ =	shalt  }
0x3e: {  	_ =	shalt  }
0x3f: {  	_ =	shalt  }
0x40: {  	_ =	shalt  }
0x41: {  	_ =	shalt  }
0x42: {  	_ =	shalt  }
0x43: {  	_ =	shalt  }
0x44: {  	_ =	shalt  }
0x45: {  	_ =	shalt  }
0x46: {  	_ =	shalt  }
0x47: {  	_ =	shalt  }
0x48: {  	_ =	shalt  }
0x49: {  	_ =	shalt  }
0x4a: {  	_ =	shalt  }
0x4b: {  	_ =	shalt  }
0x4c: {  	_ =	shalt  }
0x4d: {  	_ =	shalt  }
0x4e: {  	_ =	shalt  }
0x4f: {  	_ =	shalt  }
0x50: {  	_ =	shalt  }
0x51: {  	_ =	shalt  }
0x52: {  	_ =	shalt  }
0x53: {  	_ =	shalt  }
0x54: {  	_ =	shalt  }
0x55: {  	_ =	shalt  }
0x56: {  	_ =	shalt  }
0x57: {  	_ =	shalt  }
0x58: {  	_ =	shalt  }
0x59: {  	_ =	shalt  }
0x5a: {  	_ =	shalt  }
0x5b: {  	_ =	shalt  }
0x5c: {  	_ =	shalt  }
0x5d: {  	_ =	shalt  }
0x5e: {  	_ =	shalt  }
0x5f: {  	_ =	shalt  }
0x60: {  	_ =	shalt  }
0x61: {  	_ =	shalt  }
0x62: {  	_ =	shalt  }
0x63: {  	_ =	shalt  }
0x64: {  	_ =	shalt  }
0x65: {  	_ =	shalt  }
0x66: {  	_ =	shalt  }
0x67: {  	_ =	shalt  }
0x68: {  	_ =	shalt  }
0x69: {  	_ =	shalt  }
0x6a: {  	_ =	shalt  }
0x6b: {  	_ =	shalt  }
0x6c: {  	_ =	shalt  }
0x6d: {  	_ =	shalt  }
0x6e: {  	_ =	shalt  }
0x6f: {  	_ =	shalt  }
0x70: {  	_ =	shalt  }
0x71: {  	_ =	shalt  }
0x72: {  	_ =	shalt  }
0x73: {  	_ =	shalt  }
0x74: {  	_ =	shalt  }
0x75: {  	_ =	shalt  }
0x76: {  	_ =	shalt  }
0x77: {  	_ =	shalt  }
0x78: {  	_ =	shalt  }
0x79: {  	_ =	shalt  }
0x7a: {  	_ =	shalt  }
0x7b: {  	_ =	shalt  }
0x7c: {  	_ =	shalt  }
0x7d: {  	_ =	shalt  }
0x7e: {  	_ =	shalt  }
0x7f: {  	_ =	shalt  }
0x80: {  	_ =	shalt  }
0x81: {  	_ =	shalt  }
0x82: {  	_ =	shalt  }
0x83: {  	_ =	shalt  }
0x84: {  	_ =	shalt  }
0x85: {  	_ =	shalt  }
0x86: {  	_ =	shalt  }
0x87: {  	_ =	shalt  }
.Lfunc_end0:
.L_simem_size_0:
called_computation_lowered:
.L_overlay_start_0:
0x88: {  	s2 =	sld [smem:$0x3FD9]  }
0x89: {  	s3 =	sld [smem:$0x3FFE];
	_ =	sdelay $0x1  }
0x8a: {  	s1 =	srdreg.scid  }
0x8b: {  	s0 =	sand.u32 $0x1, s1  }
0x8c: {  	s17 =	sshll.u32 s0, $0xA;
	s2 =	sadd.s32 s3, s2  }
0x8d: {  	s2 =	sadd.s32 s2, s17  }
0x8e: {  	[smem:$0x3FC6] =	sst s2  }
0x8f: {  	_ = 	snop  }
0x90: {  	s2 =	sld [smem:$0x3FD0];
	(tm) =	ssettm $0x1  }
0x91: {  	s18 =	sld [smem:$0x3FFB];
	_ =	sdelay $0x3  }
0x92: {  	_ =	strace s18  }
0x93: {  	s3 =	sld [smem:$0x3FFC];
	_ =	sdelay $0x3  }
0x94: {  	_ =	strace s3  }
0x95: {  	s3 =	sld [smem:$0x3FFD];
	_ =	sdelay $0x3  }
0x96: {  	_ =	strace s3  }
0x97: {  	_ =	strace $0x8FFFFFFF  }
0x98: {  	s19 =	sld [smem:$0x3FDB];
	_ =	sdelay $0x1  }
0x99: {  	s4 =	simm.s32 $_scs_section_size  }
0x9a: {  	s5 =	simm.s32 $_size__tile_overlayer_lowered;
	s6 =	simm.s32 $_tile_overlayer_lowered  }
0x9b: {  	s22 =	simm.s32 $0x1BFF;
	s21 =	sshll.u32 s6, $0x1;
	s3 =	sadd.s32 s4, s19  }
0x9c: {  	s7 =	simm.s32 $0x0;
	s20 =	sshll.u32 s5, $0x1;
	s5 =	sadd.s32 s21, s3  }
0x9d: {  	[timem:s7], [sflag:s22] =	dma.local [hbm:s5], s20  }
0x9e: {  	_ =	swait.ge [sflag:s22], s20  }
0x9f: {  	s4 =	ssub.s32 $0x0, s20;
	[sflag:s22] =	ssyncset.done $0x0  }
0xa0: {  	[sflag:s22] =	ssyncadd.s32 s4;
	_ =	sdelay $0x1  }
0xa1: {  	s23 =	simm.s32 $0x1B8B  }
0xa2: {  	_ =	swait.ge [sflag:s23], $0x1  }
0xa3: {  	[sflag:s23] =	ssyncset.done $0x0  }
0xa4: {  	s25 =	simm.s32 $0x1B8E;
	s24 =	sld [smem:$0x3FFE];
	[sflag:s23] =	ssyncadd.s32 $0xFFFFFFFF  }
0xa5: {  	s26 =	simm.s32 $execute0_lowered;
	[smem:$0x3FD2] =	sst s25  }
0xa6: {  	s5 =	sshll.u32 s26, $0x1;
	_ =	strace $0x80000046;
	[dreg:$0x1] =	wrdreg $0xFFFFFFFF  }
0xa7: {  	s28 =	simm.s32 $_size_execute0_lowered;
	s3 =	sadd.s32 s3, s5;
	[dreg:$0x0] =	wrdreg $0x0  }
0xa8: {  	s5 =	sshll.u32 s28, $0x1;
	[dreg:$0x2] =	wrdreg s3  }
0xa9: {  	[dreg:$0x3] =	wrdreg s5  }
0xaa: {  	[dreg:$0x4] =	wrdreg $0xC0  }
0xab: {  	_ =	task [dreg:s7], $0x5FFFF  }
0xac: {  	[dreg:$0x1] =	wrdreg $0xFFFFFFFF  }
0xad: {  	[dreg:$0x0] =	wrdreg $0x60  }
0xae: {  	[dreg:$0x2] =	wrdreg s24  }
0xaf: {  	[dreg:$0x3] =	wrdreg s2  }
0xb0: {  	[dreg:$0x4] =	wrdreg $0x9  }
0xb1: {  	_ =	task.clear_ibuf [dreg:s7], $0x5FFFF;
	_ =	strace $0x90000046  }
0xb2: {  	s29 =	simm.s32 $0x9;
	_ =	strace $0x80000048  }
0xb3: {  	_ =	swait.ge [sflag:s29], $0x1  }
0xb4: {  	[sflag:s29] =	ssyncadd.s32 $0xFFFFFFFF  }
0xb5: {  	_ =	strace $0x90000048  }
0xb6: {  	_ =	sfence  }
0xb7: {  	s30 =	sld [smem:$0x0];
	_ =	sdelay $0x2  }
0xb8: {  	s31 =	sshll.u32 s1, $0xD;
	s1 =	sshrl.u32 s1, $0x2  }
0xb9: {  	s3 =	sand.u32 $0x4000, s31;
	s1 =	sadd.s32 s1, s30  }
0xba: {  	s0 =	sor.u32 s3, s0;
	s1 =	sshll.u32 s1, $0x11  }
0xbb: {  	s0 =	sor.u32 s1, s0  }
0xbc: {  	s0 =	sadd.s32 $0x8F2B, s0  }
0xbd: {  	[sflag:s0] =	ssyncadd.remote.s32 $0x1  }
0xbe: {  	_ =	sfence.sel $0xFFFF  }
0xbf: {  	[dreg:$0x0] =	wrdreg $0xFFFFFFFF;
	(pc) =	sbr.abs _section_cstart, $3  }
0xc0: {  	[dreg:$0x1] =	wrdreg $0xFFFFFFFF  }
0xc1: {  	_ =	task.clear_ibuf [dreg:s7], $0x2FFFF;
	_ =	strace $0x9FFFFFFF  }
0xc2: {  	(tm) =	ssettm $0x7FFFFFFF  }
0xc3: {  	_ =	shalt  }
tec
execute0_lowered:
.L_overlay_start_1:
0x0: {  	(tag) =	ssettag $0x1  }
0x1: {  	v43 =	vlaneseq.u32;
	v1 =	vimm.s32 $0xEFCDAB89;
	v37 =	vimm.s32 $0x67452301  }
0x2: {  	v3 =	vimm.s32 $0xDCFE98BA;
	v5 =	vimm.s32 $0x54761032;
	v39 =	vimm.s32 $0xCDEF89AB  }
0x3: {  	v41 =	vimm.s32 $0x45670123;
	v42 =	vimm.s32 $0xBA98FEDC;
	v44 =	vimm.s32 $0x32107654  }
0x4: {  	v48 =	vimm.s32 $0xAB89EFCD;
	v51 =	vimm.s32 $0x23016745;
	v52 =	vimm.s32 $0x98BADCFE  }
0x5: {  	v17 =	vimm.s32 $0x10325476;
	v55 =	vimm.s32 $0x89ABCDEF;
	v56 =	vimm.s32 $0x1234567  }
0x6: {  	v20 =	vimm.s32 $0xFEDCBA98;
	v21 =	vimm.s32 $0x76543210;
	vm0 =	vcmask $0x1F10  }
0x7: {  	v26 =	vimm.s32 $0x15141716;
	v2 =	vunpack.c.l.s4.s8 v1;
	v4 =	vunpack.c.l.s4.s8 v37  }
0x8: {  	v3 =	vunpack.c.l.s4.s8 v3;
	v0 =	vmul.u32 $0x20, v43;
	v38 =	vunpack.c.l.s4.s8 v5  }
0x9: {  	v40 =	vunpack.c.l.s4.s8 v39;
	v5 =	vunpack.c.l.s4.s8 v44;
	v50 =	vunpack.c.l.s4.s8 v48  }
0xa: {  	v16 =	vunpack.c.l.s4.s8 v51;
	v18 =	vunpack.c.l.s4.s8 v52;
	v17 =	vunpack.c.l.s4.s8 v17  }
0xb: {  	v20 =	vunpack.c.l.s4.s8 v20;
	v21 =	vunpack.c.l.s4.s8 v21;
	v36 =	vmul.u32 $0xFFFFFFFF, v43  }
0xc: {  	v8 =	vunpack.c.0.s8.s32 v2;
	v9 =	vunpack.c.0.s8.s32 v4;
	v10 =	vunpack.c.0.s8.s32 v3  }
0xd: {  	v11 =	vunpack.c.0.s8.s32 v38;
	v3 =	vunpack.c.l.s4.s8 v41;
	v4 =	vunpack.c.l.s4.s8 v42  }
0xe: {  	v12 =	vunpack.c.0.s8.s32 v40;
	v15 =	vunpack.c.0.s8.s32 v5;
	v19 =	vunpack.c.0.s8.s32 v50  }
0xf: {  	v16 =	vunpack.c.0.s8.s32 v16;
	v18 =	vunpack.c.0.s8.s32 v18;
	v17 =	vunpack.c.0.s8.s32 v17  }
0x10: {  	v20 =	vunpack.c.0.s8.s32 v20;
	v21 =	vunpack.c.0.s8.s32 v21;
	v42 =	vimm.s32 $0x11101312  }
0x11: {  	v6 =	vcombine.low v9, v8;
	v7 =	vcombine.low v11, v10;
	v13 =	vunpack.c.0.s8.s32 v3  }
0x12: {  	v14 =	vunpack.c.0.s8.s32 v4;
	v22 =	vcombine.low v16, v19;
	v20 =	vand.u32 $0xF, v20  }
0x13: {  	v23 =	vcombine.low v17, v18;
	v18 =	vand.u32 $0xF, v18;
	v59 =	vcombine.low v20, v21  }
0x14: {  	v33 =	vcombine.low v18, v17;
	v18 =	vimm.s32 $0x1E1F1C1D;
	v20 =	vimm.s32 $0x16171415  }
0x15: {  	v21 =	vimm.s32 $0x19181B1A;
	v45 =	vand.u32 $0xF, v6;
	v46 =	vand.u32 $0xF, v7  }
0x16: {  	v47 =	vcombine.low v13, v12;
	v49 =	vcombine.low v15, v14;
	v6 =	vunpack.c.l.s4.s8 v55  }
0x17: {  	v7 =	vunpack.c.l.s4.s8 v56;
	v57 =	vand.u32 $0xF, v22;
	v58 =	vand.u32 $0xF, v23  }
0x18: {  	v23 =	vand.u32 $0xF, v8;
	v14 =	vand.u32 $0xF, v14;
	v20 =	vunpack.c.0.s8.s32 v20  }
0x19: {  	v32 =	vcombine.low v23, v9;
	v24 =	vunpack.c.0.s8.s32 v6;
	v25 =	vunpack.c.0.s8.s32 v7  }
0x1a: {  	v34 =	vcombine.low v14, v15;
	v14 =	vand.u32 $0xF, v19;
	v19 =	vunpack.c.0.s8.s32 v18  }
0x1b: {  	v30 =	vcombine.low v14, v16;
	v14 =	vimm.s32 $0x1A1B1819;
	v22 =	vcombine.low v25, v24  }
0x1c: {  	[tilespmem:$0x1FE00] =	vst v0;
	v18 =	vimm.s32 $0x12131011;
	v23 =	vunpack.c.0.s8.s32 v21;
	v14 =	vunpack.c.0.s8.s32 v14  }
0x1d: {  	[tilespmem:$0x1FE20] =	vst v36;
	v21 =	vimm.s32 $0x1D1C1F1E;
	v38 =	vand.u32 $0xF, v22;
	v22 =	vunpack.c.0.s8.s32 v18  }
0x1e: {  	s3 =	rddreg [dreg:$0x0];
	v12 =	vand.u32 $0xF, v12;
	v40 =	vunpack.c.0.s8.s32 v21;
	[tilespmem:$0x1FE10] =	vst v34;
	v37 =	vsel vm0, v19, v14  }
0x1f: {  	s5 =	rddreg [dreg:$0x1];
	s2 =	simm.s32 $0x0;
	v26 =	vunpack.c.0.s8.s32 v26;
	v25 =	vunpack.c.0.s8.s32 v42;
	[tilespmem:$0x1FE30] =	vst v37;
	v39 =	vsel vm0, v20, v22  }
0x20: {  	v27 =	vimm.s32 $0x18191A1B;
	[smem:$0x7FF] =	sst s2;
	v41 =	vcombine.low v12, v13;
	v44 =	vsel vm0, v40, v23;
	[tilespmem:$0x1FE40] =	vst v39  }
0x21: {  	s1 =	rddreg [dreg:$0x2];
	v28 =	vimm.s32 $0x1C1D1E1F;
	v13 =	vmovc v46;
	v46 =	vunpack.c.0.s8.s32 v27;
	v12 =	vmovc v45;
	v45 =	vsel vm0, v26, v25;
	_ =	strace $0x80000047;
	[tilespmem:$0x1FE50] =	vst v44  }
0x22: {  	v53 =	vand.u32 $0xF, v47;
	v47 =	vunpack.c.0.s8.s32 v28;
	v27 =	vimm.s32 $0x10111213;
	[tilespmem:$0x1FE60] =	vst v45  }
0x23: {  	v28 =	vimm.s32 $0x14151617;
	v48 =	vunpack.c.0.s8.s32 v27;
	[tilespmem:$0x1FE70] =	vst v46  }
0x24: {  	v54 =	vand.u32 $0xF, v49;
	v49 =	vunpack.c.0.s8.s32 v28;
	[tilespmem:$0x1FE80] =	vst v47  }
0x25: {  	[tilespmem:$0x1FE90] =	vst v48  }
0x26: {  	v29 =	vimm.s32 $0x1F1E1D1C;
	v16 =	vmov v54;
	v54 =	vsel vm0, v47, v46;
	[tilespmem:$0x1FEA0] =	vst v49  }
0x27: {  	v50 =	vunpack.c.0.s8.s32 v29;
	v27 =	vimm.s32 $0x1B1A1918;
	v55 =	vsel vm0, v49, v48;
	[tilespmem:$0x1FEB0] =	vst v54  }
0x28: {  	v28 =	vimm.s32 $0x17161514;
	v51 =	vunpack.c.0.s8.s32 v27;
	[tilespmem:$0x1FEC0] =	vst v55  }
0x29: {  	v31 =	vimm.s32 $0x13121110;
	v52 =	vunpack.c.0.s8.s32 v28;
	[tilespmem:$0x1FED0] =	vst v50  }
0x2a: {  	v15 =	vmov v53;
	v53 =	vunpack.c.0.s8.s32 v31;
	[tilespmem:$0x1FEE0] =	vst v51  }
0x2b: {  	[tilespmem:$0x1FEF0] =	vst v52  }
0x2c: {  	v56 =	vsel vm0, v51, v50;
	[tilespmem:$0x1FF00] =	vst v53  }
0x2d: {  	v17 =	vmov v57;
	v57 =	vsel vm0, v53, v52;
	[tilespmem:$0x1FF10] =	vst v56  }
0x2e: {  	v18 =	vmov v58;
	v58 =	vsel vm0, v14, v19;
	[tilespmem:$0x1FF20] =	vst v57  }
0x2f: {  	v21 =	vmov v59;
	v59 =	vsel vm0, v22, v20;
	[tilespmem:$0x1FF30] =	vst v58  }
0x30: {  	v62 =	vsel vm0, v23, v40;
	[tilespmem:$0x1FF40] =	vst v59  }
0x31: {  	s0 =	stileid.u32;
	s4 =	srdreg.scid;
	s11 =	simm.s32 $0x2;
	v63 =	vsel vm0, v25, v26;
	[tilespmem:$0x1FF50] =	vst v62  }
0x32: {  	s12 =	simm.s32 $0x8800;
	s13 =	simm.s32 $0x20;
	s14 =	simm.s32 $0x10800;
	[tilespmem:$0x1FF60] =	vst v63  }
0x33: {  	s15 =	simm.s32 $0x3;
	s16 =	simm.s32 $0x4;
	s17 =	simm.s32 $0x0;
	[tilespmem:$0x1FF70] =	vst v30  }
0x34: {  	s6 =	sshll.u32 s0, $0x1;
	s4 =	sand.u32 $0x1, s4;
	s7 =	sshrl.u32 s0, $0x1;
	v34 =	vadd.s32 $0xF, v36;
	[tilespmem:$0x1FF80] =	vst v33  }
0x35: {  	v60 =	vor.u32 $0x10, v43;
	s6 =	sand.u32 $0x2, s6;
	s8 =	sshll.u32 s7, $0x8;
	s7 =	sshll.u32 s7, $0xF;
	v29 =	vcombine.low v45, v44;
	[tilespmem:$0x1FF90] =	vst v34  }
0x36: {  	s6 =	sor.u32 s4, s6;
	s8 =	sadd.s32 s8, s3;
	s4 =	ssub.s32 $0x2, s4;
	v31 =	vcombine.low v55, v54;
	[tilespmem:$0x1FFA0] =	vst v60  }
0x37: {  	s9 =	sshll.u32 s6, $0x2;
	s10 =	sshrl.u32 s4, $0x1;
	s6 =	sshll.u32 s6, $0xB;
	v36 =	vcombine.low v57, v56;
	[tilespmem:$0x1FFC0] =	vst v29  }
0x38: {  	s3 =	sadd.s32 s9, s3;
	s10 =	ssub.s32 s4, s10;
	s30 =	sadd.s32 s6, s8;
	v61 =	vcombine.low v39, v37;
	[tilespmem:$0x1FFD0] =	vst v31  }
0x39: {  	s31 =	sor.u32 s7, s9;
	s8 =	simm.s32 $0x80;
	s9 =	simm.s32 $0x800;
	v37 =	vcombine.low v59, v58;
	[tilespmem:$0x1FFE0] =	vst v36  }
0x3a: {  	v10 =	vand.u32 $0xF, v10;
	s3 =	sadd.s32 $0x2400, s3;
	s4 =	sadd.s32 $0x400, s30;
	s5 =	sadd.s32 s5, s31;
	[tilespmem:$0x1FFB0] =	vst v61  }
0x3b: {  	v35 =	vcombine.low v10, v11;
	s7 =	smax.u32 s10, $0x1;
	s10 =	simm.s32 $0x1;
	s6 =	sadd.s32 $0x4000, s5;
	[tilespmem:$0x1FFF0] =	vst v37  }
.LBB2_1:
0x3c: {  	[tilespmem:s9], [sflag:$0x1] =	stream.strided.gather [hbm4b:s3+s13], $0x8000, s8, s13, $0x38;
	[tilespmem:$0x18800] =	vst v63  }
0x3d: {  	_ = 	snop  }
0x3e: {  	[tilespmem:s2], [sflag:$0x2] =	stream.linear.gather [hbm4b:s4+s2], $0x800, $0x38;
	[tilespmem:$0x18800] =	vst v63  }
0x3f: {  	_ =	swait.ge [sflag:s10], $0x8000  }
0x40: {  	[sflag:s10] =	ssyncset.done $0x0  }
0x41: {  	[sflag:s10] =	ssyncadd.s32 $0xFFFF8000  }
0x42: {  	_ =	swait.ge [sflag:s11], $0x800  }
0x43: {  	s18 =	simm.s32 $0xFFFFFFFC;
	[sflag:s11] =	ssyncset.done $0x0  }
0x44: {  	s19 =	simm.s32 $0x20;
	s20 =	simm.s32 $0x0;
	[sflag:s11] =	ssyncadd.s32 $0xFFFFF800  }
.LBB2_2:
0x45: {  	v14 =	vld [tilespmem:s19+$0xFFFFFFE0];
	_ =	sdelay $0x4  }
0x46: {  	v20 =	vmul.f32 $1.024000000e+03, v14;
	_ =	sdelay $0x1  }
0x47: {  	v14 =	vmax.f32 v20, $0.0e+00  }
0x48: {  	v14 =	vmin.f32 v14, $1.023000000e+03  }
0x49: {  	v14 =	vtrunc.f32 v14  }
0x4a: {  	v22 =	vcvt.f32.s32 v14;
	_ =	sdelay $0x1  }
0x4b: {  	v19 =	vshll.u32 v22, $0x5  }
0x4c: {  	v23 =	vor.u32 v43, v19  }
0x4d: {  	v14 =	vadd.s32 $0x1, v22;
	v24 =	vor.u32 v12, v19  }
0x4e: {  	vm1 =	vlt.s32 v14, $0x3FF;
	v27 =	vor.u32 v13, v19  }
0x4f: {  	v14 =	vnsel vm1, $0x3FF, v14  }
0x50: {  	v28 =	vor.u32 v15, v19;
	v14 =	vshll.u32 v14, $0x5  }
0x51: {  	v22 =	vcvt.s32.f32 v22;
	v25 =	vor.u32 v43, v14;
	v23 =	vld.idx.msk [tilespmem:v23+s9+$0x0], $0xffff  }
0x52: {  	v26 =	vor.u32 v12, v14;
	v24 =	vld.idx.msk [tilespmem:v24+s9+$0x0], $0xffff  }
0x53: {  	v58 =	vsub.f32 v20, v22;
	v44 =	vor.u32 v13, v14;
	v22 =	vld.idx.msk [tilespmem:v27+s9+$0x0], $0xffff  }
0x54: {  	v45 =	vor.u32 v15, v14;
	v6 =	vld [tilespmem:$0x1FE00]  }
0x55: {  	v27 =	vld.idx.msk [tilespmem:v28+s9+$0x0], $0xffff  }
0x56: {  	v25 =	vld.idx.msk [tilespmem:v25+s9+$0x0], $0xffff  }
0x57: {  	v2 =	vmov s20;
	v20 =	vld.idx.msk [tilespmem:v26+s9+$0x0], $0xffff  }
0x58: {  	v26 =	vshll.u32 v2, $0x5;
	v28 =	vld.idx.msk [tilespmem:v44+s9+$0x0], $0xffff  }
0x59: {  	v59 =	vsub.f32 $1.000000000e+00, v58;
	v3 =	vld.idx.msk [tilespmem:v45+s9+$0x0], $0xffff;
	v55 =	vor.u32 v6, v26  }
0x5a: {  	v46 =	vor.u32 v16, v19;
	v23 =	vmul.f32 v58, v23;
	v26 =	vor.u32 v43, v55  }
0x5b: {  	v24 =	vmul.f32 v58, v24;
	v4 =	vor.u32 v12, v55;
	v25 =	vmul.f32 v59, v25  }
0x5c: {  	v22 =	vmul.f32 v58, v22;
	v5 =	vor.u32 v13, v55;
	v20 =	vmul.f32 v59, v20  }
0x5d: {  	v7 =	vmul.f32 v28, v59;
	v28 =	vor.u32 v15, v55;
	v23 =	vadd.f32 v25, v23  }
0x5e: {  	v27 =	vmul.f32 v58, v27;
	v44 =	vmul.f32 v3, v59;
	v20 =	vadd.f32 v20, v24  }
0x5f: {  	v9 =	vor.u32 v18, v19;
	v22 =	vadd.f32 v7, v22;
	[tilespmem:v26+s12+$0x0] =	vst.idx.msk $0xffff, v23  }
0x60: {  	v8 =	vadd.f32 v44, v27;
	v23 =	vor.u32 v17, v19;
	[tilespmem:v4+s12+$0x0] =	vst.idx.msk $0xffff, v20  }
0x61: {  	[tilespmem:v5+s12+$0x0] =	vst.idx.msk $0xffff, v22;
	v22 =	vor.u32 v17, v14  }
0x62: {  	v20 =	vor.u32 v16, v14;
	[tilespmem:v28+s12+$0x0] =	vst.idx.msk $0xffff, v8  }
0x63: {  	v10 =	vor.u32 v38, v19;
	v25 =	vld.idx.msk [tilespmem:v46+s9+$0x0], $0xffff  }
0x64: {  	v27 =	vor.u32 v18, v14;
	v24 =	vld.idx.msk [tilespmem:v9+s9+$0x0], $0xffff  }
0x65: {  	v28 =	vor.u32 v38, v14;
	v23 =	vld.idx.msk [tilespmem:v23+s9+$0x0], $0xffff  }
0x66: {  	v22 =	vld.idx.msk [tilespmem:v22+s9+$0x0], $0xffff  }
0x67: {  	v20 =	vld.idx.msk [tilespmem:v20+s9+$0x0], $0xffff  }
0x68: {  	v26 =	vld.idx.msk [tilespmem:v10+s9+$0x0], $0xffff  }
0x69: {  	v27 =	vld.idx.msk [tilespmem:v27+s9+$0x0], $0xffff  }
0x6a: {  	v28 =	vld.idx.msk [tilespmem:v28+s9+$0x0], $0xffff  }
0x6b: {  	v11 =	vor.u32 v16, v55;
	v23 =	vmul.f32 v23, v58;
	v22 =	vmul.f32 v22, v59  }
0x6c: {  	v39 =	vor.u32 v17, v55;
	v25 =	vmul.f32 v25, v58;
	v20 =	vmul.f32 v20, v59  }
0x6d: {  	v24 =	vmul.f32 v24, v58;
	v22 =	vadd.f32 v22, v23;
	v23 =	vor.u32 v18, v55  }
0x6e: {  	v40 =	vmul.f32 v27, v59;
	v27 =	vor.u32 v38, v55;
	v20 =	vadd.f32 v20, v25  }
0x6f: {  	v42 =	vor.u32 v21, v19;
	v26 =	vmul.f32 v26, v58;
	v28 =	vmul.f32 v28, v59  }
0x70: {  	v24 =	vadd.f32 v40, v24;
	[tilespmem:v11+s12+$0x0] =	vst.idx.msk $0xffff, v20;
	v20 =	vor.u32 v32, v19  }
0x71: {  	v44 =	vadd.f32 v28, v26;
	[tilespmem:v39+s12+$0x0] =	vst.idx.msk $0xffff, v22;
	v22 =	vor.u32 v21, v14  }
0x72: {  	[tilespmem:v23+s12+$0x0] =	vst.idx.msk $0xffff, v24;
	v23 =	vor.u32 v32, v14  }
0x73: {  	v0 =	vld [tilespmem:$0x1FE10];
	v45 =	vor.u32 v35, v19;
	[tilespmem:v27+s12+$0x0] =	vst.idx.msk $0xffff, v44  }
0x74: {  	v47 =	vor.u32 v41, v19;
	v25 =	vld.idx.msk [tilespmem:v42+s9+$0x0], $0xffff  }
0x75: {  	v27 =	vor.u32 v35, v14;
	v20 =	vld.idx.msk [tilespmem:v20+s9+$0x0], $0xffff  }
0x76: {  	v28 =	vor.u32 v41, v14;
	v22 =	vld.idx.msk [tilespmem:v22+s9+$0x0], $0xffff  }
0x77: {  	v23 =	vld.idx.msk [tilespmem:v23+s9+$0x0], $0xffff  }
0x78: {  	v24 =	vld.idx.msk [tilespmem:v45+s9+$0x0], $0xffff  }
0x79: {  	v26 =	vld.idx.msk [tilespmem:v47+s9+$0x0], $0xffff  }
0x7a: {  	v27 =	vld.idx.msk [tilespmem:v27+s9+$0x0], $0xffff  }
0x7b: {  	v28 =	vld.idx.msk [tilespmem:v28+s9+$0x0], $0xffff  }
0x7c: {  	v48 =	vor.u32 v21, v55;
	v20 =	vmul.f32 v20, v58;
	v23 =	vmul.f32 v23, v59  }
0x7d: {  	v53 =	vld [tilespmem:$0x1FE10];
	v49 =	vor.u32 v32, v55;
	v25 =	vmul.f32 v25, v58;
	v22 =	vmul.f32 v22, v59  }
0x7e: {  	v24 =	vmul.f32 v24, v58;
	v20 =	vadd.f32 v23, v20;
	v23 =	vor.u32 v35, v55  }
0x7f: {  	v22 =	vadd.f32 v22, v25;
	v50 =	vmul.f32 v27, v59;
	v27 =	vor.u32 v41, v55  }
0x80: {  	v51 =	vor.u32 v0, v19;
	v26 =	vmul.f32 v26, v58;
	v28 =	vmul.f32 v28, v59  }
0x81: {  	[tilespmem:v48+s12+$0x0] =	vst.idx.msk $0xffff, v22;
	v22 =	vor.u32 v30, v19;
	v24 =	vadd.f32 v50, v24  }
0x82: {  	v52 =	vadd.f32 v28, v26;
	[tilespmem:v49+s12+$0x0] =	vst.idx.msk $0xffff, v20;
	v20 =	vor.u32 v53, v14  }
0x83: {  	[tilespmem:v23+s12+$0x0] =	vst.idx.msk $0xffff, v24;
	v23 =	vor.u32 v30, v14  }
0x84: {  	v54 =	vor.u32 v33, v19;
	v57 =	vld [tilespmem:$0x1FE10];
	[tilespmem:v27+s12+$0x0] =	vst.idx.msk $0xffff, v52  }
0x85: {  	v56 =	vor.u32 v34, v19;
	v25 =	vld.idx.msk [tilespmem:v51+s9+$0x0], $0xffff  }
0x86: {  	v27 =	vor.u32 v33, v14;
	v22 =	vld.idx.msk [tilespmem:v22+s9+$0x0], $0xffff  }
0x87: {  	v28 =	vor.u32 v34, v14;
	v20 =	vld.idx.msk [tilespmem:v20+s9+$0x0], $0xffff  }
0x88: {  	v23 =	vld.idx.msk [tilespmem:v23+s9+$0x0], $0xffff  }
0x89: {  	v24 =	vld.idx.msk [tilespmem:v54+s9+$0x0], $0xffff  }
0x8a: {  	v26 =	vld.idx.msk [tilespmem:v56+s9+$0x0], $0xffff  }
0x8b: {  	v27 =	vld.idx.msk [tilespmem:v27+s9+$0x0], $0xffff  }
0x8c: {  	v28 =	vld.idx.msk [tilespmem:v28+s9+$0x0], $0xffff  }
0x8d: {  	v62 =	vor.u32 v57, v55;
	v22 =	vmul.f32 v22, v58;
	v23 =	vmul.f32 v23, v59  }
0x8e: {  	v63 =	vor.u32 v30, v55;
	v25 =	vmul.f32 v25, v58;
	v20 =	vmul.f32 v20, v59  }
0x8f: {  	v24 =	vmul.f32 v24, v58;
	v22 =	vadd.f32 v23, v22;
	v23 =	vor.u32 v33, v55  }
0x90: {  	v20 =	vadd.f32 v20, v25;
	v0 =	vmul.f32 v27, v59;
	v27 =	vor.u32 v34, v55  }
0x91: {  	v1 =	vor.u32 v60, v19;
	v26 =	vmul.f32 v26, v58;
	v28 =	vmul.f32 v28, v59  }
0x92: {  	[tilespmem:v62+s12+$0x0] =	vst.idx.msk $0xffff, v20;
	v20 =	vor.u32 v61, v19;
	v24 =	vadd.f32 v0, v24  }
0x93: {  	v2 =	vadd.f32 v28, v26;
	[tilespmem:v63+s12+$0x0] =	vst.idx.msk $0xffff, v22;
	v22 =	vor.u32 v29, v19  }
0x94: {  	v3 =	vor.u32 v61, v14;
	[tilespmem:v23+s12+$0x0] =	vst.idx.msk $0xffff, v24  }
0x95: {  	v5 =	vld [tilespmem:s19+$0xFFFFFFF0];
	v28 =	vor.u32 v31, v14;
	[tilespmem:v27+s12+$0x0] =	vst.idx.msk $0xffff, v2  }
0x96: {  	v23 =	vor.u32 v60, v14;
	v25 =	vld.idx.msk [tilespmem:v1+s9+$0x0], $0xffff  }
0x97: {  	v27 =	vor.u32 v31, v19;
	v20 =	vld.idx.msk [tilespmem:v20+s9+$0x0], $0xffff  }
0x98: {  	v4 =	vor.u32 v29, v14;
	v22 =	vld.idx.msk [tilespmem:v22+s9+$0x0], $0xffff  }
0x99: {  	v24 =	vld.idx.msk [tilespmem:v3+s9+$0x0], $0xffff  }
0x9a: {  	v28 =	vld.idx.msk [tilespmem:v28+s9+$0x0], $0xffff  }
0x9b: {  	v23 =	vld.idx.msk [tilespmem:v23+s9+$0x0], $0xffff  }
0x9c: {  	v39 =	vmul.f32 $1.024000000e+03, v5;
	v27 =	vld.idx.msk [tilespmem:v27+s9+$0x0], $0xffff  }
0x9d: {  	v7 =	vor.u32 v60, v55;
	v26 =	vld.idx.msk [tilespmem:v4+s9+$0x0], $0xffff  }
0x9e: {  	v47 =	vor.u32 v31, v55;
	v48 =	vor.u32 v36, v19;
	v50 =	vmax.f32 v39, $0.0e+00;
	v2 =	vld [tilespmem:$0x1FF50]  }
0x9f: {  	v54 =	vmin.f32 v50, $1.023000000e+03;
	v3 =	vld [tilespmem:$0x1FF60];
	v25 =	vmul.f32 v25, v58;
	v20 =	vmul.f32 v20, v58  }
0xa0: {  	v34 =	vor.u32 v61, v55;
	v24 =	vmul.f32 v24, v59;
	v23 =	vmul.f32 v23, v59  }
0xa1: {  	v33 =	vmul.f32 v27, v58;
	v27 =	vmul.f32 v28, v59;
	v28 =	vor.u32 v29, v55  }
0xa2: {  	v22 =	vmul.f32 v22, v58;
	v26 =	vmul.f32 v26, v59;
	v23 =	vadd.f32 v23, v25  }
0xa3: {  	v40 =	vld [tilespmem:$0x1FE70];
	v56 =	vor.u32 v36, v14;
	v20 =	vadd.f32 v24, v20;
	v24 =	vtrunc.f32 v54  }
0xa4: {  	v1 =	vld [tilespmem:$0x1FE80];
	v44 =	vcombine.low v3, v2;
	v22 =	vadd.f32 v26, v22;
	v24 =	vcvt.f32.s32 v24;
	[tilespmem:v7+s12+$0x0] =	vst.idx.msk $0xffff, v23  }
0xa5: {  	v25 =	vadd.f32 v27, v33;
	v27 =	vor.u32 v37, v14;
	[tilespmem:v34+s12+$0x0] =	vst.idx.msk $0xffff, v20  }
0xa6: {  	v53 =	vld [tilespmem:$0x1FEA0];
	v57 =	vor.u32 v44, v14;
	v61 =	vshll.u32 v24, $0x5;
	[tilespmem:v28+s12+$0x0] =	vst.idx.msk $0xffff, v22  }
0xa7: {  	v52 =	vld [tilespmem:$0x1FE90];
	v0 =	vor.u32 v43, v61;
	[tilespmem:v47+s12+$0x0] =	vst.idx.msk $0xffff, v25  }
0xa8: {  	v23 =	vor.u32 v37, v19;
	v26 =	vld.idx.msk [tilespmem:v48+s9+$0x0], $0xffff  }
0xa9: {  	v42 =	vsel vm0, v40, v1;
	v1 =	vor.u32 v12, v61;
	v25 =	vld.idx.msk [tilespmem:v56+s9+$0x0], $0xffff  }
0xaa: {  	v51 =	vor.u32 v13, v61;
	v28 =	vadd.s32 $0x1, v24;
	v27 =	vld.idx.msk [tilespmem:v27+s9+$0x0], $0xffff  }
0xab: {  	v20 =	vor.u32 v44, v19;
	vm1 =	vlt.s32 v28, $0x3FF;
	v47 =	vld.idx.msk [tilespmem:v57+s9+$0x0], $0xffff  }
0xac: {  	v49 =	vsel vm0, v52, v53;
	v28 =	vnsel vm1, $0x3FF, v28;
	v48 =	vld.idx.msk [tilespmem:v0+s9+$0x0], $0xffff  }
0xad: {  	v45 =	vcombine.low v49, v42;
	v52 =	vor.u32 v15, v61;
	v23 =	vld.idx.msk [tilespmem:v23+s9+$0x0], $0xffff;
	v60 =	vshll.u32 v28, $0x5  }
0xae: {  	v40 =	vor.u32 v36, v55;
	v24 =	vcvt.s32.f32 v24;
	v49 =	vld.idx.msk [tilespmem:v1+s9+$0x0], $0xffff;
	v28 =	vor.u32 v43, v60  }
0xaf: {  	v53 =	vor.u32 v45, v14;
	v63 =	vor.u32 v16, v61;
	v8 =	vld.idx.msk [tilespmem:v51+s9+$0x0], $0xffff;
	v4 =	vor.u32 v12, v60  }
0xb0: {  	v22 =	vor.u32 v45, v19;
	v56 =	vsub.f32 v39, v24;
	v20 =	vld.idx.msk [tilespmem:v20+s9+$0x0], $0xffff;
	v54 =	vor.u32 v13, v60  }
0xb1: {  	v62 =	vor.u32 v15, v60;
	v26 =	vmul.f32 v26, v58;
	v25 =	vmul.f32 v25, v59  }
0xb2: {  	v9 =	vld.idx.msk [tilespmem:v52+s9+$0x0], $0xffff;
	v52 =	vor.u32 v37, v55;
	v27 =	vmul.f32 v27, v59;
	v23 =	vmul.f32 v23, v58  }
0xb3: {  	s21 =	sadd.s32 $0x10, s20;
	v57 =	vsub.f32 $1.000000000e+00, v56;
	v7 =	vmul.f32 v47, v59;
	v48 =	vmul.f32 v56, v48;
	v28 =	vld.idx.msk [tilespmem:v28+s9+$0x0], $0xffff  }
0xb4: {  	v34 =	vmul.f32 v56, v49;
	v5 =	vld.idx.msk [tilespmem:v4+s9+$0x0], $0xffff;
	v23 =	vadd.f32 v27, v23;
	v27 =	vmov s21  }
0xb5: {  	v46 =	vmul.f32 v56, v8;
	v20 =	vmul.f32 v20, v58;
	v10 =	vshll.u32 v27, $0x5;
	v27 =	vld.idx.msk [tilespmem:v54+s9+$0x0], $0xffff  }
0xb6: {  	v8 =	vor.u32 v44, v55;
	v25 =	vadd.f32 v25, v26;
	v33 =	vld.idx.msk [tilespmem:v62+s9+$0x0], $0xffff;
	v54 =	vor.u32 v6, v10  }
0xb7: {  	v1 =	vld.idx.msk [tilespmem:v53+s9+$0x0], $0xffff;
	v47 =	vmul.f32 v56, v9;
	v20 =	vadd.f32 v7, v20;
	v39 =	vor.u32 v43, v54  }
0xb8: {  	v22 =	vld.idx.msk [tilespmem:v22+s9+$0x0], $0xffff;
	[tilespmem:v40+s12+$0x0] =	vst.idx.msk $0xffff, v25;
	v42 =	vor.u32 v12, v54;
	v28 =	vmul.f32 v57, v28  }
0xb9: {  	v36 =	vld [tilespmem:$0x1FED0];
	[tilespmem:v52+s12+$0x0] =	vst.idx.msk $0xffff, v23;
	v0 =	vor.u32 v13, v54;
	v24 =	vmul.f32 v57, v5  }
0xba: {  	v37 =	vld [tilespmem:$0x1FEE0];
	v4 =	vor.u32 v15, v54;
	v28 =	vadd.f32 v28, v48;
	v27 =	vmul.f32 v27, v57  }
0xbb: {  	v10 =	vld [tilespmem:$0x1FEF0];
	[tilespmem:v8+s12+$0x0] =	vst.idx.msk $0xffff, v20;
	v50 =	vmul.f32 v33, v57;
	v24 =	vadd.f32 v24, v34  }
0xbc: {  	v7 =	vor.u32 v16, v60;
	v52 =	vld [tilespmem:$0x1FE30];
	v27 =	vadd.f32 v27, v46;
	[tilespmem:v39+s12+$0x0] =	vst.idx.msk $0xffff, v28  }
0xbd: {  	v33 =	vld [tilespmem:$0x1FF00];
	v5 =	vadd.f32 v50, v47;
	[tilespmem:v42+s12+$0x0] =	vst.idx.msk $0xffff, v24  }
0xbe: {  	v9 =	vor.u32 v17, v60;
	v8 =	vld [tilespmem:$0x1FEB0];
	[tilespmem:v0+s12+$0x0] =	vst.idx.msk $0xffff, v27  }
0xbf: {  	[tilespmem:v4+s12+$0x0] =	vst.idx.msk $0xffff, v5;
	v5 =	vld [tilespmem:$0x1FE50]  }
0xc0: {  	v51 =	vld.idx.msk [tilespmem:v63+s9+$0x0], $0xffff  }
0xc1: {  	v53 =	vor.u32 v38, v61;
	v23 =	vld.idx.msk [tilespmem:v7+s9+$0x0], $0xffff  }
0xc2: {  	v40 =	vor.u32 v18, v60;
	v39 =	vsel vm0, v36, v37;
	v34 =	vsel vm0, v10, v33;
	v63 =	vld [tilespmem:$0x1FE40]  }
0xc3: {  	v28 =	vor.u32 v17, v61;
	v46 =	vcombine.low v39, v34;
	v20 =	vld.idx.msk [tilespmem:v9+s9+$0x0], $0xffff  }
0xc4: {  	v25 =	vor.u32 v45, v55;
	v42 =	vor.u32 v38, v60;
	v7 =	vld [tilespmem:$0x1FE60]  }
0xc5: {  	v22 =	vmul.f32 v22, v58;
	v27 =	vmul.f32 v1, v59;
	v9 =	vld [tilespmem:$0x1FEC0];
	v39 =	vor.u32 v46, v14  }
0xc6: {  	v50 =	vor.u32 v18, v61;
	v10 =	vld.idx.msk [tilespmem:v53+s9+$0x0], $0xffff  }
0xc7: {  	v22 =	vadd.f32 v27, v22;
	v62 =	vld.idx.msk [tilespmem:v40+s9+$0x0], $0xffff  }
0xc8: {  	v4 =	vor.u32 v46, v19;
	v28 =	vld.idx.msk [tilespmem:v28+s9+$0x0], $0xffff  }
0xc9: {  	v29 =	vor.u32 v16, v54;
	[tilespmem:v25+s12+$0x0] =	vst.idx.msk $0xffff, v22;
	v24 =	vld.idx.msk [tilespmem:v42+s9+$0x0], $0xffff;
	v47 =	vcombine.low v52, v63  }
0xca: {  	v1 =	vor.u32 v38, v54;
	v42 =	vor.u32 v17, v54;
	v48 =	vcombine.low v5, v7;
	v53 =	vld.idx.msk [tilespmem:v39+s9+$0x0], $0xffff  }
0xcb: {  	v27 =	vld.idx.msk [tilespmem:v50+s9+$0x0], $0xffff;
	v49 =	vcombine.low v8, v9;
	v51 =	vmul.f32 v51, v56;
	v22 =	vor.u32 v47, v19  }
0xcc: {  	v11 =	vld [tilespmem:$0x1FE10];
	v23 =	vmul.f32 v23, v57;
	v20 =	vmul.f32 v20, v57;
	v36 =	vor.u32 v48, v19  }
0xcd: {  	v26 =	vld.idx.msk [tilespmem:v4+s9+$0x0], $0xffff;
	v0 =	vmul.f32 v62, v57;
	v28 =	vmul.f32 v28, v56;
	v37 =	vor.u32 v49, v19  }
0xce: {  	v25 =	vmul.f32 v10, v56;
	v62 =	vld [tilespmem:$0x1FF10];
	v40 =	vor.u32 v47, v14;
	v30 =	vor.u32 v48, v14  }
0xcf: {  	v20 =	vadd.f32 v20, v28;
	v28 =	vor.u32 v18, v54;
	v10 =	vmul.f32 v53, v59;
	v53 =	vld [tilespmem:$0x1FF70]  }
0xd0: {  	v27 =	vmul.f32 v27, v56;
	v31 =	vor.u32 v49, v14;
	v23 =	vadd.f32 v23, v51;
	v22 =	vld.idx.msk [tilespmem:v22+s9+$0x0], $0xffff  }
0xd1: {  	v4 =	vor.u32 v21, v61;
	v24 =	vmul.f32 v24, v57;
	v50 =	vld.idx.msk [tilespmem:v36+s9+$0x0], $0xffff  }
0xd2: {  	v27 =	vadd.f32 v0, v27;
	[tilespmem:v29+s12+$0x0] =	vst.idx.msk $0xffff, v23;
	v23 =	vor.u32 v32, v61;
	v52 =	vld.idx.msk [tilespmem:v37+s9+$0x0], $0xffff  }
0xd3: {  	v24 =	vadd.f32 v24, v25;
	[tilespmem:v42+s12+$0x0] =	vst.idx.msk $0xffff, v20;
	v20 =	vor.u32 v21, v60;
	v29 =	vld.idx.msk [tilespmem:v40+s9+$0x0], $0xffff  }
0xd4: {  	v7 =	vor.u32 v35, v61;
	v5 =	vld.idx.msk [tilespmem:v30+s9+$0x0], $0xffff;
	[tilespmem:v28+s12+$0x0] =	vst.idx.msk $0xffff, v27  }
0xd5: {  	v27 =	vor.u32 v32, v60;
	v28 =	vld.idx.msk [tilespmem:v31+s9+$0x0], $0xffff;
	[tilespmem:v1+s12+$0x0] =	vst.idx.msk $0xffff, v24  }
0xd6: {  	v8 =	vor.u32 v35, v60;
	v30 =	vld.idx.msk [tilespmem:v4+s9+$0x0], $0xffff  }
0xd7: {  	v9 =	vor.u32 v41, v60;
	v23 =	vld.idx.msk [tilespmem:v23+s9+$0x0], $0xffff  }
0xd8: {  	v31 =	vor.u32 v41, v61;
	v20 =	vld.idx.msk [tilespmem:v20+s9+$0x0], $0xffff  }
0xd9: {  	v24 =	vld.idx.msk [tilespmem:v7+s9+$0x0], $0xffff  }
0xda: {  	v22 =	vmul.f32 v22, v58;
	v29 =	vmul.f32 v29, v59;
	v27 =	vld.idx.msk [tilespmem:v27+s9+$0x0], $0xffff  }
0xdb: {  	v39 =	vor.u32 v32, v54;
	v26 =	vmul.f32 v26, v58;
	v42 =	vor.u32 v11, v61;
	v33 =	vld.idx.msk [tilespmem:v8+s9+$0x0], $0xffff  }
0xdc: {  	v34 =	vld.idx.msk [tilespmem:v9+s9+$0x0], $0xffff;
	v28 =	vmul.f32 v28, v59;
	v22 =	vadd.f32 v29, v22;
	v29 =	vmul.f32 v52, v58  }
0xdd: {  	v36 =	vor.u32 v46, v55;
	v26 =	vadd.f32 v10, v26;
	v37 =	vor.u32 v21, v54;
	v31 =	vld.idx.msk [tilespmem:v31+s9+$0x0], $0xffff  }
0xde: {  	v30 =	vmul.f32 v30, v56;
	v20 =	vmul.f32 v20, v57;
	v28 =	vadd.f32 v28, v29;
	v29 =	vld [tilespmem:s19+$0x0]  }
0xdf: {  	v40 =	vor.u32 v41, v54;
	v7 =	vld [tilespmem:$0x1FF30];
	v23 =	vmul.f32 v23, v56;
	v27 =	vmul.f32 v27, v57  }
0xe0: {  	v8 =	vld [tilespmem:$0x1FF40];
	v50 =	vmul.f32 v50, v58;
	v24 =	vmul.f32 v24, v56;
	v20 =	vadd.f32 v20, v30  }
0xe1: {  	v63 =	vld [tilespmem:$0x1FF20];
	v30 =	vmul.f32 v33, v57;
	v23 =	vadd.f32 v27, v23;
	v27 =	vor.u32 v35, v54  }
0xe2: {  	v4 =	vld [tilespmem:$0x1FF70];
	v25 =	vmul.f32 v5, v59;
	[tilespmem:v36+s12+$0x0] =	vst.idx.msk $0xffff, v26;
	v34 =	vmul.f32 v34, v57  }
0xe3: {  	v9 =	vld [tilespmem:$0x1FF80];
	v31 =	vmul.f32 v31, v56;
	v24 =	vadd.f32 v30, v24;
	[tilespmem:v37+s12+$0x0] =	vst.idx.msk $0xffff, v20;
	v26 =	vmul.f32 $1.024000000e+03, v29  }
0xe4: {  	v20 =	vor.u32 v11, v60;
	[tilespmem:v39+s12+$0x0] =	vst.idx.msk $0xffff, v23;
	v23 =	vor.u32 v53, v61;
	v53 =	vld [tilespmem:$0x1FF90]  }
0xe5: {  	v51 =	vcombine.low v7, v8;
	v7 =	vld [tilespmem:$0x1FF90];
	v30 =	vadd.f32 v34, v31;
	v5 =	vmax.f32 v26, $0.0e+00  }
0xe6: {  	v25 =	vadd.f32 v25, v50;
	v34 =	vmin.f32 v5, $1.023000000e+03;
	v5 =	vld [tilespmem:$0x1FE20];
	[tilespmem:v27+s12+$0x0] =	vst.idx.msk $0xffff, v24;
	v27 =	vor.u32 v47, v55  }
0xe7: {  	v29 =	vor.u32 v48, v55;
	v24 =	vor.u32 v4, v60;
	[tilespmem:v40+s12+$0x0] =	vst.idx.msk $0xffff, v30;
	v40 =	vld [tilespmem:$0x1FF80]  }
0xe8: {  	v50 =	vcombine.low v62, v63;
	v10 =	vor.u32 v9, v61;
	v30 =	vor.u32 v49, v55;
	v33 =	vld.idx.msk [tilespmem:v42+s9+$0x0], $0xffff  }
0xe9: {  	v52 =	vcombine.low v2, v3;
	v20 =	vld.idx.msk [tilespmem:v20+s9+$0x0], $0xffff;
	v4 =	vor.u32 v53, v61  }
0xea: {  	v36 =	vor.u32 v51, v19;
	v31 =	vor.u32 v50, v19;
	v34 =	vtrunc.f32 v34;
	v23 =	vld.idx.msk [tilespmem:v23+s9+$0x0], $0xffff  }
0xeb: {  	v34 =	vcvt.f32.s32 v34;
	v53 =	vadd.s32 $0x1F, v5;
	v5 =	vld [tilespmem:$0x1FF80];
	[tilespmem:v27+s12+$0x0] =	vst.idx.msk $0xffff, v22;
	v22 =	vor.u32 v52, v19  }
0xec: {  	v24 =	vld.idx.msk [tilespmem:v24+s9+$0x0], $0xffff;
	v27 =	vor.u32 v7, v60;
	v42 =	vor.u32 v40, v60;
	[tilespmem:v29+s12+$0x0] =	vst.idx.msk $0xffff, v25  }
0xed: {  	v25 =	vor.u32 v53, v19;
	v19 =	vshll.u32 v34, $0x5;
	[tilespmem:v30+s12+$0x0] =	vst.idx.msk $0xffff, v28;
	v28 =	vld.idx.msk [tilespmem:v10+s9+$0x0], $0xffff  }
0xee: {  	v9 =	vor.u32 v43, v19;
	v37 =	vld.idx.msk [tilespmem:v4+s9+$0x0], $0xffff  }
0xef: {  	v8 =	vadd.s32 $0x1, v34;
	v4 =	vld [tilespmem:$0x1FF70]  }
0xf0: {  	vm1 =	vlt.s32 v8, $0x3FF;
	v29 =	vmul.f32 v33, v56;
	v31 =	vld.idx.msk [tilespmem:v31+s9+$0x0], $0xffff  }
0xf1: {  	v30 =	vmul.f32 v20, v57;
	v20 =	vnsel vm1, $0x3FF, v8;
	v10 =	vor.u32 v12, v19;
	v27 =	vld.idx.msk [tilespmem:v27+s9+$0x0], $0xffff  }
0xf2: {  	v23 =	vmul.f32 v23, v56;
	v0 =	vor.u32 v15, v19;
	v20 =	vshll.u32 v20, $0x5;
	v62 =	vld.idx.msk [tilespmem:v42+s9+$0x0], $0xffff  }
0xf3: {  	v29 =	vadd.f32 v30, v29;
	v30 =	vor.u32 v43, v20;
	v24 =	vmul.f32 v24, v57;
	v33 =	vld.idx.msk [tilespmem:v9+s9+$0x0], $0xffff  }
0xf4: {  	v40 =	vor.u32 v12, v20;
	v9 =	vld [tilespmem:$0x1FF90]  }
0xf5: {  	v22 =	vld.idx.msk [tilespmem:v22+s9+$0x0], $0xffff;
	v23 =	vadd.f32 v24, v23;
	v24 =	vor.u32 v11, v54  }
0xf6: {  	v34 =	vcvt.s32.f32 v34;
	v43 =	vor.u32 v13, v19;
	v42 =	vor.u32 v4, v54;
	v10 =	vld.idx.msk [tilespmem:v10+s9+$0x0], $0xffff  }
0xf7: {  	v39 =	vor.u32 v50, v14;
	v37 =	vmul.f32 v37, v56;
	v0 =	vld.idx.msk [tilespmem:v0+s9+$0x0], $0xffff;
	v27 =	vmul.f32 v27, v57  }
0xf8: {  	v8 =	vor.u32 v5, v54;
	v28 =	vmul.f32 v28, v56;
	v30 =	vld.idx.msk [tilespmem:v30+s9+$0x0], $0xffff;
	v62 =	vmul.f32 v62, v57  }
0xf9: {  	v4 =	vor.u32 v13, v20;
	v40 =	vld.idx.msk [tilespmem:v40+s9+$0x0], $0xffff;
	v2 =	vor.u32 v9, v54;
	v27 =	vadd.f32 v27, v37  }
0xfa: {  	[tilespmem:v24+s12+$0x0] =	vst.idx.msk $0xffff, v29;
	v37 =	vld [tilespmem:$0x1FFA0];
	v28 =	vadd.f32 v62, v28;
	v62 =	vsub.f32 v26, v34  }
0xfb: {  	v5 =	vor.u32 v15, v20;
	[tilespmem:v42+s12+$0x0] =	vst.idx.msk $0xffff, v23;
	v23 =	vld.idx.msk [tilespmem:v43+s9+$0x0], $0xffff  }
0xfc: {  	v43 =	vld.idx.msk [tilespmem:v25+s9+$0x0], $0xffff;
	v63 =	vsub.f32 $1.000000000e+00, v62  }
0xfd: {  	s30 =	sadd.s32 $0x20, s20;
	v25 =	vld.idx.msk [tilespmem:v39+s9+$0x0], $0xffff  }
0xfe: {  	v29 =	vor.u32 v52, v14;
	[tilespmem:v8+s12+$0x0] =	vst.idx.msk $0xffff, v28;
	v8 =	vmov s30;
	v24 =	vmul.f32 v63, v40;
	v40 =	vld [tilespmem:$0x1FFA0]  }
0xff: {  	v7 =	vlaneseq.u32;
	v26 =	vor.u32 v51, v14;
	v1 =	vshll.u32 v8, $0x5;
	[tilespmem:v2+s12+$0x0] =	vst.idx.msk $0xffff, v27;
	v2 =	vld.idx.msk [tilespmem:v4+s9+$0x0], $0xffff  }
0x100: {  	v28 =	vor.u32 v53, v14;
	v9 =	vmul.f32 v62, v33;
	v4 =	vld.idx.msk [tilespmem:v5+s9+$0x0], $0xffff;
	v14 =	vor.u32 v6, v1  }
0x101: {  	v39 =	vld [tilespmem:$0x1FFD0];
	v3 =	vmul.f32 v62, v10;
	v0 =	vmul.f32 v62, v0;
	v10 =	vor.u32 v7, v14  }
0x102: {  	v30 =	vmul.f32 v63, v30;
	v1 =	vld.idx.msk [tilespmem:v36+s9+$0x0], $0xffff;
	v34 =	vor.u32 v37, v61;
	v42 =	vor.u32 v12, v14  }
0x103: {  	v29 =	vld.idx.msk [tilespmem:v29+s9+$0x0], $0xffff;
	v8 =	vor.u32 v13, v14;
	v23 =	vmul.f32 v62, v23;
	v36 =	vor.u32 v40, v60  }
0x104: {  	v37 =	vld [tilespmem:$0x1FFC0];
	[tilespmem:$0x1FDF0] =	vst v43;
	v5 =	vadd.f32 v30, v9;
	v30 =	vor.u32 v15, v14;
	v2 =	vmul.f32 v2, v63  }
0x105: {  	v26 =	vld.idx.msk [tilespmem:v26+s9+$0x0], $0xffff;
	v3 =	vadd.f32 v24, v3;
	v9 =	vor.u32 v16, v19;
	v4 =	vmul.f32 v4, v63  }
0x106: {  	v28 =	vld.idx.msk [tilespmem:v28+s9+$0x0], $0xffff;
	[tilespmem:v10+s12+$0x0] =	vst.idx.msk $0xffff, v5;
	v10 =	vor.u32 v17, v19;
	v2 =	vadd.f32 v2, v23  }
0x107: {  	v40 =	vor.u32 v16, v20;
	v0 =	vadd.f32 v4, v0;
	[tilespmem:v42+s12+$0x0] =	vst.idx.msk $0xffff, v3;
	v4 =	vld.idx.msk [tilespmem:v34+s9+$0x0], $0xffff  }
0x108: {  	[tilespmem:v8+s12+$0x0] =	vst.idx.msk $0xffff, v2;
	v43 =	vld.idx.msk [tilespmem:v36+s9+$0x0], $0xffff  }
0x109: {  	v42 =	vor.u32 v17, v20;
	[tilespmem:v30+s12+$0x0] =	vst.idx.msk $0xffff, v0;
	v36 =	vld [tilespmem:$0x1FFB0]  }
0x10a: {  	v30 =	vmul.f32 v31, v58;
	v31 =	vld.idx.msk [tilespmem:v9+s9+$0x0], $0xffff  }
0x10b: {  	v23 =	vor.u32 v50, v55;
	v8 =	vor.u32 v18, v19;
	v5 =	vld.idx.msk [tilespmem:v10+s9+$0x0], $0xffff  }
0x10c: {  	v25 =	vmul.f32 v25, v59;
	v3 =	vld.idx.msk [tilespmem:v40+s9+$0x0], $0xffff  }
0x10d: {  	v9 =	vor.u32 v38, v19;
	v40 =	vld [tilespmem:$0x1FFB0]  }
0x10e: {  	v10 =	vor.u32 v18, v20;
	v25 =	vadd.f32 v25, v30;
	v2 =	vld.idx.msk [tilespmem:v42+s9+$0x0], $0xffff  }
0x10f: {  	v30 =	vor.u32 v38, v20;
	v42 =	vld [tilespmem:$0x1FFC0]  }
0x110: {  	[tilespmem:v23+s12+$0x0] =	vst.idx.msk $0xffff, v25;
	v0 =	vld.idx.msk [tilespmem:v8+s9+$0x0], $0xffff;
	v25 =	vor.u32 v37, v61  }
0x111: {  	v23 =	vor.u32 v36, v61;
	v24 =	vmul.f32 v43, v57;
	v43 =	vld [tilespmem:$0x1FFD0]  }
0x112: {  	v36 =	vor.u32 v39, v61;
	v33 =	vld.idx.msk [tilespmem:v9+s9+$0x0], $0xffff  }
0x113: {  	v37 =	vor.u32 v40, v60;
	v34 =	vld.idx.msk [tilespmem:v10+s9+$0x0], $0xffff;
	v40 =	vor.u32 v16, v14  }
0x114: {  	v31 =	vmul.f32 v31, v62;
	v3 =	vmul.f32 v3, v63;
	v9 =	vor.u32 v17, v14;
	v30 =	vld.idx.msk [tilespmem:v30+s9+$0x0], $0xffff  }
0x115: {  	v5 =	vmul.f32 v5, v62;
	v2 =	vmul.f32 v2, v63;
	v25 =	vld.idx.msk [tilespmem:v25+s9+$0x0], $0xffff  }
0x116: {  	v39 =	vor.u32 v42, v60;
	v3 =	vadd.f32 v3, v31;
	v23 =	vld.idx.msk [tilespmem:v23+s9+$0x0], $0xffff  }
0x117: {  	v4 =	vmul.f32 v4, v56;
	v2 =	vadd.f32 v2, v5;
	v42 =	vor.u32 v43, v60;
	v36 =	vld.idx.msk [tilespmem:v36+s9+$0x0], $0xffff  }
0x118: {  	v8 =	vor.u32 v38, v14;
	v10 =	vor.u32 v18, v14;
	v37 =	vld.idx.msk [tilespmem:v37+s9+$0x0], $0xffff;
	[tilespmem:v40+s12+$0x0] =	vst.idx.msk $0xffff, v3  }
0x119: {  	v0 =	vmul.f32 v0, v62;
	v31 =	vmul.f32 v34, v63;
	[tilespmem:v9+s12+$0x0] =	vst.idx.msk $0xffff, v2;
	v9 =	vld [tilespmem:$0x1FFA0]  }
0x11a: {  	v43 =	vor.u32 v21, v19;
	v33 =	vmul.f32 v33, v62;
	v40 =	vld [tilespmem:$0x1FFB0];
	v30 =	vmul.f32 v30, v63  }
0x11b: {  	v3 =	vor.u32 v32, v19;
	v0 =	vadd.f32 v31, v0;
	v31 =	vld.idx.msk [tilespmem:v39+s9+$0x0], $0xffff  }
0x11c: {  	v4 =	vadd.f32 v24, v4;
	v30 =	vadd.f32 v30, v33;
	v24 =	vld.idx.msk [tilespmem:v42+s9+$0x0], $0xffff  }
0x11d: {  	v2 =	vor.u32 v21, v20;
	[tilespmem:v10+s12+$0x0] =	vst.idx.msk $0xffff, v0;
	v42 =	vld [tilespmem:$0x1FFC0]  }
0x11e: {  	v0 =	vor.u32 v32, v20;
	[tilespmem:v8+s12+$0x0] =	vst.idx.msk $0xffff, v30;
	v8 =	vld [tilespmem:$0x1FFE0];
	v5 =	vor.u32 v9, v54  }
0x11f: {  	v39 =	vor.u32 v41, v19;
	v10 =	vmul.f32 v37, v57;
	v34 =	vor.u32 v40, v54;
	v37 =	vld.idx.msk [tilespmem:v43+s9+$0x0], $0xffff  }
0x120: {  	v23 =	vmul.f32 v23, v56;
	v3 =	vld.idx.msk [tilespmem:v3+s9+$0x0], $0xffff  }
0x121: {  	v30 =	vor.u32 v35, v19;
	v43 =	vld [tilespmem:$0x1FFD0]  }
0x122: {  	v2 =	vld.idx.msk [tilespmem:v2+s9+$0x0], $0xffff;
	v23 =	vadd.f32 v10, v23;
	v40 =	vor.u32 v42, v54;
	v42 =	vor.u32 v35, v20  }
0x123: {  	v25 =	vmul.f32 v25, v56;
	v9 =	vor.u32 v41, v20;
	v0 =	vld.idx.msk [tilespmem:v0+s9+$0x0], $0xffff;
	[tilespmem:v5+s12+$0x0] =	vst.idx.msk $0xffff, v4  }
0x124: {  	v31 =	vmul.f32 v31, v57;
	v10 =	vmul.f32 v36, v56;
	[tilespmem:v34+s12+$0x0] =	vst.idx.msk $0xffff, v23;
	v23 =	vld.idx.msk [tilespmem:v39+s9+$0x0], $0xffff  }
0x125: {  	v27 =	vmov v6;
	v24 =	vmul.f32 v24, v57;
	v5 =	vmul.f32 v26, v59;
	v39 =	vld [tilespmem:$0x1FFE0]  }
0x126: {  	v43 =	vor.u32 v43, v54;
	v4 =	vld.idx.msk [tilespmem:v30+s9+$0x0], $0xffff;
	v26 =	vmul.f32 v29, v59;
	v37 =	vmul.f32 v37, v62  }
0x127: {  	v2 =	vmul.f32 v2, v63;
	v29 =	vor.u32 v21, v14;
	v30 =	vor.u32 v8, v61;
	v36 =	vld.idx.msk [tilespmem:v42+s9+$0x0], $0xffff  }
0x128: {  	v33 =	vor.u32 v32, v14;
	v25 =	vadd.f32 v31, v25;
	v24 =	vadd.f32 v24, v10;
	v6 =	vld.idx.msk [tilespmem:v9+s9+$0x0], $0xffff  }
0x129: {  	v3 =	vmul.f32 v3, v62;
	v2 =	vadd.f32 v2, v37;
	v37 =	vld [tilespmem:$0x1FF70];
	v0 =	vmul.f32 v0, v63  }
0x12a: {  	v10 =	vor.u32 v41, v14;
	v34 =	vld [tilespmem:$0x1FF90];
	[tilespmem:v40+s12+$0x0] =	vst.idx.msk $0xffff, v25;
	v31 =	vor.u32 v39, v60  }
0x12b: {  	v40 =	vor.u32 v35, v14;
	v42 =	vld [tilespmem:s19+$0x10];
	[tilespmem:v43+s12+$0x0] =	vst.idx.msk $0xffff, v24;
	v0 =	vadd.f32 v0, v3  }
0x12c: {  	v4 =	vmul.f32 v4, v62;
	[tilespmem:v29+s12+$0x0] =	vst.idx.msk $0xffff, v2;
	v24 =	vld.idx.msk [tilespmem:v30+s9+$0x0], $0xffff;
	v9 =	vmul.f32 v36, v63  }
0x12d: {  	v6 =	vmul.f32 v6, v63;
	v23 =	vmul.f32 v23, v62;
	[tilespmem:v33+s12+$0x0] =	vst.idx.msk $0xffff, v0;
	v33 =	vld [tilespmem:$0x1FF80]  }
0x12e: {  	v43 =	vor.u32 v11, v19;
	v0 =	vor.u32 v37, v19;
	v37 =	vld [tilespmem:$0x1FF80];
	v4 =	vadd.f32 v9, v4  }
0x12f: {  	v2 =	vor.u32 v11, v20;
	v6 =	vadd.f32 v6, v23;
	v39 =	vld.idx.msk [tilespmem:v31+s9+$0x0], $0xffff  }
0x130: {  	v22 =	vmul.f32 v22, v58;
	[tilespmem:v40+s12+$0x0] =	vst.idx.msk $0xffff, v4;
	v40 =	vld [tilespmem:$0x1FF70]  }
0x131: {  	[tilespmem:v10+s12+$0x0] =	vst.idx.msk $0xffff, v6;
	v6 =	vmul.f32 $1.024000000e+03, v42;
	v42 =	vld [tilespmem:$0x1FFF0]  }
0x132: {  	v9 =	vld [tilespmem:$0x1FF70];
	v4 =	vadd.f32 v26, v22;
	v22 =	vor.u32 v51, v55  }
0x133: {  	v1 =	vmul.f32 v1, v58;
	v23 =	vor.u32 v52, v55;
	v31 =	vor.u32 v34, v19;
	v43 =	vld.idx.msk [tilespmem:v43+s9+$0x0], $0xffff  }
0x134: {  	v34 =	vor.u32 v37, v20;
	v2 =	vld.idx.msk [tilespmem:v2+s9+$0x0], $0xffff  }
0x135: {  	v1 =	vadd.f32 v5, v1;
	v5 =	vmul.f32 v39, v57;
	v39 =	vld [tilespmem:$0x1FF90];
	v3 =	vor.u32 v40, v20  }
0x136: {  	v29 =	vor.u32 v33, v19;
	v36 =	vmax.f32 v6, $0.0e+00;
	v25 =	vor.u32 v42, v61;
	v42 =	vld [tilespmem:$0x1FFF0]  }
0x137: {  	v0 =	vld.idx.msk [tilespmem:v0+s9+$0x0], $0xffff;
	v33 =	vmin.f32 v36, $1.023000000e+03;
	[tilespmem:v22+s12+$0x0] =	vst.idx.msk $0xffff, v1  }
0x138: {  	v33 =	vtrunc.f32 v33;
	[tilespmem:v23+s12+$0x0] =	vst.idx.msk $0xffff, v4;
	v4 =	vld.idx.msk [tilespmem:v31+s9+$0x0], $0xffff  }
0x139: {  	v30 =	vor.u32 v44, v61;
	v24 =	vmul.f32 v24, v56;
	v33 =	vcvt.f32.s32 v33;
	v31 =	vld.idx.msk [tilespmem:v34+s9+$0x0], $0xffff  }
0x13a: {  	v40 =	vor.u32 v39, v20;
	v3 =	vld.idx.msk [tilespmem:v3+s9+$0x0], $0xffff  }
0x13b: {  	v29 =	vld.idx.msk [tilespmem:v29+s9+$0x0], $0xffff;
	v5 =	vadd.f32 v5, v24;
	v8 =	vadd.s32 $0x1, v33;
	v22 =	vor.u32 v42, v60  }
0x13c: {  	v10 =	vld [tilespmem:$0x1FF80];
	v43 =	vmul.f32 v43, v62;
	v23 =	vshll.u32 v33, $0x5;
	vm1 =	vlt.s32 v8, $0x3FF  }
0x13d: {  	v2 =	vmul.f32 v2, v63;
	v34 =	vor.u32 v7, v23;
	v26 =	vnsel vm1, $0x3FF, v8;
	v25 =	vld.idx.msk [tilespmem:v25+s9+$0x0], $0xffff  }
0x13e: {  	v0 =	vmul.f32 v0, v62;
	v39 =	vor.u32 v12, v23;
	v24 =	vshll.u32 v26, $0x5;
	v26 =	vld.idx.msk [tilespmem:v30+s9+$0x0], $0xffff  }
0x13f: {  	v31 =	vmul.f32 v31, v63;
	v8 =	vor.u32 v13, v24;
	v36 =	vld.idx.msk [tilespmem:v40+s9+$0x0], $0xffff;
	v3 =	vmul.f32 v3, v63  }
0x140: {  	v30 =	vor.u32 v7, v24;
	v40 =	vor.u32 v13, v23;
	v42 =	vld.idx.msk [tilespmem:v22+s9+$0x0], $0xffff;
	v22 =	vmul.f32 v29, v62  }
0x141: {  	v29 =	vor.u32 v9, v14;
	v9 =	vld [tilespmem:$0x1FF90];
	v0 =	vadd.f32 v3, v0;
	v3 =	vor.u32 v11, v14  }
0x142: {  	v37 =	vor.u32 v44, v60;
	v2 =	vadd.f32 v2, v43;
	v34 =	vld.idx.msk [tilespmem:v34+s9+$0x0], $0xffff  }
0x143: {  	v43 =	vor.u32 v12, v24;
	v39 =	vld.idx.msk [tilespmem:v39+s9+$0x0], $0xffff;
	v31 =	vadd.f32 v31, v22;
	v22 =	vcvt.s32.f32 v33  }
0x144: {  	v4 =	vmul.f32 v4, v62;
	v7 =	vor.u32 v10, v14;
	v8 =	vld.idx.msk [tilespmem:v8+s9+$0x0], $0xffff;
	v36 =	vmul.f32 v36, v63  }
0x145: {  	s31 =	sadd.s32 $0x30, s20;
	v1 =	vor.u32 v45, v61;
	v33 =	vld.idx.msk [tilespmem:v40+s9+$0x0], $0xffff;
	v22 =	vsub.f32 v6, v22;
	v6 =	vor.u32 v15, v24  }
0x146: {  	v40 =	vmov s31;
	v9 =	vor.u32 v9, v14;
	v4 =	vadd.f32 v36, v4;
	[tilespmem:v3+s12+$0x0] =	vst.idx.msk $0xffff, v2;
	v3 =	vld.idx.msk [tilespmem:v30+s9+$0x0], $0xffff  }
0x147: {  	v2 =	vor.u32 v15, v23;
	v30 =	vmul.f32 v42, v57;
	v42 =	vshll.u32 v40, $0x5;
	v40 =	vld [tilespmem:$0x1FFB0]  }
0x148: {  	[tilespmem:v29+s12+$0x0] =	vst.idx.msk $0xffff, v0;
	v0 =	vld.idx.msk [tilespmem:v43+s9+$0x0], $0xffff;
	v29 =	vmul.f32 v25, v56;
	v25 =	vsub.f32 $1.000000000e+00, v22  }
0x149: {  	v39 =	vmul.f32 v22, v39;
	v43 =	vlaneseq.u32;
	[tilespmem:v7+s12+$0x0] =	vst.idx.msk $0xffff, v31;
	v31 =	vmul.f32 v26, v56  }
0x14a: {  	v37 =	vld.idx.msk [tilespmem:v37+s9+$0x0], $0xffff;
	v26 =	vor.u32 v27, v42;
	v33 =	vmul.f32 v22, v33;
	v8 =	vmul.f32 v8, v25  }
0x14b: {  	v1 =	vld.idx.msk [tilespmem:v1+s9+$0x0], $0xffff;
	[tilespmem:v9+s12+$0x0] =	vst.idx.msk $0xffff, v4;
	v4 =	vmul.f32 v22, v34;
	v34 =	vor.u32 v43, v26  }
0x14c: {  	v36 =	vld [tilespmem:$0x1FFA0];
	v9 =	vor.u32 v40, v19;
	v3 =	vmul.f32 v25, v3;
	v40 =	vor.u32 v12, v26  }
0x14d: {  	v42 =	vld [tilespmem:$0x1FFC0];
	v8 =	vadd.f32 v8, v33;
	v33 =	vor.u32 v13, v26;
	v0 =	vmul.f32 v25, v0  }
0x14e: {  	v6 =	vld.idx.msk [tilespmem:v6+s9+$0x0], $0xffff;
	v3 =	vadd.f32 v3, v4  }
0x14f: {  	v10 =	vor.u32 v45, v60;
	v2 =	vld.idx.msk [tilespmem:v2+s9+$0x0], $0xffff;
	v0 =	vadd.f32 v0, v39  }
0x150: {  	v39 =	vld [tilespmem:$0x1FFB0];
	[tilespmem:v34+s12+$0x0] =	vst.idx.msk $0xffff, v3  }
0x151: {  	v37 =	vmul.f32 v37, v57;
	[tilespmem:v40+s12+$0x0] =	vst.idx.msk $0xffff, v0;
	v40 =	vld [tilespmem:$0x1FFE0]  }
0x152: {  	v7 =	vor.u32 v36, v19;
	[tilespmem:v33+s12+$0x0] =	vst.idx.msk $0xffff, v8;
	v33 =	vld [tilespmem:$0x1FFF0]  }
0x153: {  	v29 =	vadd.f32 v30, v29;
	v30 =	vadd.f32 v37, v31;
	v31 =	vld [tilespmem:$0x1FFD0];
	v3 =	vor.u32 v15, v26  }
0x154: {  	v10 =	vld.idx.msk [tilespmem:v10+s9+$0x0], $0xffff;
	v36 =	vor.u32 v42, v19;
	v6 =	vmul.f32 v6, v25;
	v2 =	vmul.f32 v22, v2  }
0x155: {  	v4 =	vld [tilespmem:$0x1FFA0]  }
0x156: {  	v42 =	vld [tilespmem:$0x1FFD0];
	v34 =	vor.u32 v16, v23;
	v2 =	vadd.f32 v6, v2;
	v40 =	vor.u32 v40, v54  }
0x157: {  	v7 =	vld.idx.msk [tilespmem:v7+s9+$0x0], $0xffff;
	v39 =	vor.u32 v39, v20;
	v8 =	vor.u32 v33, v54  }
0x158: {  	v31 =	vor.u32 v31, v20;
	v9 =	vld.idx.msk [tilespmem:v9+s9+$0x0], $0xffff;
	[tilespmem:v3+s12+$0x0] =	vst.idx.msk $0xffff, v2;
	v2 =	vor.u32 v44, v54  }
0x159: {  	v36 =	vld.idx.msk [tilespmem:v36+s9+$0x0], $0xffff  }
0x15a: {  	v1 =	vmul.f32 v1, v56;
	v10 =	vmul.f32 v10, v57;
	v4 =	vor.u32 v4, v20;
	v6 =	vld [tilespmem:$0x1FFC0]  }
0x15b: {  	v0 =	vor.u32 v16, v24;
	v34 =	vld.idx.msk [tilespmem:v34+s9+$0x0], $0xffff;
	[tilespmem:v40+s12+$0x0] =	vst.idx.msk $0xffff, v5  }
0x15c: {  	v1 =	vadd.f32 v10, v1;
	v10 =	vor.u32 v38, v24;
	v3 =	vld.idx.msk [tilespmem:v39+s9+$0x0], $0xffff;
	[tilespmem:v8+s12+$0x0] =	vst.idx.msk $0xffff, v29  }
0x15d: {  	v33 =	vor.u32 v17, v23;
	[tilespmem:v2+s12+$0x0] =	vst.idx.msk $0xffff, v30;
	v30 =	vld.idx.msk [tilespmem:v31+s9+$0x0], $0xffff  }
0x15e: {  	v39 =	vor.u32 v17, v24;
	v31 =	vld [tilespmem:$0x1FFA0]  }
0x15f: {  	v42 =	vor.u32 v42, v19;
	v4 =	vld.idx.msk [tilespmem:v4+s9+$0x0], $0xffff  }
0x160: {  	v37 =	vor.u32 v18, v23;
	v0 =	vld.idx.msk [tilespmem:v0+s9+$0x0], $0xffff  }
0x161: {  	v10 =	vld.idx.msk [tilespmem:v10+s9+$0x0], $0xffff;
	v5 =	vor.u32 v45, v54;
	v40 =	vor.u32 v38, v23  }
0x162: {  	v8 =	vld.idx.msk [tilespmem:v33+s9+$0x0], $0xffff;
	v29 =	vor.u32 v18, v24  }
0x163: {  	v6 =	vor.u32 v6, v20;
	v2 =	vld.idx.msk [tilespmem:v39+s9+$0x0], $0xffff;
	v31 =	vor.u32 v31, v14  }
0x164: {  	v7 =	vmul.f32 v7, v62;
	v42 =	vld.idx.msk [tilespmem:v42+s9+$0x0], $0xffff;
	v4 =	vmul.f32 v4, v63  }
0x165: {  	v34 =	vmul.f32 v34, v22;
	v33 =	vld.idx.msk [tilespmem:v37+s9+$0x0], $0xffff;
	v39 =	vor.u32 v47, v61  }
0x166: {  	v37 =	vor.u32 v16, v26;
	v4 =	vadd.f32 v4, v7;
	[tilespmem:v5+s12+$0x0] =	vst.idx.msk $0xffff, v1;
	v1 =	vld.idx.msk [tilespmem:v40+s9+$0x0], $0xffff  }
0x167: {  	v0 =	vmul.f32 v0, v25;
	v40 =	vor.u32 v17, v26;
	v5 =	vld.idx.msk [tilespmem:v29+s9+$0x0], $0xffff;
	v8 =	vmul.f32 v8, v22  }
0x168: {  	v6 =	vld.idx.msk [tilespmem:v6+s9+$0x0], $0xffff;
	v2 =	vmul.f32 v2, v25;
	[tilespmem:v31+s12+$0x0] =	vst.idx.msk $0xffff, v4;
	v31 =	vor.u32 v48, v61  }
0x169: {  	v9 =	vmul.f32 v9, v62;
	v0 =	vadd.f32 v0, v34  }
0x16a: {  	v10 =	vmul.f32 v10, v25;
	v34 =	vor.u32 v18, v26;
	v2 =	vadd.f32 v2, v8;
	v4 =	vld.idx.msk [tilespmem:v39+s9+$0x0], $0xffff  }
0x16b: {  	v3 =	vmul.f32 v3, v63;
	[tilespmem:v37+s12+$0x0] =	vst.idx.msk $0xffff, v0;
	v33 =	vmul.f32 v33, v22;
	v39 =	vld [tilespmem:$0x1FFB0]  }
0x16c: {  	v5 =	vmul.f32 v5, v25;
	[tilespmem:v40+s12+$0x0] =	vst.idx.msk $0xffff, v2;
	v40 =	vor.u32 v38, v26  }
0x16d: {  	v3 =	vadd.f32 v3, v9;
	v29 =	vor.u32 v46, v61;
	v1 =	vmul.f32 v1, v22;
	v9 =	vld.idx.msk [tilespmem:v31+s9+$0x0], $0xffff  }
0x16e: {  	v0 =	vor.u32 v47, v60;
	v5 =	vadd.f32 v5, v33;
	v31 =	vld [tilespmem:$0x1FFC0]  }
0x16f: {  	v8 =	vor.u32 v46, v60;
	v1 =	vadd.f32 v10, v1  }
0x170: {  	v10 =	vor.u32 v21, v23;
	[tilespmem:v34+s12+$0x0] =	vst.idx.msk $0xffff, v5;
	v33 =	vor.u32 v39, v14  }
0x171: {  	v27 =	vld [tilespmem:$0x1FDF0];
	[tilespmem:v40+s12+$0x0] =	vst.idx.msk $0xffff, v1;
	v1 =	vor.u32 v21, v24  }
0x172: {  	v37 =	vor.u32 v48, v60;
	v29 =	vld.idx.msk [tilespmem:v29+s9+$0x0], $0xffff  }
0x173: {  	v6 =	vmul.f32 v6, v63;
	v0 =	vld.idx.msk [tilespmem:v0+s9+$0x0], $0xffff;
	v40 =	vmul.f32 v36, v62;
	v31 =	vor.u32 v31, v14  }
0x174: {  	v5 =	vor.u32 v32, v23;
	v8 =	vld.idx.msk [tilespmem:v8+s9+$0x0], $0xffff  }
0x175: {  	v2 =	vadd.f32 v6, v40;
	v40 =	vor.u32 v41, v23;
	[tilespmem:v33+s12+$0x0] =	vst.idx.msk $0xffff, v3;
	v3 =	vld.idx.msk [tilespmem:v10+s9+$0x0], $0xffff  }
0x176: {  	v34 =	vor.u32 v32, v24;
	v1 =	vld.idx.msk [tilespmem:v1+s9+$0x0], $0xffff  }
0x177: {  	v28 =	vmul.f32 v28, v59;
	v59 =	vor.u32 v41, v24;
	v7 =	vld.idx.msk [tilespmem:v37+s9+$0x0], $0xffff  }
0x178: {  	v36 =	vor.u32 v35, v23;
	[tilespmem:v31+s12+$0x0] =	vst.idx.msk $0xffff, v2;
	v31 =	vld [tilespmem:$0x1FFD0]  }
0x179: {  	v27 =	vmul.f32 v27, v58;
	v58 =	vor.u32 v35, v24;
	v5 =	vld.idx.msk [tilespmem:v5+s9+$0x0], $0xffff  }
0x17a: {  	v29 =	vmul.f32 v29, v56;
	v8 =	vmul.f32 v8, v57;
	v6 =	vld.idx.msk [tilespmem:v40+s9+$0x0], $0xffff;
	v40 =	vor.u32 v21, v26  }
0x17b: {  	v34 =	vld.idx.msk [tilespmem:v34+s9+$0x0], $0xffff;
	v3 =	vmul.f32 v3, v22;
	v1 =	vmul.f32 v1, v25  }
0x17c: {  	v30 =	vmul.f32 v30, v63;
	v8 =	vadd.f32 v8, v29;
	v29 =	vmul.f32 v42, v62;
	v2 =	vld.idx.msk [tilespmem:v59+s9+$0x0], $0xffff  }
0x17d: {  	v37 =	vor.u32 v49, v60;
	v36 =	vld.idx.msk [tilespmem:v36+s9+$0x0], $0xffff;
	v1 =	vadd.f32 v1, v3;
	v31 =	vor.u32 v31, v14  }
0x17e: {  	v27 =	vadd.f32 v28, v27;
	v10 =	vor.u32 v49, v61;
	v29 =	vadd.f32 v30, v29;
	v30 =	vld.idx.msk [tilespmem:v58+s9+$0x0], $0xffff  }
0x17f: {  	v28 =	vor.u32 v53, v55;
	v0 =	vmul.f32 v0, v57;
	[tilespmem:v40+s12+$0x0] =	vst.idx.msk $0xffff, v1;
	v40 =	vld [tilespmem:$0x1FF70]  }
0x180: {  	v4 =	vmul.f32 v4, v56;
	v39 =	vor.u32 v11, v23;
	v42 =	vor.u32 v32, v26  }
0x181: {  	v55 =	vld [tilespmem:$0x1FFF0];
	v58 =	vor.u32 v35, v26;
	v6 =	vmul.f32 v6, v22;
	v2 =	vmul.f32 v2, v25  }
0x182: {  	v37 =	vld.idx.msk [tilespmem:v37+s9+$0x0], $0xffff;
	v5 =	vmul.f32 v5, v22;
	[tilespmem:v31+s12+$0x0] =	vst.idx.msk $0xffff, v29;
	v29 =	vmul.f32 v34, v25  }
0x183: {  	v10 =	vld.idx.msk [tilespmem:v10+s9+$0x0], $0xffff;
	v59 =	vor.u32 v41, v26;
	v30 =	vmul.f32 v30, v25;
	v2 =	vadd.f32 v2, v6  }
0x184: {  	v6 =	vor.u32 v40, v24;
	v40 =	vld [tilespmem:$0x1FF90];
	v5 =	vadd.f32 v29, v5;
	v29 =	vmul.f32 v36, v22  }
0x185: {  	v0 =	vadd.f32 v0, v4;
	v4 =	vmul.f32 v9, v56;
	v9 =	vor.u32 v46, v54;
	v31 =	vld [tilespmem:$0x1FFE0]  }
0x186: {  	v33 =	vor.u32 v47, v54;
	v3 =	vor.u32 v11, v24;
	v29 =	vadd.f32 v30, v29;
	v30 =	vld [tilespmem:$0x1FF70]  }
0x187: {  	[tilespmem:v42+s12+$0x0] =	vst.idx.msk $0xffff, v5;
	v42 =	vld [tilespmem:$0x1FF80]  }
0x188: {  	[tilespmem:v58+s12+$0x0] =	vst.idx.msk $0xffff, v29;
	v58 =	vmul.f32 v37, v57;
	v37 =	vld [tilespmem:$0x1FF80]  }
0x189: {  	v5 =	vor.u32 v48, v54;
	[tilespmem:v59+s12+$0x0] =	vst.idx.msk $0xffff, v2;
	v59 =	vld [tilespmem:$0x1FF90]  }
0x18a: {  	v7 =	vmul.f32 v7, v57;
	[tilespmem:v9+s12+$0x0] =	vst.idx.msk $0xffff, v8;
	v1 =	vld.idx.msk [tilespmem:v39+s9+$0x0], $0xffff  }
0x18b: {  	[tilespmem:v33+s12+$0x0] =	vst.idx.msk $0xffff, v0;
	v31 =	vor.u32 v31, v19;
	v0 =	vld.idx.msk [tilespmem:v3+s9+$0x0], $0xffff  }
0x18c: {  	v4 =	vadd.f32 v7, v4;
	v29 =	vor.u32 v49, v54;
	v3 =	vor.u32 v40, v24;
	v40 =	vld [tilespmem:$0x1FF90]  }
0x18d: {  	v9 =	vor.u32 v50, v61;
	v10 =	vmul.f32 v10, v56;
	v2 =	vor.u32 v42, v23;
	v42 =	vld [tilespmem:$0x1FFE0]  }
0x18e: {  	[tilespmem:v5+s12+$0x0] =	vst.idx.msk $0xffff, v4;
	v5 =	vld.idx.msk [tilespmem:v6+s9+$0x0], $0xffff  }
0x18f: {  	v33 =	vor.u32 v52, v61;
	v39 =	vadd.f32 v58, v10;
	v6 =	vor.u32 v55, v19;
	v55 =	vld [tilespmem:$0x1FF70]  }
0x190: {  	v31 =	vld.idx.msk [tilespmem:v31+s9+$0x0], $0xffff  }
0x191: {  	v58 =	vor.u32 v44, v19;
	[tilespmem:v29+s12+$0x0] =	vst.idx.msk $0xffff, v39;
	v29 =	vld [tilespmem:$0x1FFF0]  }
0x192: {  	v9 =	vld.idx.msk [tilespmem:v9+s9+$0x0], $0xffff  }
0x193: {  	v10 =	vor.u32 v51, v61;
	v36 =	vor.u32 v59, v23;
	v59 =	vor.u32 v11, v26;
	v11 =	vld [tilespmem:$0x1FFD0]  }
0x194: {  	v30 =	vor.u32 v30, v23;
	v33 =	vld.idx.msk [tilespmem:v33+s9+$0x0], $0xffff  }
0x195: {  	v3 =	vld.idx.msk [tilespmem:v3+s9+$0x0], $0xffff  }
0x196: {  	v34 =	vld.idx.msk [tilespmem:v58+s9+$0x0], $0xffff  }
0x197: {  	v8 =	vor.u32 v37, v24;
	v58 =	vld [tilespmem:$0x1FF80]  }
0x198: {  	v39 =	vor.u32 v50, v60;
	v10 =	vld.idx.msk [tilespmem:v10+s9+$0x0], $0xffff  }
0x199: {  	v7 =	vld.idx.msk [tilespmem:v30+s9+$0x0], $0xffff  }
0x19a: {  	v2 =	vld.idx.msk [tilespmem:v2+s9+$0x0], $0xffff  }
0x19b: {  	v1 =	vmul.f32 v1, v22;
	v0 =	vmul.f32 v0, v25;
	v4 =	vor.u32 v42, v20;
	v6 =	vld.idx.msk [tilespmem:v6+s9+$0x0], $0xffff  }
0x19c: {  	v42 =	vor.u32 v44, v20;
	v8 =	vld.idx.msk [tilespmem:v8+s9+$0x0], $0xffff  }
0x19d: {  	v0 =	vadd.f32 v0, v1;
	v39 =	vld.idx.msk [tilespmem:v39+s9+$0x0], $0xffff  }
0x19e: {  	v1 =	vor.u32 v45, v19;
	v30 =	vld.idx.msk [tilespmem:v36+s9+$0x0], $0xffff  }
0x19f: {  	[tilespmem:v59+s12+$0x0] =	vst.idx.msk $0xffff, v0;
	v0 =	vor.u32 v58, v26;
	v58 =	vld [tilespmem:$0x1FFC0]  }
0x1a0: {  	v29 =	vor.u32 v29, v20;
	v4 =	vld.idx.msk [tilespmem:v4+s9+$0x0], $0xffff  }
0x1a1: {  	v5 =	vmul.f32 v5, v25;
	v7 =	vmul.f32 v7, v22;
	v36 =	vld.idx.msk [tilespmem:v42+s9+$0x0], $0xffff  }
0x1a2: {  	v59 =	vor.u32 v45, v20;
	v42 =	vld [tilespmem:$0x1FFB0]  }
0x1a3: {  	v1 =	vld.idx.msk [tilespmem:v1+s9+$0x0], $0xffff;
	v5 =	vadd.f32 v5, v7;
	v7 =	vor.u32 v55, v26  }
0x1a4: {  	v2 =	vmul.f32 v2, v22;
	v8 =	vmul.f32 v8, v25;
	v55 =	vld [tilespmem:$0x1FFE0]  }
0x1a5: {  	v29 =	vld.idx.msk [tilespmem:v29+s9+$0x0], $0xffff  }
0x1a6: {  	v2 =	vadd.f32 v8, v2;
	v8 =	vor.u32 v40, v26;
	v40 =	vld [tilespmem:$0x1FFA0]  }
0x1a7: {  	v31 =	vmul.f32 v31, v62;
	v59 =	vld.idx.msk [tilespmem:v59+s9+$0x0], $0xffff  }
0x1a8: {  	v4 =	vmul.f32 v4, v63;
	[tilespmem:v7+s12+$0x0] =	vst.idx.msk $0xffff, v5;
	v5 =	vor.u32 v42, v23;
	v42 =	vld [tilespmem:$0x1FFF0]  }
0x1a9: {  	v3 =	vmul.f32 v3, v25;
	v30 =	vmul.f32 v30, v22;
	v7 =	vor.u32 v55, v14;
	v55 =	vld [tilespmem:$0x1FFB0]  }
0x1aa: {  	v4 =	vadd.f32 v4, v31;
	v31 =	vld [tilespmem:$0x1FFC0];
	[tilespmem:v0+s12+$0x0] =	vst.idx.msk $0xffff, v2;
	v0 =	vor.u32 v58, v23  }
0x1ab: {  	v3 =	vadd.f32 v3, v30;
	v30 =	vld [tilespmem:$0x1FFA0];
	v37 =	vor.u32 v40, v24  }
0x1ac: {  	v58 =	vld [tilespmem:$0x1FFD0];
	v40 =	vor.u32 v53, v61  }
0x1ad: {  	[tilespmem:v8+s12+$0x0] =	vst.idx.msk $0xffff, v3;
	v61 =	vld [tilespmem:$0x1FFB0]  }
0x1ae: {  	v9 =	vmul.f32 v9, v56;
	v6 =	vmul.f32 v6, v62;
	v8 =	vor.u32 v55, v24;
	v5 =	vld.idx.msk [tilespmem:v5+s9+$0x0], $0xffff  }
0x1af: {  	v39 =	vmul.f32 v39, v57;
	v3 =	vor.u32 v42, v14;
	v31 =	vor.u32 v31, v24;
	v0 =	vld.idx.msk [tilespmem:v0+s9+$0x0], $0xffff  }
0x1b0: {  	v29 =	vmul.f32 v29, v63;
	v2 =	vmul.f32 v59, v63;
	v59 =	vld.idx.msk [tilespmem:v37+s9+$0x0], $0xffff  }
0x1b1: {  	v9 =	vadd.f32 v39, v9;
	v30 =	vor.u32 v30, v23;
	v39 =	vld.idx.msk [tilespmem:v40+s9+$0x0], $0xffff  }
0x1b2: {  	v6 =	vadd.f32 v29, v6;
	v37 =	vor.u32 v11, v24;
	v11 =	vld [tilespmem:$0x1FFC0]  }
0x1b3: {  	[tilespmem:v7+s12+$0x0] =	vst.idx.msk $0xffff, v4;
	v7 =	vor.u32 v58, v23;
	v42 =	vld.idx.msk [tilespmem:v8+s9+$0x0], $0xffff  }
0x1b4: {  	v34 =	vmul.f32 v34, v62;
	v36 =	vmul.f32 v36, v63;
	[tilespmem:v3+s12+$0x0] =	vst.idx.msk $0xffff, v6;
	v55 =	vld.idx.msk [tilespmem:v31+s9+$0x0], $0xffff  }
0x1b5: {  	v6 =	vor.u32 v51, v60;
	v8 =	vor.u32 v52, v60;
	v31 =	vor.u32 v53, v60;
	v60 =	vld [tilespmem:$0x1FFA0]  }
0x1b6: {  	v30 =	vld.idx.msk [tilespmem:v30+s9+$0x0], $0xffff  }
0x1b7: {  	v29 =	vadd.f32 v36, v34;
	v34 =	vor.u32 v44, v14;
	v40 =	vld [tilespmem:$0x1FFE0]  }
0x1b8: {  	v1 =	vmul.f32 v1, v62;
	v7 =	vld.idx.msk [tilespmem:v7+s9+$0x0], $0xffff  }
0x1b9: {  	v4 =	vor.u32 v45, v14;
	v5 =	vmul.f32 v5, v22;
	v58 =	vld.idx.msk [tilespmem:v37+s9+$0x0], $0xffff;
	v36 =	vmul.f32 v59, v25  }
0x1ba: {  	v3 =	vmul.f32 v42, v25;
	v37 =	vor.u32 v60, v26;
	v6 =	vld.idx.msk [tilespmem:v6+s9+$0x0], $0xffff;
	v42 =	vor.u32 v47, v20  }
0x1bb: {  	v1 =	vadd.f32 v2, v1;
	v30 =	vmul.f32 v30, v22;
	v2 =	vmul.f32 v55, v25;
	v55 =	vld [tilespmem:$0x1FFD0]  }
0x1bc: {  	[tilespmem:v34+s12+$0x0] =	vst.idx.msk $0xffff, v29;
	v29 =	vor.u32 v46, v20;
	v0 =	vmul.f32 v0, v22;
	v8 =	vld.idx.msk [tilespmem:v8+s9+$0x0], $0xffff  }
0x1bd: {  	v59 =	vor.u32 v61, v26;
	v30 =	vadd.f32 v36, v30;
	v3 =	vadd.f32 v3, v5;
	v5 =	vld.idx.msk [tilespmem:v31+s9+$0x0], $0xffff  }
0x1be: {  	[tilespmem:v4+s12+$0x0] =	vst.idx.msk $0xffff, v1;
	v1 =	vor.u32 v46, v19;
	v31 =	vmul.f32 v58, v25;
	v58 =	vld [tilespmem:$0x1FFE0]  }
0x1bf: {  	v4 =	vor.u32 v47, v19;
	v36 =	vor.u32 v11, v26;
	[tilespmem:v37+s12+$0x0] =	vst.idx.msk $0xffff, v30;
	v37 =	vld.idx.msk [tilespmem:v42+s9+$0x0], $0xffff  }
0x1c0: {  	v0 =	vadd.f32 v2, v0;
	v2 =	vor.u32 v55, v26;
	v42 =	vld [tilespmem:$0x1FFF0];
	v55 =	vor.u32 v48, v19  }
0x1c1: {  	[tilespmem:v28+s12+$0x0] =	vst.idx.msk $0xffff, v27;
	v7 =	vmul.f32 v7, v22;
	v30 =	vld [tilespmem:$0x1FFF0]  }
0x1c2: {  	v29 =	vld.idx.msk [tilespmem:v29+s9+$0x0], $0xffff;
	[tilespmem:v59+s12+$0x0] =	vst.idx.msk $0xffff, v3;
	v59 =	vor.u32 v44, v23  }
0x1c3: {  	v10 =	vmul.f32 v10, v56;
	v1 =	vld.idx.msk [tilespmem:v1+s9+$0x0], $0xffff;
	v7 =	vadd.f32 v31, v7;
	v34 =	vor.u32 v58, v23  }
0x1c4: {  	v4 =	vld.idx.msk [tilespmem:v4+s9+$0x0], $0xffff;
	v31 =	vor.u32 v50, v54;
	[tilespmem:v36+s12+$0x0] =	vst.idx.msk $0xffff, v0;
	v0 =	vor.u32 v40, v24  }
0x1c5: {  	v36 =	vor.u32 v51, v54;
	[tilespmem:v2+s12+$0x0] =	vst.idx.msk $0xffff, v7;
	v2 =	vor.u32 v42, v24;
	v42 =	vld.idx.msk [tilespmem:v55+s9+$0x0], $0xffff  }
0x1c6: {  	v6 =	vmul.f32 v6, v57;
	v30 =	vor.u32 v30, v23;
	v28 =	vmul.f32 v37, v63;
	v37 =	vld [tilespmem:$0x1FFF0]  }
0x1c7: {  	v40 =	vor.u32 v44, v24;
	v3 =	vld.idx.msk [tilespmem:v59+s9+$0x0], $0xffff  }
0x1c8: {  	v33 =	vmul.f32 v33, v56;
	v6 =	vadd.f32 v6, v10;
	v34 =	vld.idx.msk [tilespmem:v34+s9+$0x0], $0xffff  }
0x1c9: {  	v8 =	vmul.f32 v8, v57;
	v58 =	vor.u32 v45, v23;
	[tilespmem:v31+s12+$0x0] =	vst.idx.msk $0xffff, v9;
	v0 =	vld.idx.msk [tilespmem:v0+s9+$0x0], $0xffff  }
0x1ca: {  	v7 =	vor.u32 v52, v54;
	v59 =	vor.u32 v45, v24;
	[tilespmem:v36+s12+$0x0] =	vst.idx.msk $0xffff, v6;
	v36 =	vld [tilespmem:$0x1FFE0]  }
0x1cb: {  	v1 =	vmul.f32 v1, v62;
	v30 =	vld.idx.msk [tilespmem:v30+s9+$0x0], $0xffff  }
0x1cc: {  	v8 =	vadd.f32 v8, v33;
	v33 =	vmul.f32 v29, v63;
	v4 =	vmul.f32 v4, v62;
	v40 =	vld.idx.msk [tilespmem:v40+s9+$0x0], $0xffff  }
0x1cd: {  	v27 =	vor.u32 v49, v19;
	v39 =	vmul.f32 v39, v56;
	v29 =	vor.u32 v48, v20;
	v2 =	vld.idx.msk [tilespmem:v2+s9+$0x0], $0xffff  }
0x1ce: {  	v31 =	vor.u32 v49, v20;
	v1 =	vadd.f32 v33, v1;
	v55 =	vld.idx.msk [tilespmem:v58+s9+$0x0], $0xffff;
	v4 =	vadd.f32 v28, v4  }
0x1cf: {  	[tilespmem:v7+s12+$0x0] =	vst.idx.msk $0xffff, v8;
	v8 =	vmul.f32 v42, v62;
	v42 =	vor.u32 v45, v26;
	v9 =	vld.idx.msk [tilespmem:v59+s9+$0x0], $0xffff  }
0x1d0: {  	v3 =	vmul.f32 v3, v22;
	v28 =	vmul.f32 v30, v22;
	v30 =	vor.u32 v36, v26  }
0x1d1: {  	v59 =	vor.u32 v37, v26;
	v58 =	vmul.f32 v34, v22;
	v0 =	vmul.f32 v0, v25  }
0x1d2: {  	v27 =	vld.idx.msk [tilespmem:v27+s9+$0x0], $0xffff;
	v7 =	vmul.f32 v40, v25;
	v40 =	vor.u32 v44, v26;
	v2 =	vmul.f32 v2, v25  }
0x1d3: {  	v31 =	vld.idx.msk [tilespmem:v31+s9+$0x0], $0xffff;
	v6 =	vmul.f32 v55, v22;
	v34 =	vor.u32 v46, v14;
	v0 =	vadd.f32 v0, v58  }
0x1d4: {  	v9 =	vmul.f32 v9, v25;
	v2 =	vadd.f32 v2, v28;
	v28 =	vld.idx.msk [tilespmem:v29+s9+$0x0], $0xffff;
	v29 =	vor.u32 v46, v23  }
0x1d5: {  	v55 =	vor.u32 v47, v23;
	v3 =	vadd.f32 v7, v3;
	[tilespmem:v30+s12+$0x0] =	vst.idx.msk $0xffff, v0  }
0x1d6: {  	v58 =	vor.u32 v46, v24;
	v6 =	vadd.f32 v9, v6;
	[tilespmem:v59+s12+$0x0] =	vst.idx.msk $0xffff, v2  }
0x1d7: {  	v33 =	vor.u32 v48, v24;
	v59 =	vor.u32 v47, v14;
	[tilespmem:v40+s12+$0x0] =	vst.idx.msk $0xffff, v3  }
0x1d8: {  	v27 =	vmul.f32 v27, v62;
	v3 =	vor.u32 v48, v23;
	[tilespmem:v42+s12+$0x0] =	vst.idx.msk $0xffff, v6  }
0x1d9: {  	v10 =	vor.u32 v48, v14;
	v31 =	vmul.f32 v31, v63;
	v30 =	vor.u32 v47, v24;
	v29 =	vld.idx.msk [tilespmem:v29+s9+$0x0], $0xffff  }
0x1da: {  	v40 =	vor.u32 v49, v23;
	v42 =	vmul.f32 v28, v63;
	v28 =	vor.u32 v49, v14;
	v0 =	vld.idx.msk [tilespmem:v55+s9+$0x0], $0xffff  }
0x1db: {  	v5 =	vmul.f32 v5, v57;
	[tilespmem:v34+s12+$0x0] =	vst.idx.msk $0xffff, v1;
	v2 =	vld.idx.msk [tilespmem:v58+s9+$0x0], $0xffff;
	v58 =	vor.u32 v49, v24  }
0x1dc: {  	v55 =	vadd.f32 v42, v8;
	[tilespmem:v59+s12+$0x0] =	vst.idx.msk $0xffff, v4;
	v59 =	vadd.f32 v31, v27;
	v27 =	vld.idx.msk [tilespmem:v33+s9+$0x0], $0xffff  }
0x1dd: {  	v56 =	vor.u32 v51, v19;
	v57 =	vor.u32 v52, v19;
	v5 =	vadd.f32 v5, v39;
	v3 =	vld.idx.msk [tilespmem:v3+s9+$0x0], $0xffff  }
0x1de: {  	v39 =	vor.u32 v50, v23;
	v42 =	vor.u32 v50, v19;
	[tilespmem:v10+s12+$0x0] =	vst.idx.msk $0xffff, v55;
	v55 =	vld.idx.msk [tilespmem:v30+s9+$0x0], $0xffff  }
0x1df: {  	v40 =	vld.idx.msk [tilespmem:v40+s9+$0x0], $0xffff;
	v30 =	vor.u32 v50, v20;
	[tilespmem:v28+s12+$0x0] =	vst.idx.msk $0xffff, v59;
	v28 =	vor.u32 v46, v26  }
0x1e0: {  	v19 =	vor.u32 v53, v19;
	v7 =	vld.idx.msk [tilespmem:v58+s9+$0x0], $0xffff;
	v29 =	vmul.f32 v29, v22;
	v2 =	vmul.f32 v2, v25  }
0x1e1: {  	v31 =	vor.u32 v51, v20;
	v59 =	vor.u32 v48, v26;
	v58 =	vor.u32 v52, v20  }
0x1e2: {  	v0 =	vmul.f32 v0, v22;
	v9 =	vld.idx.msk [tilespmem:v56+s9+$0x0], $0xffff;
	v2 =	vadd.f32 v2, v29;
	v29 =	vor.u32 v47, v26  }
0x1e3: {  	v20 =	vor.u32 v53, v20;
	v8 =	vld.idx.msk [tilespmem:v57+s9+$0x0], $0xffff;
	v27 =	vmul.f32 v27, v25;
	v6 =	vmul.f32 v55, v25  }
0x1e4: {  	v3 =	vmul.f32 v3, v22;
	[tilespmem:v28+s12+$0x0] =	vst.idx.msk $0xffff, v2;
	v28 =	vld.idx.msk [tilespmem:v30+s9+$0x0], $0xffff;
	v30 =	vor.u32 v49, v26  }
0x1e5: {  	v4 =	vld.idx.msk [tilespmem:v42+s9+$0x0], $0xffff;
	v1 =	vmul.f32 v40, v22;
	v7 =	vmul.f32 v7, v25;
	v0 =	vadd.f32 v6, v0  }
0x1e6: {  	v42 =	vor.u32 v51, v23;
	v19 =	vld.idx.msk [tilespmem:v19+s9+$0x0], $0xffff;
	v3 =	vadd.f32 v27, v3  }
0x1e7: {  	v40 =	vld.idx.msk [tilespmem:v31+s9+$0x0], $0xffff;
	v55 =	vor.u32 v50, v24;
	v1 =	vadd.f32 v7, v1;
	[tilespmem:v29+s12+$0x0] =	vst.idx.msk $0xffff, v0  }
0x1e8: {  	v56 =	vor.u32 v52, v23;
	v57 =	vld.idx.msk [tilespmem:v20+s9+$0x0], $0xffff;
	[tilespmem:v59+s12+$0x0] =	vst.idx.msk $0xffff, v3  }
0x1e9: {  	v31 =	vor.u32 v52, v24;
	v27 =	vor.u32 v53, v54;
	v29 =	vld.idx.msk [tilespmem:v58+s9+$0x0], $0xffff;
	[tilespmem:v30+s12+$0x0] =	vst.idx.msk $0xffff, v1  }
0x1ea: {  	v20 =	vmul.f32 v28, v63;
	v28 =	vor.u32 v51, v24;
	v6 =	vld.idx.msk [tilespmem:v39+s9+$0x0], $0xffff  }
0x1eb: {  	v9 =	vmul.f32 v9, v62;
	v8 =	vmul.f32 v8, v62;
	v58 =	vor.u32 v53, v23;
	v7 =	vld.idx.msk [tilespmem:v42+s9+$0x0], $0xffff  }
0x1ec: {  	v23 =	vor.u32 v50, v14;
	v10 =	vmul.f32 v40, v63;
	v59 =	vor.u32 v53, v24;
	v0 =	vld.idx.msk [tilespmem:v55+s9+$0x0], $0xffff  }
0x1ed: {  	v4 =	vmul.f32 v4, v62;
	v30 =	vor.u32 v51, v14;
	v24 =	vor.u32 v52, v14;
	v2 =	vld.idx.msk [tilespmem:v56+s9+$0x0], $0xffff  }
0x1ee: {  	v14 =	vor.u32 v53, v14;
	[tilespmem:v27+s12+$0x0] =	vst.idx.msk $0xffff, v5;
	v9 =	vadd.f32 v10, v9;
	v40 =	vld.idx.msk [tilespmem:v31+s9+$0x0], $0xffff  }
0x1ef: {  	v39 =	vmul.f32 v19, v62;
	v3 =	vmul.f32 v57, v63;
	v4 =	vadd.f32 v20, v4;
	v19 =	vld.idx.msk [tilespmem:v28+s9+$0x0], $0xffff  }
0x1f0: {  	v55 =	vor.u32 v50, v26;
	v56 =	vor.u32 v51, v26;
	v20 =	vmul.f32 v29, v63;
	v1 =	vld.idx.msk [tilespmem:v58+s9+$0x0], $0xffff  }
0x1f1: {  	v62 =	vor.u32 v53, v26;
	v3 =	vadd.f32 v3, v39;
	[tilespmem:v23+s12+$0x0] =	vst.idx.msk $0xffff, v4;
	v42 =	vld.idx.msk [tilespmem:v59+s9+$0x0], $0xffff  }
0x1f2: {  	v59 =	vor.u32 v52, v26;
	v8 =	vadd.f32 v20, v8;
	v54 =	vmul.f32 v6, v22  }
0x1f3: {  	[tilespmem:v30+s12+$0x0] =	vst.idx.msk $0xffff, v9;
	v0 =	vmul.f32 v0, v25;
	v57 =	vmul.f32 v7, v22  }
0x1f4: {  	s18 =	sadd.s32 $0x4, s18;
	v2 =	vmul.f32 v2, v22;
	[tilespmem:v24+s12+$0x0] =	vst.idx.msk $0xffff, v8;
	v58 =	vmul.f32 v19, v25  }
0x1f5: {  	p0 =	slt.u32 s18, $0x3C;
	v9 =	vmul.f32 v40, v25;
	[tilespmem:v14+s12+$0x0] =	vst.idx.msk $0xffff, v3;
	v0 =	vadd.f32 v0, v54  }
.Ltmp0:
0x1f6: {  	v34 =	vld [tilespmem:$0x1FF90];
	v1 =	vmul.f32 v1, v22;
	v4 =	vmul.f32 v42, v25;
	v5 =	vadd.f32 v58, v57;
	(pc) =	sbr.rel @p0 .LBB2_2-.Ltmp0, $4  }
0x1f7: {  	v33 =	vld [tilespmem:$0x1FF80];
	v63 =	vadd.f32 v9, v2;
	[tilespmem:v55+s12+$0x0] =	vst.idx.msk $0xffff, v0  }
0x1f8: {  	v31 =	vld [tilespmem:$0x1FFD0];
	v1 =	vadd.f32 v4, v1;
	[tilespmem:v56+s12+$0x0] =	vst.idx.msk $0xffff, v5  }
0x1f9: {  	v29 =	vld [tilespmem:$0x1FFC0];
	[tilespmem:v59+s12+$0x0] =	vst.idx.msk $0xffff, v63  }
0x1fa: {  	s20 =	sadd.s32 $0x40, s20;
	s19 =	sadd.s32 $0x40, s19;
	v30 =	vld [tilespmem:$0x1FF70];
	[tilespmem:v62+s12+$0x0] =	vst.idx.msk $0xffff, v1  }
0x1fb: {  	[hbm4b:s5+s13] =	stream.strided.scatter [tilespmem:s12], [sflag:$0x3], $0x8000, s8, s13, $0x38;
	[tilespmem:$0x18800] =	vst v63  }
0x1fc: {  	v40 =	vmov v44;
	s18 =	simm.s32 $0xFFFFFFFC;
	s19 =	simm.s32 $0x30;
	s20 =	simm.s32 $0x430  }
.LBB2_4:
0x1fd: {  	v0 =	vld [tilespmem:s20+$0xFFFFFFD0];
	_ =	sdelay $0x4  }
0x1fe: {  	v0 =	vmul.f32 $1.024000000e+03, v0;
	_ =	sdelay $0x1  }
0x1ff: {  	v1 =	vmax.f32 v0, $0.0e+00  }
0x200: {  	v1 =	vmin.f32 v1, $1.023000000e+03  }
0x201: {  	v1 =	vtrunc.f32 v1  }
0x202: {  	v1 =	vcvt.f32.s32 v1;
	_ =	sdelay $0x1  }
0x203: {  	v19 =	vshll.u32 v1, $0x5  }
0x204: {  	v2 =	vadd.s32 $0x1, v1;
	v3 =	vor.u32 v43, v19  }
0x205: {  	vm1 =	vlt.s32 v2, $0x3FF;
	v4 =	vor.u32 v12, v19  }
0x206: {  	v6 =	vor.u32 v13, v19;
	v2 =	vnsel vm1, $0x3FF, v2  }
0x207: {  	v7 =	vor.u32 v15, v19;
	v14 =	vshll.u32 v2, $0x5  }
0x208: {  	v44 =	vld [tilespmem:$0x1FE00];
	v2 =	vor.u32 v43, v14  }
0x209: {  	v5 =	vor.u32 v12, v14;
	v3 =	vld.idx.msk [tilespmem:v3+s9+$0x0], $0xffff  }
0x20a: {  	v8 =	vor.u32 v13, v14;
	v4 =	vld.idx.msk [tilespmem:v4+s9+$0x0], $0xffff  }
0x20b: {  	v9 =	vor.u32 v15, v14;
	v63 =	vld.idx.msk [tilespmem:v6+s9+$0x0], $0xffff  }
0x20c: {  	v1 =	vcvt.s32.f32 v1;
	v24 =	vld.idx.msk [tilespmem:v7+s9+$0x0], $0xffff  }
0x20d: {  	s21 =	sadd.s32 $0xFFFFFFD0, s19;
	v2 =	vld.idx.msk [tilespmem:v2+s9+$0x0], $0xffff  }
0x20e: {  	v11 =	vmov s21;
	v58 =	vsub.f32 v0, v1;
	v62 =	vld.idx.msk [tilespmem:v5+s9+$0x0], $0xffff  }
0x20f: {  	v5 =	vshll.u32 v11, $0x5;
	v25 =	vld.idx.msk [tilespmem:v8+s9+$0x0], $0xffff  }
0x210: {  	v59 =	vsub.f32 $1.000000000e+00, v58;
	v26 =	vld.idx.msk [tilespmem:v9+s9+$0x0], $0xffff;
	v57 =	vor.u32 v44, v5  }
0x211: {  	v10 =	vor.u32 v16, v19;
	v3 =	vmul.f32 v58, v3;
	v5 =	vor.u32 v43, v57  }
0x212: {  	v4 =	vmul.f32 v58, v4;
	v39 =	vor.u32 v12, v57;
	v2 =	vmul.f32 v59, v2  }
0x213: {  	v42 =	vor.u32 v13, v57;
	v1 =	vmul.f32 v58, v63;
	v0 =	vmul.f32 v59, v62  }
0x214: {  	v55 =	vor.u32 v15, v57;
	v54 =	vmul.f32 v25, v59;
	v2 =	vadd.f32 v2, v3  }
0x215: {  	v6 =	vmul.f32 v58, v24;
	v8 =	vmul.f32 v26, v59;
	v0 =	vadd.f32 v0, v4  }
0x216: {  	v56 =	vor.u32 v17, v19;
	v1 =	vadd.f32 v54, v1;
	[tilespmem:v5+s14+$0x0] =	vst.idx.msk $0xffff, v2  }
0x217: {  	v63 =	vor.u32 v16, v14;
	v62 =	vadd.f32 v8, v6;
	[tilespmem:v39+s14+$0x0] =	vst.idx.msk $0xffff, v0  }
0x218: {  	v9 =	vor.u32 v17, v14;
	[tilespmem:v42+s14+$0x0] =	vst.idx.msk $0xffff, v1  }
0x219: {  	v11 =	vor.u32 v18, v19;
	[tilespmem:v55+s14+$0x0] =	vst.idx.msk $0xffff, v62  }
0x21a: {  	v24 =	vor.u32 v38, v19;
	v4 =	vld.idx.msk [tilespmem:v10+s9+$0x0], $0xffff  }
0x21b: {  	v25 =	vor.u32 v18, v14;
	v2 =	vld.idx.msk [tilespmem:v56+s9+$0x0], $0xffff  }
0x21c: {  	v26 =	vor.u32 v38, v14;
	v0 =	vld.idx.msk [tilespmem:v63+s9+$0x0], $0xffff  }
0x21d: {  	v1 =	vld.idx.msk [tilespmem:v9+s9+$0x0], $0xffff  }
0x21e: {  	v3 =	vld.idx.msk [tilespmem:v11+s9+$0x0], $0xffff  }
0x21f: {  	v5 =	vld.idx.msk [tilespmem:v24+s9+$0x0], $0xffff  }
0x220: {  	v6 =	vld.idx.msk [tilespmem:v25+s9+$0x0], $0xffff  }
0x221: {  	v7 =	vld.idx.msk [tilespmem:v26+s9+$0x0], $0xffff  }
0x222: {  	v54 =	vor.u32 v18, v57;
	v39 =	vor.u32 v16, v57;
	v42 =	vor.u32 v17, v57  }
0x223: {  	v62 =	vor.u32 v21, v19;
	v4 =	vmul.f32 v4, v58;
	v0 =	vmul.f32 v0, v59  }
0x224: {  	v56 =	vor.u32 v38, v57;
	v2 =	vmul.f32 v2, v58;
	v1 =	vmul.f32 v1, v59  }
0x225: {  	v3 =	vmul.f32 v3, v58;
	v55 =	vmul.f32 v6, v59;
	v0 =	vadd.f32 v0, v4  }
0x226: {  	v5 =	vmul.f32 v5, v58;
	v7 =	vmul.f32 v7, v59;
	v1 =	vadd.f32 v1, v2  }
0x227: {  	v63 =	vor.u32 v32, v19;
	v3 =	vadd.f32 v55, v3;
	[tilespmem:v39+s14+$0x0] =	vst.idx.msk $0xffff, v0  }
0x228: {  	v9 =	vor.u32 v21, v14;
	v8 =	vadd.f32 v7, v5;
	[tilespmem:v42+s14+$0x0] =	vst.idx.msk $0xffff, v1  }
0x229: {  	v11 =	vor.u32 v32, v14;
	[tilespmem:v54+s14+$0x0] =	vst.idx.msk $0xffff, v3  }
0x22a: {  	v24 =	vor.u32 v35, v19;
	[tilespmem:v56+s14+$0x0] =	vst.idx.msk $0xffff, v8  }
0x22b: {  	v25 =	vor.u32 v41, v19;
	v4 =	vld.idx.msk [tilespmem:v62+s9+$0x0], $0xffff  }
0x22c: {  	v26 =	vor.u32 v35, v14;
	v0 =	vld.idx.msk [tilespmem:v63+s9+$0x0], $0xffff  }
0x22d: {  	v1 =	vld.idx.msk [tilespmem:v9+s9+$0x0], $0xffff  }
0x22e: {  	v39 =	vor.u32 v41, v14;
	v2 =	vld.idx.msk [tilespmem:v11+s9+$0x0], $0xffff  }
0x22f: {  	v3 =	vld.idx.msk [tilespmem:v24+s9+$0x0], $0xffff  }
0x230: {  	v5 =	vld.idx.msk [tilespmem:v25+s9+$0x0], $0xffff  }
0x231: {  	v6 =	vld.idx.msk [tilespmem:v26+s9+$0x0], $0xffff  }
0x232: {  	v11 =	vld [tilespmem:$0x1FE10]  }
0x233: {  	v7 =	vld.idx.msk [tilespmem:v39+s9+$0x0], $0xffff  }
0x234: {  	v55 =	vor.u32 v35, v57;
	v42 =	vor.u32 v21, v57;
	v4 =	vmul.f32 v4, v58  }
0x235: {  	v54 =	vor.u32 v32, v57;
	v1 =	vmul.f32 v1, v59;
	v0 =	vmul.f32 v0, v58  }
0x236: {  	v62 =	vor.u32 v41, v57;
	v2 =	vmul.f32 v2, v59;
	v3 =	vmul.f32 v3, v58  }
0x237: {  	v56 =	vmul.f32 v6, v59;
	v5 =	vmul.f32 v5, v58;
	v1 =	vadd.f32 v1, v4  }
0x238: {  	v63 =	vor.u32 v11, v19;
	v7 =	vmul.f32 v7, v59;
	v0 =	vadd.f32 v2, v0  }
0x239: {  	v8 =	vor.u32 v30, v19;
	v3 =	vadd.f32 v56, v3;
	[tilespmem:v42+s14+$0x0] =	vst.idx.msk $0xffff, v1  }
0x23a: {  	v25 =	vor.u32 v11, v14;
	v24 =	vadd.f32 v7, v5;
	[tilespmem:v54+s14+$0x0] =	vst.idx.msk $0xffff, v0  }
0x23b: {  	v26 =	vor.u32 v30, v14;
	[tilespmem:v55+s14+$0x0] =	vst.idx.msk $0xffff, v3  }
0x23c: {  	v39 =	vor.u32 v33, v19;
	[tilespmem:v62+s14+$0x0] =	vst.idx.msk $0xffff, v24  }
0x23d: {  	v42 =	vor.u32 v34, v19;
	v4 =	vld.idx.msk [tilespmem:v63+s9+$0x0], $0xffff  }
0x23e: {  	v54 =	vor.u32 v33, v14;
	v1 =	vld.idx.msk [tilespmem:v8+s9+$0x0], $0xffff  }
0x23f: {  	v55 =	vor.u32 v34, v14;
	v0 =	vld.idx.msk [tilespmem:v25+s9+$0x0], $0xffff  }
0x240: {  	v2 =	vld.idx.msk [tilespmem:v26+s9+$0x0], $0xffff  }
0x241: {  	v3 =	vld.idx.msk [tilespmem:v39+s9+$0x0], $0xffff  }
0x242: {  	v5 =	vld.idx.msk [tilespmem:v42+s9+$0x0], $0xffff  }
0x243: {  	v6 =	vld.idx.msk [tilespmem:v54+s9+$0x0], $0xffff  }
0x244: {  	v7 =	vld.idx.msk [tilespmem:v55+s9+$0x0], $0xffff  }
0x245: {  	v56 =	vor.u32 v11, v57;
	v62 =	vor.u32 v30, v57;
	v63 =	vor.u32 v33, v57  }
0x246: {  	v25 =	vor.u32 v34, v57;
	v4 =	vmul.f32 v4, v58;
	v0 =	vmul.f32 v0, v59  }
0x247: {  	v26 =	vor.u32 v60, v19;
	v1 =	vmul.f32 v1, v58;
	v2 =	vmul.f32 v2, v59  }
0x248: {  	v3 =	vmul.f32 v3, v58;
	v0 =	vadd.f32 v0, v4;
	v24 =	vmul.f32 v6, v59  }
0x249: {  	v5 =	vmul.f32 v5, v58;
	v1 =	vadd.f32 v2, v1;
	v7 =	vmul.f32 v7, v59  }
0x24a: {  	v39 =	vor.u32 v61, v19;
	v3 =	vadd.f32 v24, v3;
	[tilespmem:v56+s14+$0x0] =	vst.idx.msk $0xffff, v0  }
0x24b: {  	v54 =	vor.u32 v60, v14;
	v42 =	vadd.f32 v7, v5;
	[tilespmem:v62+s14+$0x0] =	vst.idx.msk $0xffff, v1  }
0x24c: {  	v55 =	vor.u32 v61, v14;
	[tilespmem:v63+s14+$0x0] =	vst.idx.msk $0xffff, v3  }
0x24d: {  	v56 =	vor.u32 v29, v19;
	[tilespmem:v25+s14+$0x0] =	vst.idx.msk $0xffff, v42;
	v25 =	vld [tilespmem:s20+$0xFFFFFFE0]  }
0x24e: {  	v24 =	vor.u32 v31, v14;
	v3 =	vld.idx.msk [tilespmem:v26+s9+$0x0], $0xffff  }
0x24f: {  	v62 =	vor.u32 v29, v14;
	v0 =	vld.idx.msk [tilespmem:v39+s9+$0x0], $0xffff  }
0x250: {  	v63 =	vor.u32 v31, v19;
	v1 =	vld.idx.msk [tilespmem:v54+s9+$0x0], $0xffff  }
0x251: {  	v2 =	vld.idx.msk [tilespmem:v55+s9+$0x0], $0xffff  }
0x252: {  	v4 =	vld.idx.msk [tilespmem:v56+s9+$0x0], $0xffff  }
0x253: {  	v7 =	vld.idx.msk [tilespmem:v24+s9+$0x0], $0xffff  }
0x254: {  	v5 =	vld.idx.msk [tilespmem:v62+s9+$0x0], $0xffff  }
0x255: {  	v22 =	vor.u32 v36, v19;
	v20 =	vor.u32 v31, v57;
	v42 =	vor.u32 v61, v57;
	v6 =	vld.idx.msk [tilespmem:v63+s9+$0x0], $0xffff  }
0x256: {  	v26 =	vor.u32 v60, v57;
	v8 =	vmul.f32 $1.024000000e+03, v25;
	v3 =	vmul.f32 v3, v58  }
0x257: {  	v54 =	vor.u32 v29, v57;
	v1 =	vmul.f32 v1, v59;
	v0 =	vmul.f32 v0, v58  }
0x258: {  	v2 =	vmul.f32 v2, v59;
	v39 =	vmul.f32 v4, v58;
	v55 =	vmax.f32 v8, $0.0e+00  }
0x259: {  	v7 =	vmul.f32 v7, v59;
	v1 =	vadd.f32 v1, v3;
	v5 =	vmul.f32 v5, v59  }
0x25a: {  	v0 =	vadd.f32 v2, v0;
	v10 =	vmin.f32 v55, $1.023000000e+03;
	v6 =	vmul.f32 v6, v58  }
0x25b: {  	v56 =	vor.u32 v37, v19;
	v10 =	vtrunc.f32 v10;
	v2 =	vadd.f32 v5, v39;
	[tilespmem:v26+s14+$0x0] =	vst.idx.msk $0xffff, v1  }
0x25c: {  	v25 =	vor.u32 v40, v19;
	v3 =	vcvt.f32.s32 v10;
	v24 =	vadd.f32 v7, v6;
	[tilespmem:v42+s14+$0x0] =	vst.idx.msk $0xffff, v0  }
0x25d: {  	v26 =	vor.u32 v36, v14;
	[tilespmem:v54+s14+$0x0] =	vst.idx.msk $0xffff, v2  }
0x25e: {  	v42 =	vor.u32 v37, v14;
	v61 =	vshll.u32 v3, $0x5;
	[tilespmem:v20+s14+$0x0] =	vst.idx.msk $0xffff, v24  }
0x25f: {  	v39 =	vadd.s32 $0x1, v3;
	v55 =	vor.u32 v43, v61;
	v54 =	vld.idx.msk [tilespmem:v22+s9+$0x0], $0xffff  }
0x260: {  	vm1 =	vlt.s32 v39, $0x3FF;
	v20 =	vor.u32 v13, v61;
	v1 =	vld.idx.msk [tilespmem:v56+s9+$0x0], $0xffff  }
0x261: {  	v4 =	vnsel vm1, $0x3FF, v39;
	v56 =	vor.u32 v12, v61;
	v0 =	vld.idx.msk [tilespmem:v25+s9+$0x0], $0xffff  }
0x262: {  	v22 =	vor.u32 v15, v61;
	v60 =	vshll.u32 v4, $0x5;
	v2 =	vld.idx.msk [tilespmem:v26+s9+$0x0], $0xffff  }
0x263: {  	v4 =	vor.u32 v43, v60;
	v5 =	vld.idx.msk [tilespmem:v42+s9+$0x0], $0xffff  }
0x264: {  	v62 =	vor.u32 v12, v60;
	v7 =	vld.idx.msk [tilespmem:v55+s9+$0x0], $0xffff  }
0x265: {  	v3 =	vcvt.s32.f32 v3;
	v23 =	vor.u32 v13, v60;
	v10 =	vld.idx.msk [tilespmem:v20+s9+$0x0], $0xffff  }
0x266: {  	s30 =	sadd.s32 $0xFFFFFFE0, s19;
	v24 =	vor.u32 v45, v19;
	v25 =	vor.u32 v15, v60;
	v9 =	vld.idx.msk [tilespmem:v56+s9+$0x0], $0xffff  }
0x267: {  	v27 =	vor.u32 v16, v61;
	v26 =	vmov s30;
	v55 =	vsub.f32 v8, v3;
	v22 =	vld.idx.msk [tilespmem:v22+s9+$0x0], $0xffff  }
0x268: {  	v8 =	vor.u32 v40, v14;
	v6 =	vmul.f32 v54, v58;
	v2 =	vmul.f32 v2, v59;
	v4 =	vld.idx.msk [tilespmem:v4+s9+$0x0], $0xffff  }
0x269: {  	v26 =	vshll.u32 v26, $0x5;
	v20 =	vor.u32 v45, v14;
	v1 =	vmul.f32 v1, v58;
	v63 =	vld.idx.msk [tilespmem:v62+s9+$0x0], $0xffff  }
0x26a: {  	v54 =	vor.u32 v44, v26;
	v0 =	vmul.f32 v0, v58;
	v2 =	vadd.f32 v2, v6;
	v6 =	vld.idx.msk [tilespmem:v23+s9+$0x0], $0xffff  }
0x26b: {  	v26 =	vor.u32 v18, v60;
	v56 =	vsub.f32 $1.000000000e+00, v55;
	v42 =	vor.u32 v43, v54;
	v23 =	vld.idx.msk [tilespmem:v25+s9+$0x0], $0xffff  }
0x26c: {  	v5 =	vmul.f32 v5, v59;
	v62 =	vor.u32 v12, v54;
	v7 =	vmul.f32 v55, v7  }
0x26d: {  	v25 =	vor.u32 v36, v57;
	v10 =	vmul.f32 v55, v10;
	v8 =	vld.idx.msk [tilespmem:v8+s9+$0x0], $0xffff;
	v4 =	vmul.f32 v56, v4  }
0x26e: {  	v20 =	vld.idx.msk [tilespmem:v20+s9+$0x0], $0xffff;
	v39 =	vmul.f32 v55, v9;
	v3 =	vmul.f32 v56, v63;
	v63 =	vor.u32 v13, v54  }
0x26f: {  	v6 =	vmul.f32 v6, v56;
	v4 =	vadd.f32 v4, v7;
	v7 =	vld.idx.msk [tilespmem:v24+s9+$0x0], $0xffff;
	v24 =	vor.u32 v15, v54  }
0x270: {  	v22 =	vmul.f32 v55, v22;
	v23 =	vmul.f32 v23, v56;
	v3 =	vadd.f32 v3, v39  }
0x271: {  	v39 =	vor.u32 v16, v60;
	v6 =	vadd.f32 v6, v10;
	[tilespmem:v42+s14+$0x0] =	vst.idx.msk $0xffff, v4  }
0x272: {  	v36 =	vadd.f32 v23, v22;
	v4 =	vor.u32 v17, v61;
	[tilespmem:v62+s14+$0x0] =	vst.idx.msk $0xffff, v3  }
0x273: {  	v8 =	vmul.f32 v8, v59;
	v20 =	vmul.f32 v20, v59;
	[tilespmem:v63+s14+$0x0] =	vst.idx.msk $0xffff, v6  }
0x274: {  	v42 =	vor.u32 v37, v57;
	v62 =	vor.u32 v17, v60;
	[tilespmem:v24+s14+$0x0] =	vst.idx.msk $0xffff, v36  }
0x275: {  	[tilespmem:v25+s14+$0x0] =	vst.idx.msk $0xffff, v2;
	v63 =	vor.u32 v40, v57;
	v36 =	vor.u32 v18, v61;
	v23 =	vld.idx.msk [tilespmem:v27+s9+$0x0], $0xffff  }
0x276: {  	v22 =	vor.u32 v45, v57;
	v37 =	vor.u32 v38, v61;
	v7 =	vmul.f32 v7, v58;
	v25 =	vld.idx.msk [tilespmem:v39+s9+$0x0], $0xffff  }
0x277: {  	v1 =	vadd.f32 v5, v1;
	v39 =	vor.u32 v38, v60;
	v4 =	vld.idx.msk [tilespmem:v4+s9+$0x0], $0xffff  }
0x278: {  	v0 =	vadd.f32 v8, v0;
	v7 =	vadd.f32 v20, v7;
	v20 =	vld.idx.msk [tilespmem:v26+s9+$0x0], $0xffff  }
0x279: {  	[tilespmem:v42+s14+$0x0] =	vst.idx.msk $0xffff, v1;
	v42 =	vld.idx.msk [tilespmem:v62+s9+$0x0], $0xffff;
	v62 =	vor.u32 v46, v19  }
0x27a: {  	v28 =	vor.u32 v21, v61;
	[tilespmem:v63+s14+$0x0] =	vst.idx.msk $0xffff, v0;
	v63 =	vor.u32 v47, v19;
	v5 =	vld.idx.msk [tilespmem:v36+s9+$0x0], $0xffff  }
0x27b: {  	v8 =	vor.u32 v48, v19;
	v27 =	vor.u32 v17, v54;
	[tilespmem:v22+s14+$0x0] =	vst.idx.msk $0xffff, v7;
	v7 =	vld.idx.msk [tilespmem:v37+s9+$0x0], $0xffff  }
0x27c: {  	v36 =	vor.u32 v49, v19;
	v37 =	vor.u32 v46, v14;
	v3 =	vld.idx.msk [tilespmem:v39+s9+$0x0], $0xffff;
	v23 =	vmul.f32 v23, v55  }
0x27d: {  	v2 =	vmul.f32 v25, v56;
	v39 =	vor.u32 v16, v54;
	v4 =	vmul.f32 v4, v55  }
0x27e: {  	v22 =	vor.u32 v47, v14;
	v20 =	vmul.f32 v20, v56;
	v1 =	vmul.f32 v42, v56;
	v0 =	vld.idx.msk [tilespmem:v62+s9+$0x0], $0xffff  }
0x27f: {  	v42 =	vor.u32 v48, v14;
	v62 =	vor.u32 v49, v14;
	v6 =	vld.idx.msk [tilespmem:v63+s9+$0x0], $0xffff;
	v63 =	vor.u32 v18, v54  }
0x280: {  	v8 =	vld.idx.msk [tilespmem:v8+s9+$0x0], $0xffff;
	v2 =	vadd.f32 v2, v23;
	v23 =	vor.u32 v38, v54;
	v5 =	vmul.f32 v5, v55  }
0x281: {  	v1 =	vadd.f32 v1, v4;
	v9 =	vld.idx.msk [tilespmem:v36+s9+$0x0], $0xffff;
	v7 =	vmul.f32 v7, v55;
	v3 =	vmul.f32 v3, v56  }
0x282: {  	v10 =	vld.idx.msk [tilespmem:v37+s9+$0x0], $0xffff;
	v36 =	vor.u32 v32, v61;
	[tilespmem:v39+s14+$0x0] =	vst.idx.msk $0xffff, v2;
	v5 =	vadd.f32 v20, v5  }
0x283: {  	v37 =	vor.u32 v21, v60;
	v20 =	vld.idx.msk [tilespmem:v22+s9+$0x0], $0xffff;
	[tilespmem:v27+s14+$0x0] =	vst.idx.msk $0xffff, v1;
	v3 =	vadd.f32 v3, v7  }
0x284: {  	v39 =	vld.idx.msk [tilespmem:v42+s9+$0x0], $0xffff;
	v42 =	vor.u32 v32, v60;
	[tilespmem:v63+s14+$0x0] =	vst.idx.msk $0xffff, v5  }
0x285: {  	v62 =	vld.idx.msk [tilespmem:v62+s9+$0x0], $0xffff;
	v63 =	vor.u32 v35, v61;
	[tilespmem:v23+s14+$0x0] =	vst.idx.msk $0xffff, v3  }
0x286: {  	v23 =	vor.u32 v41, v61;
	v22 =	vld.idx.msk [tilespmem:v28+s9+$0x0], $0xffff  }
0x287: {  	v2 =	vld.idx.msk [tilespmem:v36+s9+$0x0], $0xffff;
	v36 =	vor.u32 v35, v60  }
0x288: {  	v1 =	vld.idx.msk [tilespmem:v37+s9+$0x0], $0xffff;
	v37 =	vor.u32 v41, v60  }
0x289: {  	v30 =	vor.u32 v11, v61;
	v29 =	vor.u32 v41, v54;
	v8 =	vmul.f32 v8, v58;
	v4 =	vld.idx.msk [tilespmem:v42+s9+$0x0], $0xffff  }
0x28a: {  	v27 =	vor.u32 v47, v57;
	v0 =	vmul.f32 v0, v58;
	v6 =	vmul.f32 v6, v58;
	v3 =	vld.idx.msk [tilespmem:v63+s9+$0x0], $0xffff  }
0x28b: {  	v10 =	vmul.f32 v10, v59;
	v5 =	vmul.f32 v62, v59;
	v62 =	vor.u32 v46, v57;
	v23 =	vld.idx.msk [tilespmem:v23+s9+$0x0], $0xffff  }
0x28c: {  	v9 =	vmul.f32 v9, v58;
	v28 =	vor.u32 v32, v54;
	v20 =	vmul.f32 v20, v59;
	v24 =	vld.idx.msk [tilespmem:v36+s9+$0x0], $0xffff  }
0x28d: {  	v0 =	vadd.f32 v10, v0;
	v7 =	vmul.f32 v39, v59;
	v42 =	vor.u32 v21, v54;
	v39 =	vld.idx.msk [tilespmem:v37+s9+$0x0], $0xffff  }
0x28e: {  	v63 =	vor.u32 v35, v54;
	v22 =	vmul.f32 v22, v55;
	v1 =	vmul.f32 v1, v56  }
0x28f: {  	v6 =	vadd.f32 v20, v6;
	v2 =	vmul.f32 v2, v55;
	v37 =	vor.u32 v48, v57  }
0x290: {  	v4 =	vmul.f32 v4, v56;
	v1 =	vadd.f32 v1, v22;
	[tilespmem:v62+s14+$0x0] =	vst.idx.msk $0xffff, v0  }
0x291: {  	v25 =	vld [tilespmem:$0x1FF70];
	v3 =	vmul.f32 v3, v55;
	[tilespmem:v27+s14+$0x0] =	vst.idx.msk $0xffff, v6;
	v24 =	vmul.f32 v24, v56  }
0x292: {  	v22 =	vld [tilespmem:s20+$0xFFFFFFF0];
	v2 =	vadd.f32 v4, v2;
	v23 =	vmul.f32 v23, v55;
	v10 =	vmul.f32 v39, v56  }
0x293: {  	v62 =	vor.u32 v49, v57;
	[tilespmem:v42+s14+$0x0] =	vst.idx.msk $0xffff, v1;
	v3 =	vadd.f32 v24, v3  }
0x294: {  	v0 =	vor.u32 v53, v19;
	[tilespmem:v28+s14+$0x0] =	vst.idx.msk $0xffff, v2;
	v10 =	vadd.f32 v10, v23  }
0x295: {  	v7 =	vadd.f32 v7, v8;
	v36 =	vld [tilespmem:$0x1FF70];
	[tilespmem:v63+s14+$0x0] =	vst.idx.msk $0xffff, v3  }
0x296: {  	v5 =	vadd.f32 v5, v9;
	v2 =	vor.u32 v25, v61;
	[tilespmem:v29+s14+$0x0] =	vst.idx.msk $0xffff, v10  }
0x297: {  	v20 =	vor.u32 v33, v61;
	[tilespmem:v37+s14+$0x0] =	vst.idx.msk $0xffff, v7;
	v4 =	vmul.f32 $1.024000000e+03, v22;
	v39 =	vld.idx.msk [tilespmem:v30+s9+$0x0], $0xffff  }
0x298: {  	v24 =	vor.u32 v11, v60;
	[tilespmem:v62+s14+$0x0] =	vst.idx.msk $0xffff, v5  }
0x299: {  	v23 =	vor.u32 v34, v61;
	v0 =	vld.idx.msk [tilespmem:v0+s9+$0x0], $0xffff;
	v42 =	vmax.f32 v4, $0.0e+00  }
0x29a: {  	v3 =	vor.u32 v36, v60;
	v9 =	vmin.f32 v42, $1.023000000e+03;
	v29 =	vld [tilespmem:$0x1FF70]  }
0x29b: {  	v63 =	vor.u32 v33, v60;
	v2 =	vld.idx.msk [tilespmem:v2+s9+$0x0], $0xffff;
	v9 =	vtrunc.f32 v9  }
0x29c: {  	v9 =	vcvt.f32.s32 v9;
	v36 =	vmul.f32 v39, v55;
	v39 =	vld.idx.msk [tilespmem:v20+s9+$0x0], $0xffff  }
0x29d: {  	v34 =	vor.u32 v34, v60;
	v1 =	vld.idx.msk [tilespmem:v24+s9+$0x0], $0xffff  }
0x29e: {  	v25 =	vor.u32 v52, v19;
	v22 =	vor.u32 v50, v19;
	v23 =	vld.idx.msk [tilespmem:v23+s9+$0x0], $0xffff;
	v37 =	vadd.s32 $0x1, v9  }
0x29f: {  	v24 =	vor.u32 v51, v19;
	v3 =	vld.idx.msk [tilespmem:v3+s9+$0x0], $0xffff;
	v19 =	vshll.u32 v9, $0x5;
	vm1 =	vlt.s32 v37, $0x3FF  }
0x2a0: {  	v6 =	vld.idx.msk [tilespmem:v63+s9+$0x0], $0xffff;
	v42 =	vor.u32 v43, v19;
	v8 =	vnsel vm1, $0x3FF, v37  }
0x2a1: {  	v27 =	vor.u32 v12, v19;
	v20 =	vshll.u32 v8, $0x5;
	v5 =	vmul.f32 v39, v55;
	v39 =	vld [tilespmem:$0x1FF90]  }
0x2a2: {  	v31 =	vor.u32 v33, v54;
	v26 =	vld.idx.msk [tilespmem:v34+s9+$0x0], $0xffff;
	v63 =	vor.u32 v11, v54;
	v62 =	vor.u32 v43, v20  }
0x2a3: {  	v25 =	vld.idx.msk [tilespmem:v25+s9+$0x0], $0xffff;
	v9 =	vcvt.s32.f32 v9;
	v1 =	vmul.f32 v1, v56;
	v28 =	vor.u32 v12, v20  }
0x2a4: {  	v22 =	vld.idx.msk [tilespmem:v22+s9+$0x0], $0xffff;
	v29 =	vor.u32 v29, v54;
	v30 =	vor.u32 v13, v19;
	v33 =	vor.u32 v15, v19  }
0x2a5: {  	v2 =	vmul.f32 v2, v55;
	v3 =	vmul.f32 v3, v56;
	v1 =	vadd.f32 v1, v36;
	v10 =	vld.idx.msk [tilespmem:v42+s9+$0x0], $0xffff  }
0x2a6: {  	v6 =	vmul.f32 v6, v56;
	v36 =	vor.u32 v13, v20;
	v27 =	vld.idx.msk [tilespmem:v27+s9+$0x0], $0xffff;
	v34 =	vor.u32 v39, v54  }
0x2a7: {  	v23 =	vmul.f32 v23, v55;
	v26 =	vmul.f32 v26, v56;
	v2 =	vadd.f32 v3, v2;
	v7 =	vld.idx.msk [tilespmem:v62+s9+$0x0], $0xffff  }
0x2a8: {  	v37 =	vor.u32 v15, v20;
	[tilespmem:v63+s14+$0x0] =	vst.idx.msk $0xffff, v1;
	v5 =	vadd.f32 v6, v5;
	v1 =	vld.idx.msk [tilespmem:v28+s9+$0x0], $0xffff  }
0x2a9: {  	v42 =	vadd.f32 v26, v23;
	[tilespmem:v29+s14+$0x0] =	vst.idx.msk $0xffff, v2;
	v2 =	vld.idx.msk [tilespmem:v30+s9+$0x0], $0xffff  }
0x2aa: {  	s31 =	sadd.s32 $0xFFFFFFF0, s19;
	v8 =	vor.u32 v50, v14;
	v62 =	vsub.f32 v4, v9;
	v9 =	vld.idx.msk [tilespmem:v33+s9+$0x0], $0xffff;
	[tilespmem:v31+s14+$0x0] =	vst.idx.msk $0xffff, v5  }
0x2ab: {  	v26 =	vmov s31;
	v3 =	vor.u32 v51, v14;
	[tilespmem:v34+s14+$0x0] =	vst.idx.msk $0xffff, v42;
	v42 =	vld.idx.msk [tilespmem:v36+s9+$0x0], $0xffff  }
0x2ac: {  	v63 =	vsub.f32 $1.000000000e+00, v62;
	v39 =	vshll.u32 v26, $0x5;
	v34 =	vmul.f32 v62, v27;
	v27 =	vld [tilespmem:$0x1FFA0]  }
0x2ad: {  	v23 =	vor.u32 v53, v14;
	v6 =	vor.u32 v52, v14;
	v33 =	vld.idx.msk [tilespmem:v37+s9+$0x0], $0xffff;
	v14 =	vor.u32 v44, v39  }
0x2ae: {  	[tilespmem:$0x1FDE0] =	vst v0;
	v10 =	vmul.f32 v62, v10;
	v7 =	vmul.f32 v63, v7;
	v28 =	vor.u32 v43, v14  }
0x2af: {  	v8 =	vld.idx.msk [tilespmem:v8+s9+$0x0], $0xffff;
	v1 =	vmul.f32 v63, v1;
	v31 =	vor.u32 v12, v14;
	v37 =	vor.u32 v13, v14  }
0x2b0: {  	v4 =	vld.idx.msk [tilespmem:v24+s9+$0x0], $0xffff;
	v2 =	vmul.f32 v62, v2;
	v39 =	vor.u32 v15, v14;
	v9 =	vmul.f32 v62, v9  }
0x2b1: {  	v3 =	vld.idx.msk [tilespmem:v3+s9+$0x0], $0xffff;
	v36 =	vadd.f32 v7, v10;
	v29 =	vor.u32 v27, v61;
	v5 =	vmul.f32 v42, v63  }
0x2b2: {  	v6 =	vld.idx.msk [tilespmem:v6+s9+$0x0], $0xffff;
	v1 =	vadd.f32 v1, v34;
	v42 =	vmul.f32 v33, v63;
	v33 =	vor.u32 v16, v19  }
0x2b3: {  	v0 =	vor.u32 v17, v19;
	[tilespmem:v28+s14+$0x0] =	vst.idx.msk $0xffff, v36;
	v28 =	vld.idx.msk [tilespmem:v23+s9+$0x0], $0xffff;
	v2 =	vadd.f32 v5, v2  }
0x2b4: {  	v36 =	vor.u32 v16, v20;
	[tilespmem:v31+s14+$0x0] =	vst.idx.msk $0xffff, v1;
	v27 =	vld [tilespmem:$0x1FFA0];
	v34 =	vadd.f32 v42, v9  }
0x2b5: {  	v31 =	vld [tilespmem:$0x1FFC0];
	[tilespmem:v37+s14+$0x0] =	vst.idx.msk $0xffff, v2;
	v2 =	vor.u32 v17, v20  }
0x2b6: {  	v9 =	vld.idx.msk [tilespmem:v29+s9+$0x0], $0xffff;
	[tilespmem:v39+s14+$0x0] =	vst.idx.msk $0xffff, v34;
	v39 =	vor.u32 v18, v19  }
0x2b7: {  	v42 =	vmul.f32 v22, v58;
	v22 =	vld.idx.msk [tilespmem:v33+s9+$0x0], $0xffff  }
0x2b8: {  	v37 =	vor.u32 v50, v57;
	v0 =	vld.idx.msk [tilespmem:v0+s9+$0x0], $0xffff  }
0x2b9: {  	v8 =	vmul.f32 v8, v59;
	v30 =	vor.u32 v27, v60;
	v1 =	vld.idx.msk [tilespmem:v36+s9+$0x0], $0xffff  }
0x2ba: {  	v2 =	vld.idx.msk [tilespmem:v2+s9+$0x0], $0xffff  }
0x2bb: {  	v8 =	vadd.f32 v8, v42;
	v34 =	vor.u32 v18, v20;
	v5 =	vld.idx.msk [tilespmem:v39+s9+$0x0], $0xffff  }
0x2bc: {  	v39 =	vld [tilespmem:$0x1FFC0]  }
0x2bd: {  	[tilespmem:v37+s14+$0x0] =	vst.idx.msk $0xffff, v8;
	v37 =	vld [tilespmem:$0x1FFB0]  }
0x2be: {  	v33 =	vor.u32 v38, v19;
	v23 =	vld.idx.msk [tilespmem:v30+s9+$0x0], $0xffff  }
0x2bf: {  	v36 =	vor.u32 v38, v20;
	v30 =	vld [tilespmem:$0x1FFB0]  }
0x2c0: {  	v26 =	vld.idx.msk [tilespmem:v34+s9+$0x0], $0xffff  }
0x2c1: {  	v31 =	vor.u32 v31, v60;
	v8 =	vor.u32 v39, v61;
	v39 =	vld [tilespmem:$0x1FFD0]  }
0x2c2: {  	v42 =	vor.u32 v16, v14;
	v22 =	vmul.f32 v22, v62;
	v1 =	vmul.f32 v1, v63  }
0x2c3: {  	v9 =	vmul.f32 v9, v55;
	v24 =	vld.idx.msk [tilespmem:v33+s9+$0x0], $0xffff;
	v0 =	vmul.f32 v0, v62;
	v7 =	vor.u32 v37, v61  }
0x2c4: {  	v10 =	vld.idx.msk [tilespmem:v36+s9+$0x0], $0xffff;
	v1 =	vadd.f32 v1, v22;
	v2 =	vmul.f32 v2, v63;
	v23 =	vmul.f32 v23, v56  }
0x2c5: {  	v29 =	vld [tilespmem:$0x1FFD0];
	v30 =	vor.u32 v30, v60;
	v5 =	vmul.f32 v5, v62;
	v22 =	vmul.f32 v26, v63  }
0x2c6: {  	v37 =	vld [tilespmem:$0x1FFB0];
	v9 =	vadd.f32 v23, v9;
	v23 =	vor.u32 v17, v14;
	v34 =	vor.u32 v39, v60  }
0x2c7: {  	v0 =	vadd.f32 v2, v0;
	v2 =	vor.u32 v18, v14;
	v5 =	vadd.f32 v22, v5;
	v22 =	vld.idx.msk [tilespmem:v31+s9+$0x0], $0xffff  }
0x2c8: {  	v26 =	vor.u32 v38, v14;
	[tilespmem:v42+s14+$0x0] =	vst.idx.msk $0xffff, v1;
	v7 =	vld.idx.msk [tilespmem:v7+s9+$0x0], $0xffff  }
0x2c9: {  	v42 =	vor.u32 v32, v19;
	v24 =	vmul.f32 v24, v62;
	v10 =	vmul.f32 v10, v63;
	v8 =	vld.idx.msk [tilespmem:v8+s9+$0x0], $0xffff  }
0x2ca: {  	v30 =	vld.idx.msk [tilespmem:v30+s9+$0x0], $0xffff  }
0x2cb: {  	v29 =	vor.u32 v29, v61;
	v10 =	vadd.f32 v10, v24;
	[tilespmem:v23+s14+$0x0] =	vst.idx.msk $0xffff, v0;
	v23 =	vld.idx.msk [tilespmem:v34+s9+$0x0], $0xffff  }
0x2cc: {  	[tilespmem:v2+s14+$0x0] =	vst.idx.msk $0xffff, v5;
	v34 =	vld [tilespmem:$0x1FFA0]  }
0x2cd: {  	v36 =	vor.u32 v21, v19;
	v39 =	vld [tilespmem:$0x1FFC0];
	[tilespmem:v26+s14+$0x0] =	vst.idx.msk $0xffff, v10  }
0x2ce: {  	v1 =	vld.idx.msk [tilespmem:v42+s9+$0x0], $0xffff  }
0x2cf: {  	v0 =	vor.u32 v21, v20;
	v42 =	vld [tilespmem:$0x1FFD0]  }
0x2d0: {  	v29 =	vld.idx.msk [tilespmem:v29+s9+$0x0], $0xffff;
	v2 =	vor.u32 v32, v20  }
0x2d1: {  	v31 =	vor.u32 v41, v19;
	v10 =	vor.u32 v35, v19;
	v5 =	vor.u32 v34, v54  }
0x2d2: {  	v26 =	vor.u32 v37, v54;
	v24 =	vmul.f32 v30, v56;
	v30 =	vld.idx.msk [tilespmem:v36+s9+$0x0], $0xffff;
	v34 =	vor.u32 v35, v20  }
0x2d3: {  	v22 =	vmul.f32 v22, v56;
	v7 =	vmul.f32 v7, v55;
	v33 =	vor.u32 v39, v54;
	v39 =	vld [tilespmem:$0x1FFE0]  }
0x2d4: {  	v37 =	vor.u32 v41, v20;
	v8 =	vmul.f32 v8, v55;
	v0 =	vld.idx.msk [tilespmem:v0+s9+$0x0], $0xffff;
	v36 =	vor.u32 v42, v54  }
0x2d5: {  	v7 =	vadd.f32 v24, v7;
	v2 =	vld.idx.msk [tilespmem:v2+s9+$0x0], $0xffff;
	v42 =	vmul.f32 v29, v55;
	v23 =	vmul.f32 v23, v56  }
0x2d6: {  	v8 =	vadd.f32 v22, v8;
	[tilespmem:v5+s14+$0x0] =	vst.idx.msk $0xffff, v9;
	v5 =	vld.idx.msk [tilespmem:v10+s9+$0x0], $0xffff  }
0x2d7: {  	v24 =	vadd.f32 v23, v42;
	v34 =	vld.idx.msk [tilespmem:v34+s9+$0x0], $0xffff;
	[tilespmem:v26+s14+$0x0] =	vst.idx.msk $0xffff, v7  }
0x2d8: {  	v23 =	vor.u32 v21, v14;
	v7 =	vld.idx.msk [tilespmem:v31+s9+$0x0], $0xffff;
	[tilespmem:v33+s14+$0x0] =	vst.idx.msk $0xffff, v8  }
0x2d9: {  	v22 =	vmul.f32 v30, v62;
	v0 =	vmul.f32 v0, v63;
	[tilespmem:v36+s14+$0x0] =	vst.idx.msk $0xffff, v24;
	v36 =	vld.idx.msk [tilespmem:v37+s9+$0x0], $0xffff  }
0x2da: {  	v31 =	vor.u32 v40, v60;
	v37 =	vld [tilespmem:$0x1FFE0]  }
0x2db: {  	v29 =	vld [tilespmem:s20+$0x0];
	v0 =	vadd.f32 v0, v22;
	v10 =	vmul.f32 v25, v58;
	v25 =	vor.u32 v39, v60  }
0x2dc: {  	v1 =	vmul.f32 v1, v62;
	v42 =	vor.u32 v32, v14;
	v2 =	vmul.f32 v2, v63;
	v26 =	vld [tilespmem:$0x1FFF0]  }
0x2dd: {  	v22 =	vor.u32 v41, v14;
	v33 =	vor.u32 v35, v14;
	[tilespmem:v23+s14+$0x0] =	vst.idx.msk $0xffff, v0;
	v23 =	vld [tilespmem:$0x1FF80]  }
0x2de: {  	v1 =	vadd.f32 v2, v1;
	v5 =	vmul.f32 v5, v62;
	v8 =	vmul.f32 v34, v63;
	v34 =	vld [tilespmem:$0x1FF70]  }
0x2df: {  	v7 =	vmul.f32 v7, v62;
	v31 =	vld.idx.msk [tilespmem:v31+s9+$0x0], $0xffff;
	v24 =	vor.u32 v37, v61;
	v9 =	vmul.f32 v36, v63  }
0x2e0: {  	v30 =	vor.u32 v11, v19;
	v5 =	vadd.f32 v8, v5;
	v36 =	vld.idx.msk [tilespmem:v25+s9+$0x0], $0xffff  }
0x2e1: {  	v0 =	vor.u32 v11, v20;
	[tilespmem:v42+s14+$0x0] =	vst.idx.msk $0xffff, v1;
	v37 =	vld [tilespmem:$0x1FF70];
	v7 =	vadd.f32 v9, v7  }
0x2e2: {  	v4 =	vmul.f32 v4, v58;
	[tilespmem:v33+s14+$0x0] =	vst.idx.msk $0xffff, v5;
	v33 =	vld [tilespmem:$0x1FF90]  }
0x2e3: {  	v3 =	vmul.f32 v3, v59;
	[tilespmem:v22+s14+$0x0] =	vst.idx.msk $0xffff, v7;
	v7 =	vmul.f32 $1.024000000e+03, v29;
	v29 =	vld [tilespmem:$0x1FF80]  }
0x2e4: {  	v6 =	vmul.f32 v6, v59;
	v23 =	vor.u32 v23, v19;
	v8 =	vld.idx.msk [tilespmem:v24+s9+$0x0], $0xffff  }
0x2e5: {  	v3 =	vadd.f32 v3, v4;
	v1 =	vor.u32 v34, v19;
	v22 =	vld.idx.msk [tilespmem:v30+s9+$0x0], $0xffff  }
0x2e6: {  	v39 =	vor.u32 v51, v57;
	v5 =	vadd.f32 v6, v10;
	v2 =	vor.u32 v37, v20;
	v0 =	vld.idx.msk [tilespmem:v0+s9+$0x0], $0xffff  }
0x2e7: {  	v10 =	vor.u32 v26, v61;
	v4 =	vmul.f32 v36, v56;
	v36 =	vld [tilespmem:$0x1FFF0];
	v34 =	vmax.f32 v7, $0.0e+00  }
0x2e8: {  	v42 =	vor.u32 v52, v57;
	v30 =	vld [tilespmem:$0x1FF90];
	v24 =	vor.u32 v33, v19;
	v26 =	vmin.f32 v34, $1.023000000e+03  }
0x2e9: {  	v37 =	vld.idx.msk [tilespmem:v23+s9+$0x0], $0xffff;
	v26 =	vtrunc.f32 v26  }
0x2ea: {  	v1 =	vld.idx.msk [tilespmem:v1+s9+$0x0], $0xffff;
	v29 =	vor.u32 v29, v20;
	v26 =	vcvt.f32.s32 v26  }
0x2eb: {  	[tilespmem:v39+s14+$0x0] =	vst.idx.msk $0xffff, v3;
	v25 =	vor.u32 v40, v61;
	v2 =	vld.idx.msk [tilespmem:v2+s9+$0x0], $0xffff  }
0x2ec: {  	v10 =	vld.idx.msk [tilespmem:v10+s9+$0x0], $0xffff;
	v6 =	vor.u32 v36, v60;
	v22 =	vmul.f32 v22, v62;
	v39 =	vadd.s32 $0x1, v26  }
0x2ed: {  	[tilespmem:v42+s14+$0x0] =	vst.idx.msk $0xffff, v5;
	v0 =	vmul.f32 v0, v63;
	v5 =	vld.idx.msk [tilespmem:v24+s9+$0x0], $0xffff;
	v23 =	vshll.u32 v26, $0x5;
	vm1 =	vlt.s32 v39, $0x3FF  }
0x2ee: {  	v42 =	vor.u32 v43, v23;
	v9 =	vnsel vm1, $0x3FF, v39;
	v39 =	vld [tilespmem:$0x1FF80]  }
0x2ef: {  	v0 =	vadd.f32 v0, v22;
	v22 =	vor.u32 v13, v23;
	v29 =	vld.idx.msk [tilespmem:v29+s9+$0x0], $0xffff  }
0x2f0: {  	v1 =	vmul.f32 v1, v62;
	v24 =	vshll.u32 v9, $0x5;
	v9 =	vld.idx.msk [tilespmem:v25+s9+$0x0], $0xffff;
	v2 =	vmul.f32 v2, v63  }
0x2f1: {  	v8 =	vmul.f32 v8, v55;
	v30 =	vor.u32 v30, v20;
	v26 =	vcvt.s32.f32 v26;
	v6 =	vld.idx.msk [tilespmem:v6+s9+$0x0], $0xffff  }
0x2f2: {  	v34 =	vor.u32 v12, v23;
	v1 =	vadd.f32 v2, v1;
	v2 =	vor.u32 v11, v14;
	v11 =	vld [tilespmem:$0x1FF70]  }
0x2f3: {  	v4 =	vadd.f32 v4, v8;
	v8 =	vmul.f32 v37, v62;
	v25 =	vor.u32 v43, v24;
	v33 =	vld.idx.msk [tilespmem:v42+s9+$0x0], $0xffff  }
0x2f4: {  	v43 =	vld.idx.msk [tilespmem:v22+s9+$0x0], $0xffff;
	v22 =	vsub.f32 v7, v26;
	v7 =	vor.u32 v15, v24;
	v29 =	vmul.f32 v29, v63  }
0x2f5: {  	v42 =	vld [tilespmem:$0x1FF90]  }
0x2f6: {  	v10 =	vmul.f32 v10, v55;
	v30 =	vld.idx.msk [tilespmem:v30+s9+$0x0], $0xffff;
	v8 =	vadd.f32 v29, v8;
	v29 =	vor.u32 v45, v60  }
0x2f7: {  	v37 =	vor.u32 v12, v24;
	v34 =	vld.idx.msk [tilespmem:v34+s9+$0x0], $0xffff;
	v6 =	vmul.f32 v6, v56;
	v36 =	vor.u32 v11, v14  }
0x2f8: {  	v11 =	vmov v40;
	v40 =	vor.u32 v13, v24;
	[tilespmem:v2+s14+$0x0] =	vst.idx.msk $0xffff, v0;
	v2 =	vld.idx.msk [tilespmem:v25+s9+$0x0], $0xffff  }
0x2f9: {  	v27 =	vor.u32 v45, v61;
	v39 =	vor.u32 v39, v14;
	v7 =	vld.idx.msk [tilespmem:v7+s9+$0x0], $0xffff  }
0x2fa: {  	v3 =	vmovc v53;
	v53 =	vmovc v52;
	v52 =	vmov v51;
	v42 =	vor.u32 v42, v14;
	v6 =	vadd.f32 v6, v10;
	v10 =	vld [tilespmem:$0x1FFD0]  }
0x2fb: {  	v51 =	vmovc v50;
	v50 =	vmov v49;
	v5 =	vmul.f32 v5, v62;
	v30 =	vmul.f32 v30, v63;
	v29 =	vld.idx.msk [tilespmem:v29+s9+$0x0], $0xffff  }
0x2fc: {  	v49 =	vmov v48;
	v48 =	vmov v47;
	v0 =	vor.u32 v15, v23;
	[tilespmem:v36+s14+$0x0] =	vst.idx.msk $0xffff, v1;
	v1 =	vld.idx.msk [tilespmem:v37+s9+$0x0], $0xffff  }
0x2fd: {  	v47 =	vmovc v46;
	v46 =	vmovc v45;
	v45 =	vmov v44;
	v5 =	vadd.f32 v30, v5;
	v25 =	vsub.f32 $1.000000000e+00, v22;
	v30 =	vld.idx.msk [tilespmem:v40+s9+$0x0], $0xffff  }
0x2fe: {  	v34 =	vmul.f32 v22, v34;
	v40 =	vld [tilespmem:$0x1FFA0];
	[tilespmem:v39+s14+$0x0] =	vst.idx.msk $0xffff, v8;
	v39 =	vmov s19  }
0x2ff: {  	v2 =	vmul.f32 v25, v2;
	v10 =	vor.u32 v10, v20;
	[tilespmem:v42+s14+$0x0] =	vst.idx.msk $0xffff, v5;
	v5 =	vshll.u32 v39, $0x5  }
0x300: {  	v44 =	vlaneseq.u32;
	v42 =	vld [tilespmem:$0x1FFB0];
	v39 =	vmul.f32 v22, v43;
	v26 =	vor.u32 v45, v5;
	v45 =	vmovc v46;
	v46 =	vmovc v47  }
0x301: {  	v0 =	vld.idx.msk [tilespmem:v0+s9+$0x0], $0xffff;
	v47 =	vmovc v48;
	v48 =	vmovc v49;
	v49 =	vmov v50;
	v50 =	vmov v51;
	v5 =	vmul.f32 v22, v33  }
0x302: {  	v51 =	vmovc v52;
	v52 =	vmovc v53;
	v53 =	vmov v3;
	v3 =	vld [tilespmem:$0x1FFC0];
	v33 =	vor.u32 v44, v26;
	v1 =	vmul.f32 v25, v1  }
0x303: {  	v8 =	vor.u32 v40, v19;
	v40 =	vor.u32 v12, v26;
	v2 =	vadd.f32 v2, v5;
	v5 =	vld [tilespmem:$0x1FFA0]  }
0x304: {  	v30 =	vmul.f32 v30, v25;
	v10 =	vld.idx.msk [tilespmem:v10+s9+$0x0], $0xffff;
	v1 =	vadd.f32 v1, v34;
	v34 =	vor.u32 v13, v26  }
0x305: {  	v36 =	vor.u32 v42, v19;
	v42 =	vld [tilespmem:$0x1FFD0]  }
0x306: {  	v30 =	vadd.f32 v30, v39;
	v39 =	vld [tilespmem:$0x1FFB0]  }
0x307: {  	v37 =	vor.u32 v3, v19;
	v3 =	vld.idx.msk [tilespmem:v27+s9+$0x0], $0xffff;
	[tilespmem:v33+s14+$0x0] =	vst.idx.msk $0xffff, v2  }
0x308: {  	v7 =	vmul.f32 v7, v25;
	v0 =	vmul.f32 v22, v0;
	[tilespmem:v40+s14+$0x0] =	vst.idx.msk $0xffff, v1;
	v40 =	vld [tilespmem:$0x1FFE0]  }
0x309: {  	v5 =	vor.u32 v5, v20;
	[tilespmem:v34+s14+$0x0] =	vst.idx.msk $0xffff, v30;
	v30 =	vld [tilespmem:$0x1FFF0]  }
0x30a: {  	v0 =	vadd.f32 v7, v0;
	v7 =	vld [tilespmem:$0x1FFC0];
	v2 =	vor.u32 v15, v26  }
0x30b: {  	v27 =	vld [tilespmem:$0x1FDE0];
	v1 =	vor.u32 v16, v24  }
0x30c: {  	v29 =	vmul.f32 v29, v56;
	v8 =	vld.idx.msk [tilespmem:v8+s9+$0x0], $0xffff;
	v39 =	vor.u32 v39, v20  }
0x30d: {  	v33 =	vld.idx.msk [tilespmem:v36+s9+$0x0], $0xffff;
	v36 =	vor.u32 v16, v23;
	v3 =	vmul.f32 v3, v55;
	v40 =	vor.u32 v40, v54  }
0x30e: {  	v5 =	vld.idx.msk [tilespmem:v5+s9+$0x0], $0xffff;
	v30 =	vor.u32 v30, v54  }
0x30f: {  	v42 =	vor.u32 v42, v19;
	[tilespmem:v2+s14+$0x0] =	vst.idx.msk $0xffff, v0;
	v3 =	vadd.f32 v29, v3;
	v29 =	vld [tilespmem:$0x1FFA0]  }
0x310: {  	v31 =	vmul.f32 v31, v56;
	v9 =	vmul.f32 v9, v55;
	v34 =	vor.u32 v17, v23;
	v1 =	vld.idx.msk [tilespmem:v1+s9+$0x0], $0xffff  }
0x311: {  	v0 =	vor.u32 v11, v54;
	v2 =	vld.idx.msk [tilespmem:v39+s9+$0x0], $0xffff;
	v39 =	vor.u32 v17, v24  }
0x312: {  	v9 =	vadd.f32 v31, v9;
	v31 =	vld.idx.msk [tilespmem:v36+s9+$0x0], $0xffff;
	v36 =	vor.u32 v18, v23;
	[tilespmem:v40+s14+$0x0] =	vst.idx.msk $0xffff, v4  }
0x313: {  	v37 =	vld.idx.msk [tilespmem:v37+s9+$0x0], $0xffff;
	v4 =	vor.u32 v45, v54;
	[tilespmem:v30+s14+$0x0] =	vst.idx.msk $0xffff, v6;
	v30 =	vor.u32 v18, v24  }
0x314: {  	v7 =	vor.u32 v7, v20;
	v42 =	vld.idx.msk [tilespmem:v42+s9+$0x0], $0xffff;
	v29 =	vor.u32 v29, v14  }
0x315: {  	v8 =	vmul.f32 v8, v62;
	v40 =	vor.u32 v38, v23;
	v5 =	vmul.f32 v5, v63;
	v6 =	vld.idx.msk [tilespmem:v34+s9+$0x0], $0xffff  }
0x316: {  	[tilespmem:v0+s14+$0x0] =	vst.idx.msk $0xffff, v9;
	v0 =	vld.idx.msk [tilespmem:v39+s9+$0x0], $0xffff;
	v9 =	vor.u32 v38, v24  }
0x317: {  	v1 =	vmul.f32 v1, v25;
	v34 =	vld.idx.msk [tilespmem:v36+s9+$0x0], $0xffff;
	v36 =	vor.u32 v16, v26;
	v39 =	vadd.f32 v5, v8  }
0x318: {  	v31 =	vmul.f32 v31, v22;
	[tilespmem:v4+s14+$0x0] =	vst.idx.msk $0xffff, v3;
	v4 =	vor.u32 v47, v61;
	v5 =	vld.idx.msk [tilespmem:v30+s9+$0x0], $0xffff  }
0x319: {  	v7 =	vld.idx.msk [tilespmem:v7+s9+$0x0], $0xffff;
	[tilespmem:v29+s14+$0x0] =	vst.idx.msk $0xffff, v39;
	v29 =	vor.u32 v48, v61  }
0x31a: {  	v27 =	vmul.f32 v27, v58;
	v1 =	vadd.f32 v1, v31;
	v3 =	vld.idx.msk [tilespmem:v40+s9+$0x0], $0xffff;
	v40 =	vor.u32 v17, v26  }
0x31b: {  	v30 =	vor.u32 v46, v61;
	v6 =	vmul.f32 v6, v22;
	v9 =	vld.idx.msk [tilespmem:v9+s9+$0x0], $0xffff;
	v0 =	vmul.f32 v0, v25  }
0x31c: {  	v58 =	vld [tilespmem:$0x1FFD0];
	v31 =	vmul.f32 v34, v22;
	[tilespmem:v36+s14+$0x0] =	vst.idx.msk $0xffff, v1;
	v1 =	vor.u32 v47, v60  }
0x31d: {  	v36 =	vor.u32 v48, v60;
	v0 =	vadd.f32 v0, v6;
	v4 =	vld.idx.msk [tilespmem:v4+s9+$0x0], $0xffff;
	v5 =	vmul.f32 v5, v25  }
0x31e: {  	v39 =	vor.u32 v18, v26;
	v6 =	vor.u32 v46, v60;
	v29 =	vld.idx.msk [tilespmem:v29+s9+$0x0], $0xffff  }
0x31f: {  	[tilespmem:v40+s14+$0x0] =	vst.idx.msk $0xffff, v0;
	v40 =	vor.u32 v38, v26;
	v5 =	vadd.f32 v5, v31;
	v31 =	vld [tilespmem:$0x1FFB0]  }
0x320: {  	v3 =	vmul.f32 v3, v22;
	v30 =	vld.idx.msk [tilespmem:v30+s9+$0x0], $0xffff;
	v0 =	vor.u32 v21, v24;
	v9 =	vmul.f32 v9, v25  }
0x321: {  	v34 =	vor.u32 v32, v24;
	v1 =	vld.idx.msk [tilespmem:v1+s9+$0x0], $0xffff  }
0x322: {  	v8 =	vld.idx.msk [tilespmem:v36+s9+$0x0], $0xffff;
	v36 =	vor.u32 v35, v23;
	v3 =	vadd.f32 v9, v3  }
0x323: {  	v28 =	vmul.f32 v28, v59;
	v59 =	vor.u32 v41, v23;
	[tilespmem:v39+s14+$0x0] =	vst.idx.msk $0xffff, v5;
	v39 =	vld [tilespmem:$0x1FFC0]  }
0x324: {  	v6 =	vld.idx.msk [tilespmem:v6+s9+$0x0], $0xffff;
	v5 =	vor.u32 v32, v23;
	[tilespmem:v40+s14+$0x0] =	vst.idx.msk $0xffff, v3;
	v31 =	vor.u32 v31, v14  }
0x325: {  	v33 =	vmul.f32 v33, v62;
	v2 =	vmul.f32 v2, v63;
	v9 =	vor.u32 v21, v23;
	v0 =	vld.idx.msk [tilespmem:v0+s9+$0x0], $0xffff  }
0x326: {  	v7 =	vmul.f32 v7, v63;
	v40 =	vmul.f32 v37, v62;
	v34 =	vld.idx.msk [tilespmem:v34+s9+$0x0], $0xffff  }
0x327: {  	v2 =	vadd.f32 v2, v33;
	v4 =	vmul.f32 v4, v55;
	v37 =	vor.u32 v49, v60;
	v36 =	vld.idx.msk [tilespmem:v36+s9+$0x0], $0xffff  }
0x328: {  	v3 =	vadd.f32 v7, v40;
	v40 =	vor.u32 v41, v24;
	v7 =	vld.idx.msk [tilespmem:v59+s9+$0x0], $0xffff;
	v33 =	vor.u32 v39, v14  }
0x329: {  	v1 =	vmul.f32 v1, v56;
	v5 =	vld.idx.msk [tilespmem:v5+s9+$0x0], $0xffff;
	[tilespmem:v31+s14+$0x0] =	vst.idx.msk $0xffff, v2;
	v31 =	vor.u32 v35, v24  }
0x32a: {  	v30 =	vmul.f32 v30, v55;
	v6 =	vmul.f32 v6, v56;
	v2 =	vld.idx.msk [tilespmem:v9+s9+$0x0], $0xffff;
	v9 =	vor.u32 v49, v61  }
0x32b: {  	v1 =	vadd.f32 v1, v4;
	v4 =	vmul.f32 v29, v55;
	v29 =	vor.u32 v46, v54;
	v39 =	vld [tilespmem:$0x1FFE0]  }
0x32c: {  	v10 =	vmul.f32 v10, v63;
	v6 =	vadd.f32 v6, v30;
	v30 =	vmul.f32 v42, v62;
	v37 =	vld.idx.msk [tilespmem:v37+s9+$0x0], $0xffff  }
0x32d: {  	[tilespmem:v33+s14+$0x0] =	vst.idx.msk $0xffff, v3;
	v33 =	vor.u32 v58, v14;
	v3 =	vld.idx.msk [tilespmem:v40+s9+$0x0], $0xffff  }
0x32e: {  	v10 =	vadd.f32 v10, v30;
	v30 =	vld.idx.msk [tilespmem:v31+s9+$0x0], $0xffff  }
0x32f: {  	v0 =	vmul.f32 v0, v25;
	v59 =	vmul.f32 v34, v25;
	v31 =	vor.u32 v21, v26;
	v9 =	vld.idx.msk [tilespmem:v9+s9+$0x0], $0xffff  }
0x330: {  	v40 =	vor.u32 v32, v26;
	v2 =	vmul.f32 v2, v22;
	[tilespmem:v29+s14+$0x0] =	vst.idx.msk $0xffff, v6;
	v29 =	vld [tilespmem:$0x1FFF0]  }
0x331: {  	v44 =	vld [tilespmem:$0x1FE10];
	v42 =	vmul.f32 v36, v22;
	v5 =	vmul.f32 v5, v22  }
0x332: {  	[tilespmem:v33+s14+$0x0] =	vst.idx.msk $0xffff, v10;
	v33 =	vor.u32 v39, v19;
	v0 =	vadd.f32 v0, v2  }
0x333: {  	v7 =	vmul.f32 v7, v22;
	v58 =	vor.u32 v35, v26;
	v5 =	vadd.f32 v59, v5  }
0x334: {  	v59 =	vor.u32 v41, v26;
	v30 =	vmul.f32 v30, v25;
	[tilespmem:v31+s14+$0x0] =	vst.idx.msk $0xffff, v0  }
0x335: {  	v3 =	vmul.f32 v3, v25;
	v29 =	vor.u32 v29, v20;
	[tilespmem:v40+s14+$0x0] =	vst.idx.msk $0xffff, v5;
	v40 =	vld [tilespmem:$0x1FF70]  }
0x336: {  	v39 =	vor.u32 v44, v23;
	v31 =	vor.u32 v47, v54;
	v10 =	vadd.f32 v30, v42;
	v30 =	vld [tilespmem:$0x1FF70]  }
0x337: {  	v3 =	vadd.f32 v3, v7;
	v33 =	vld.idx.msk [tilespmem:v33+s9+$0x0], $0xffff  }
0x338: {  	v2 =	vor.u32 v44, v24;
	v42 =	vld [tilespmem:$0x1FF80];
	[tilespmem:v58+s14+$0x0] =	vst.idx.msk $0xffff, v10  }
0x339: {  	v5 =	vor.u32 v48, v54;
	[tilespmem:v59+s14+$0x0] =	vst.idx.msk $0xffff, v3;
	v59 =	vld [tilespmem:$0x1FF90]  }
0x33a: {  	v8 =	vmul.f32 v8, v56;
	v9 =	vmul.f32 v9, v55;
	v10 =	vor.u32 v49, v54;
	v29 =	vld.idx.msk [tilespmem:v29+s9+$0x0], $0xffff  }
0x33b: {  	v58 =	vmul.f32 v37, v56;
	[tilespmem:v31+s14+$0x0] =	vst.idx.msk $0xffff, v1;
	v31 =	vor.u32 v52, v61;
	v0 =	vld.idx.msk [tilespmem:v39+s9+$0x0], $0xffff  }
0x33c: {  	v4 =	vadd.f32 v8, v4;
	v7 =	vor.u32 v40, v24;
	v40 =	vld [tilespmem:$0x1FF80]  }
0x33d: {  	v9 =	vadd.f32 v58, v9;
	v1 =	vld.idx.msk [tilespmem:v2+s9+$0x0], $0xffff  }
0x33e: {  	[tilespmem:v5+s14+$0x0] =	vst.idx.msk $0xffff, v4;
	v58 =	vld [tilespmem:$0x1FFE0];
	v39 =	vor.u32 v50, v60  }
0x33f: {  	v30 =	vor.u32 v30, v23;
	v3 =	vor.u32 v42, v23;
	v42 =	vld [tilespmem:$0x1FF90];
	[tilespmem:v10+s14+$0x0] =	vst.idx.msk $0xffff, v9  }
0x340: {  	v31 =	vld.idx.msk [tilespmem:v31+s9+$0x0], $0xffff  }
0x341: {  	v9 =	vor.u32 v50, v61;
	v36 =	vor.u32 v59, v23;
	v59 =	vld.idx.msk [tilespmem:v7+s9+$0x0], $0xffff  }
0x342: {  	v10 =	vor.u32 v51, v61;
	v8 =	vor.u32 v40, v24;
	v40 =	vld [tilespmem:$0x1FFF0]  }
0x343: {  	v39 =	vld.idx.msk [tilespmem:v39+s9+$0x0], $0xffff  }
0x344: {  	v6 =	vld.idx.msk [tilespmem:v30+s9+$0x0], $0xffff  }
0x345: {  	v3 =	vld.idx.msk [tilespmem:v3+s9+$0x0], $0xffff  }
0x346: {  	v4 =	vor.u32 v58, v20;
	v9 =	vld.idx.msk [tilespmem:v9+s9+$0x0], $0xffff  }
0x347: {  	v10 =	vld.idx.msk [tilespmem:v10+s9+$0x0], $0xffff  }
0x348: {  	v58 =	vor.u32 v45, v19;
	v30 =	vld.idx.msk [tilespmem:v36+s9+$0x0], $0xffff  }
0x349: {  	v36 =	vld [tilespmem:$0x1FF80]  }
0x34a: {  	v2 =	vor.u32 v42, v24;
	v8 =	vld.idx.msk [tilespmem:v8+s9+$0x0], $0xffff  }
0x34b: {  	v0 =	vmul.f32 v0, v22;
	v1 =	vmul.f32 v1, v25;
	v42 =	vor.u32 v11, v19;
	v4 =	vld.idx.msk [tilespmem:v4+s9+$0x0], $0xffff  }
0x34c: {  	v5 =	vmul.f32 v59, v25;
	v59 =	vld [tilespmem:$0x1FF70]  }
0x34d: {  	v44 =	vor.u32 v44, v26;
	v0 =	vadd.f32 v1, v0;
	v1 =	vld.idx.msk [tilespmem:v58+s9+$0x0], $0xffff  }
0x34e: {  	v27 =	vadd.f32 v28, v27;
	v28 =	vor.u32 v53, v57;
	v57 =	vor.u32 v11, v20;
	v58 =	vld [tilespmem:$0x1FFC0]  }
0x34f: {  	v2 =	vld.idx.msk [tilespmem:v2+s9+$0x0], $0xffff  }
0x350: {  	v7 =	vor.u32 v40, v19;
	v40 =	vor.u32 v45, v20;
	v34 =	vld.idx.msk [tilespmem:v42+s9+$0x0], $0xffff  }
0x351: {  	v42 =	vld [tilespmem:$0x1FF90]  }
0x352: {  	[tilespmem:v44+s14+$0x0] =	vst.idx.msk $0xffff, v0;
	v44 =	vld [tilespmem:$0x1FFB0]  }
0x353: {  	v6 =	vmul.f32 v6, v22;
	v0 =	vor.u32 v36, v26;
	v36 =	vld.idx.msk [tilespmem:v57+s9+$0x0], $0xffff  }
0x354: {  	v57 =	vld [tilespmem:$0x1FFE0]  }
0x355: {  	v5 =	vadd.f32 v5, v6;
	v6 =	vor.u32 v59, v26;
	v59 =	vld.idx.msk [tilespmem:v40+s9+$0x0], $0xffff  }
0x356: {  	v3 =	vmul.f32 v3, v22;
	v8 =	vmul.f32 v8, v25;
	v40 =	vld [tilespmem:$0x1FFA0]  }
0x357: {  	v30 =	vmul.f32 v30, v22;
	v7 =	vld.idx.msk [tilespmem:v7+s9+$0x0], $0xffff;
	v2 =	vmul.f32 v2, v25  }
0x358: {  	v3 =	vadd.f32 v8, v3;
	v8 =	vor.u32 v42, v26;
	v42 =	vld [tilespmem:$0x1FFF0]  }
0x359: {  	v33 =	vmul.f32 v33, v62;
	v29 =	vmul.f32 v29, v63;
	v2 =	vadd.f32 v2, v30;
	v30 =	vld [tilespmem:$0x1FFA0]  }
0x35a: {  	v39 =	vmul.f32 v39, v56;
	[tilespmem:v6+s14+$0x0] =	vst.idx.msk $0xffff, v5;
	v5 =	vor.u32 v44, v23;
	v44 =	vld [tilespmem:$0x1FFB0]  }
0x35b: {  	v4 =	vmul.f32 v4, v63;
	v6 =	vor.u32 v57, v14;
	v37 =	vor.u32 v40, v24;
	v57 =	vld [tilespmem:$0x1FFC0]  }
0x35c: {  	v34 =	vmul.f32 v34, v62;
	v36 =	vmul.f32 v36, v63;
	v40 =	vor.u32 v53, v61;
	v61 =	vld [tilespmem:$0x1FFB0]  }
0x35d: {  	v7 =	vmul.f32 v7, v62;
	[tilespmem:v0+s14+$0x0] =	vst.idx.msk $0xffff, v3;
	v0 =	vor.u32 v58, v23;
	v58 =	vld [tilespmem:$0x1FFD0]  }
0x35e: {  	v3 =	vmul.f32 v59, v63;
	v59 =	vld [tilespmem:$0x1FFD0];
	[tilespmem:v8+s14+$0x0] =	vst.idx.msk $0xffff, v2;
	v30 =	vor.u32 v30, v23  }
0x35f: {  	v9 =	vmul.f32 v9, v55;
	v4 =	vadd.f32 v4, v33;
	v8 =	vor.u32 v44, v24;
	v5 =	vld.idx.msk [tilespmem:v5+s9+$0x0], $0xffff  }
0x360: {  	v7 =	vadd.f32 v29, v7;
	v29 =	vadd.f32 v36, v34;
	v33 =	vor.u32 v57, v24;
	v36 =	vld.idx.msk [tilespmem:v37+s9+$0x0], $0xffff  }
0x361: {  	v9 =	vadd.f32 v39, v9;
	v2 =	vor.u32 v42, v14;
	v39 =	vld.idx.msk [tilespmem:v40+s9+$0x0], $0xffff  }
0x362: {  	v34 =	vor.u32 v11, v14;
	v44 =	vor.u32 v51, v60;
	v0 =	vld.idx.msk [tilespmem:v0+s9+$0x0], $0xffff  }
0x363: {  	[tilespmem:v28+s14+$0x0] =	vst.idx.msk $0xffff, v27;
	v30 =	vld.idx.msk [tilespmem:v30+s9+$0x0], $0xffff  }
0x364: {  	v27 =	vor.u32 v49, v19;
	[tilespmem:v6+s14+$0x0] =	vst.idx.msk $0xffff, v4;
	v6 =	vor.u32 v58, v23;
	v42 =	vld.idx.msk [tilespmem:v8+s9+$0x0], $0xffff  }
0x365: {  	v1 =	vmul.f32 v1, v62;
	v4 =	vor.u32 v45, v14;
	v37 =	vor.u32 v59, v24;
	v57 =	vld.idx.msk [tilespmem:v33+s9+$0x0], $0xffff  }
0x366: {  	v58 =	vor.u32 v53, v60;
	[tilespmem:v2+s14+$0x0] =	vst.idx.msk $0xffff, v7;
	v8 =	vor.u32 v52, v60;
	v60 =	vld [tilespmem:$0x1FFA0]  }
0x367: {  	[tilespmem:v34+s14+$0x0] =	vst.idx.msk $0xffff, v29;
	v29 =	vor.u32 v46, v20;
	v7 =	vld.idx.msk [tilespmem:v44+s9+$0x0], $0xffff  }
0x368: {  	v1 =	vadd.f32 v3, v1;
	v44 =	vld [tilespmem:$0x1FFC0]  }
0x369: {  	v6 =	vld.idx.msk [tilespmem:v6+s9+$0x0], $0xffff  }
0x36a: {  	[tilespmem:v4+s14+$0x0] =	vst.idx.msk $0xffff, v1;
	v59 =	vld.idx.msk [tilespmem:v37+s9+$0x0], $0xffff  }
0x36b: {  	v27 =	vld.idx.msk [tilespmem:v27+s9+$0x0], $0xffff  }
0x36c: {  	v36 =	vmul.f32 v36, v25;
	v30 =	vmul.f32 v30, v22;
	v29 =	vld.idx.msk [tilespmem:v29+s9+$0x0], $0xffff  }
0x36d: {  	v2 =	vmul.f32 v42, v25;
	v37 =	vor.u32 v60, v26;
	v42 =	vor.u32 v47, v20;
	v8 =	vld.idx.msk [tilespmem:v8+s9+$0x0], $0xffff  }
0x36e: {  	v40 =	vor.u32 v61, v26;
	v5 =	vmul.f32 v5, v22;
	v3 =	vmul.f32 v57, v25;
	v57 =	vld [tilespmem:$0x1FFD0]  }
0x36f: {  	v1 =	vor.u32 v46, v19;
	v30 =	vadd.f32 v36, v30;
	v36 =	vor.u32 v44, v26;
	v44 =	vld [tilespmem:$0x1FFE0]  }
0x370: {  	v2 =	vadd.f32 v2, v5;
	v5 =	vld.idx.msk [tilespmem:v58+s9+$0x0], $0xffff  }
0x371: {  	v4 =	vor.u32 v47, v19;
	v0 =	vmul.f32 v0, v22;
	v58 =	vmul.f32 v59, v25;
	v59 =	vld [tilespmem:$0x1FFE0]  }
0x372: {  	[tilespmem:v37+s14+$0x0] =	vst.idx.msk $0xffff, v30;
	v37 =	vld.idx.msk [tilespmem:v42+s9+$0x0], $0xffff;
	v42 =	vor.u32 v48, v19  }
0x373: {  	v33 =	vor.u32 v50, v54;
	v0 =	vadd.f32 v3, v0;
	v3 =	vor.u32 v57, v26;
	v30 =	vld [tilespmem:$0x1FFF0]  }
0x374: {  	v1 =	vld.idx.msk [tilespmem:v1+s9+$0x0], $0xffff;
	v6 =	vmul.f32 v6, v22;
	[tilespmem:v40+s14+$0x0] =	vst.idx.msk $0xffff, v2;
	v2 =	vor.u32 v11, v23  }
0x375: {  	v10 =	vmul.f32 v10, v55;
	v57 =	vld [tilespmem:$0x1FFF0];
	v40 =	vor.u32 v11, v24  }
0x376: {  	v4 =	vld.idx.msk [tilespmem:v4+s9+$0x0], $0xffff;
	v6 =	vadd.f32 v58, v6;
	v58 =	vmul.f32 v7, v56;
	v34 =	vor.u32 v59, v23  }
0x377: {  	[tilespmem:v36+s14+$0x0] =	vst.idx.msk $0xffff, v0;
	v0 =	vor.u32 v44, v24;
	v36 =	vor.u32 v51, v54;
	v44 =	vld.idx.msk [tilespmem:v42+s9+$0x0], $0xffff  }
0x378: {  	v30 =	vor.u32 v30, v23;
	[tilespmem:v3+s14+$0x0] =	vst.idx.msk $0xffff, v6;
	v28 =	vmul.f32 v37, v63;
	v37 =	vld [tilespmem:$0x1FFF0]  }
0x379: {  	[tilespmem:v33+s14+$0x0] =	vst.idx.msk $0xffff, v9;
	v2 =	vld.idx.msk [tilespmem:v2+s9+$0x0], $0xffff  }
0x37a: {  	v59 =	vor.u32 v52, v54;
	v3 =	vor.u32 v57, v24;
	v6 =	vadd.f32 v58, v10;
	v33 =	vld.idx.msk [tilespmem:v40+s9+$0x0], $0xffff  }
0x37b: {  	v31 =	vmul.f32 v31, v55;
	v8 =	vmul.f32 v8, v56;
	v57 =	vor.u32 v45, v23;
	v34 =	vld.idx.msk [tilespmem:v34+s9+$0x0], $0xffff  }
0x37c: {  	v58 =	vor.u32 v45, v24;
	[tilespmem:v36+s14+$0x0] =	vst.idx.msk $0xffff, v6;
	v36 =	vld [tilespmem:$0x1FFE0]  }
0x37d: {  	v8 =	vadd.f32 v8, v31;
	v30 =	vld.idx.msk [tilespmem:v30+s9+$0x0], $0xffff  }
0x37e: {  	v39 =	vmul.f32 v39, v55;
	v1 =	vmul.f32 v1, v62;
	v0 =	vld.idx.msk [tilespmem:v0+s9+$0x0], $0xffff  }
0x37f: {  	v4 =	vmul.f32 v4, v62;
	[tilespmem:v59+s14+$0x0] =	vst.idx.msk $0xffff, v8;
	v59 =	vmul.f32 v29, v63;
	v3 =	vld.idx.msk [tilespmem:v3+s9+$0x0], $0xffff  }
0x380: {  	v27 =	vmul.f32 v27, v62;
	v31 =	vor.u32 v49, v20;
	v42 =	vor.u32 v11, v26;
	v57 =	vld.idx.msk [tilespmem:v57+s9+$0x0], $0xffff  }
0x381: {  	v4 =	vadd.f32 v28, v4;
	v29 =	vor.u32 v48, v20;
	v1 =	vadd.f32 v59, v1;
	v9 =	vld.idx.msk [tilespmem:v58+s9+$0x0], $0xffff  }
0x382: {  	v8 =	vmul.f32 v44, v62;
	v28 =	vmul.f32 v30, v22;
	v30 =	vor.u32 v36, v26  }
0x383: {  	v59 =	vor.u32 v37, v26;
	v58 =	vmul.f32 v34, v22;
	v0 =	vmul.f32 v0, v25  }
0x384: {  	v44 =	vor.u32 v45, v26;
	v2 =	vmul.f32 v2, v22;
	v3 =	vmul.f32 v3, v25  }
0x385: {  	v7 =	vmul.f32 v33, v25;
	v0 =	vadd.f32 v0, v58;
	v6 =	vmul.f32 v57, v22  }
0x386: {  	v9 =	vmul.f32 v9, v25;
	v3 =	vadd.f32 v3, v28;
	v28 =	vld.idx.msk [tilespmem:v29+s9+$0x0], $0xffff;
	v29 =	vor.u32 v46, v23  }
0x387: {  	v2 =	vadd.f32 v7, v2;
	v57 =	vor.u32 v47, v23;
	[tilespmem:v30+s14+$0x0] =	vst.idx.msk $0xffff, v0  }
0x388: {  	v31 =	vld.idx.msk [tilespmem:v31+s9+$0x0], $0xffff;
	v58 =	vor.u32 v46, v24;
	v6 =	vadd.f32 v9, v6;
	[tilespmem:v59+s14+$0x0] =	vst.idx.msk $0xffff, v3  }
0x389: {  	v34 =	vor.u32 v46, v14;
	v30 =	vor.u32 v47, v24;
	[tilespmem:v42+s14+$0x0] =	vst.idx.msk $0xffff, v2  }
0x38a: {  	v33 =	vor.u32 v48, v24;
	v59 =	vor.u32 v47, v14;
	[tilespmem:v44+s14+$0x0] =	vst.idx.msk $0xffff, v6  }
0x38b: {  	v5 =	vmul.f32 v5, v56;
	v10 =	vor.u32 v48, v14;
	v2 =	vor.u32 v48, v23;
	v29 =	vld.idx.msk [tilespmem:v29+s9+$0x0], $0xffff  }
0x38c: {  	v42 =	vor.u32 v49, v23;
	v44 =	vmul.f32 v28, v63;
	v28 =	vor.u32 v49, v14;
	v0 =	vld.idx.msk [tilespmem:v57+s9+$0x0], $0xffff  }
0x38d: {  	v56 =	vor.u32 v51, v19;
	v31 =	vmul.f32 v31, v63;
	v3 =	vld.idx.msk [tilespmem:v58+s9+$0x0], $0xffff;
	v58 =	vor.u32 v49, v24  }
0x38e: {  	v5 =	vadd.f32 v5, v39;
	[tilespmem:v34+s14+$0x0] =	vst.idx.msk $0xffff, v1;
	v57 =	vadd.f32 v44, v8;
	v55 =	vld.idx.msk [tilespmem:v30+s9+$0x0], $0xffff  }
0x38f: {  	v39 =	vor.u32 v50, v23;
	[tilespmem:v59+s14+$0x0] =	vst.idx.msk $0xffff, v4;
	v59 =	vadd.f32 v31, v27;
	v27 =	vld.idx.msk [tilespmem:v33+s9+$0x0], $0xffff  }
0x390: {  	v44 =	vor.u32 v50, v19;
	v30 =	vor.u32 v50, v20;
	v2 =	vld.idx.msk [tilespmem:v2+s9+$0x0], $0xffff;
	[tilespmem:v10+s14+$0x0] =	vst.idx.msk $0xffff, v57  }
0x391: {  	v31 =	vor.u32 v51, v20;
	v42 =	vld.idx.msk [tilespmem:v42+s9+$0x0], $0xffff;
	[tilespmem:v28+s14+$0x0] =	vst.idx.msk $0xffff, v59;
	v28 =	vor.u32 v46, v26  }
0x392: {  	v57 =	vor.u32 v52, v19;
	v7 =	vld.idx.msk [tilespmem:v58+s9+$0x0], $0xffff;
	v29 =	vmul.f32 v29, v22;
	v3 =	vmul.f32 v3, v25  }
0x393: {  	v19 =	vor.u32 v53, v19;
	v59 =	vor.u32 v48, v26;
	v58 =	vor.u32 v52, v20  }
0x394: {  	v0 =	vmul.f32 v0, v22;
	v9 =	vld.idx.msk [tilespmem:v56+s9+$0x0], $0xffff;
	v3 =	vadd.f32 v3, v29;
	v29 =	vor.u32 v47, v26  }
0x395: {  	v20 =	vor.u32 v53, v20;
	v4 =	vld.idx.msk [tilespmem:v44+s9+$0x0], $0xffff;
	v6 =	vmul.f32 v55, v25;
	v27 =	vmul.f32 v27, v25  }
0x396: {  	v2 =	vmul.f32 v2, v22;
	[tilespmem:v28+s14+$0x0] =	vst.idx.msk $0xffff, v3;
	v28 =	vld.idx.msk [tilespmem:v30+s9+$0x0], $0xffff;
	v30 =	vor.u32 v49, v26  }
0x397: {  	v1 =	vmul.f32 v42, v22;
	v8 =	vld.idx.msk [tilespmem:v57+s9+$0x0], $0xffff;
	v0 =	vadd.f32 v6, v0;
	v7 =	vmul.f32 v7, v25  }
0x398: {  	v44 =	vor.u32 v51, v23;
	v42 =	vld.idx.msk [tilespmem:v31+s9+$0x0], $0xffff;
	v2 =	vadd.f32 v27, v2  }
0x399: {  	v55 =	vor.u32 v50, v24;
	v19 =	vld.idx.msk [tilespmem:v19+s9+$0x0], $0xffff;
	v1 =	vadd.f32 v7, v1;
	[tilespmem:v29+s14+$0x0] =	vst.idx.msk $0xffff, v0  }
0x39a: {  	v56 =	vor.u32 v52, v23;
	v57 =	vld.idx.msk [tilespmem:v20+s9+$0x0], $0xffff;
	[tilespmem:v59+s14+$0x0] =	vst.idx.msk $0xffff, v2  }
0x39b: {  	v31 =	vor.u32 v52, v24;
	v27 =	vor.u32 v53, v54;
	v29 =	vld.idx.msk [tilespmem:v58+s9+$0x0], $0xffff;
	[tilespmem:v30+s14+$0x0] =	vst.idx.msk $0xffff, v1  }
0x39c: {  	v20 =	vmul.f32 v28, v63;
	v28 =	vor.u32 v51, v24;
	v6 =	vld.idx.msk [tilespmem:v39+s9+$0x0], $0xffff  }
0x39d: {  	v9 =	vmul.f32 v9, v62;
	v4 =	vmul.f32 v4, v62;
	v58 =	vor.u32 v53, v23;
	v7 =	vld.idx.msk [tilespmem:v44+s9+$0x0], $0xffff  }
0x39e: {  	v23 =	vor.u32 v50, v14;
	v10 =	vmul.f32 v42, v63;
	v59 =	vor.u32 v53, v24;
	v0 =	vld.idx.msk [tilespmem:v55+s9+$0x0], $0xffff  }
0x39f: {  	v8 =	vmul.f32 v8, v62;
	v30 =	vor.u32 v51, v14;
	v24 =	vor.u32 v52, v14;
	v2 =	vld.idx.msk [tilespmem:v56+s9+$0x0], $0xffff  }
0x3a0: {  	v14 =	vor.u32 v53, v14;
	[tilespmem:v27+s14+$0x0] =	vst.idx.msk $0xffff, v5;
	v9 =	vadd.f32 v10, v9;
	v42 =	vld.idx.msk [tilespmem:v31+s9+$0x0], $0xffff  }
0x3a1: {  	v39 =	vmul.f32 v19, v62;
	v3 =	vmul.f32 v57, v63;
	v4 =	vadd.f32 v20, v4;
	v19 =	vld.idx.msk [tilespmem:v28+s9+$0x0], $0xffff  }
0x3a2: {  	v55 =	vor.u32 v50, v26;
	v56 =	vor.u32 v51, v26;
	v20 =	vmul.f32 v29, v63;
	v1 =	vld.idx.msk [tilespmem:v58+s9+$0x0], $0xffff  }
0x3a3: {  	v62 =	vor.u32 v53, v26;
	v3 =	vadd.f32 v3, v39;
	[tilespmem:v23+s14+$0x0] =	vst.idx.msk $0xffff, v4;
	v44 =	vld.idx.msk [tilespmem:v59+s9+$0x0], $0xffff  }
0x3a4: {  	v59 =	vor.u32 v52, v26;
	v8 =	vadd.f32 v20, v8;
	v54 =	vmul.f32 v6, v22  }
0x3a5: {  	[tilespmem:v30+s14+$0x0] =	vst.idx.msk $0xffff, v9;
	v0 =	vmul.f32 v0, v25;
	v57 =	vmul.f32 v7, v22  }
0x3a6: {  	s18 =	sadd.s32 $0x4, s18;
	v2 =	vmul.f32 v2, v22;
	[tilespmem:v24+s14+$0x0] =	vst.idx.msk $0xffff, v8;
	v58 =	vmul.f32 v19, v25  }
0x3a7: {  	p0 =	slt.u32 s18, $0x3C;
	v9 =	vmul.f32 v42, v25;
	[tilespmem:v14+s14+$0x0] =	vst.idx.msk $0xffff, v3;
	v0 =	vadd.f32 v0, v54  }
.Ltmp1:
0x3a8: {  	v34 =	vld [tilespmem:$0x1FF90];
	v1 =	vmul.f32 v1, v22;
	v4 =	vmul.f32 v44, v25;
	v5 =	vadd.f32 v58, v57;
	(pc) =	sbr.rel @p0 .LBB2_4-.Ltmp1, $4  }
0x3a9: {  	v33 =	vld [tilespmem:$0x1FF80];
	v2 =	vadd.f32 v9, v2;
	[tilespmem:v55+s14+$0x0] =	vst.idx.msk $0xffff, v0  }
0x3aa: {  	v31 =	vld [tilespmem:$0x1FFD0];
	v63 =	vadd.f32 v4, v1;
	[tilespmem:v56+s14+$0x0] =	vst.idx.msk $0xffff, v5  }
0x3ab: {  	v29 =	vld [tilespmem:$0x1FFC0];
	[tilespmem:v59+s14+$0x0] =	vst.idx.msk $0xffff, v2  }
0x3ac: {  	s20 =	sadd.s32 $0x40, s20;
	s19 =	sadd.s32 $0x40, s19;
	v43 =	vlaneseq.u32;
	v40 =	vmov v11;
	v30 =	vld [tilespmem:$0x1FF70];
	[tilespmem:v62+s14+$0x0] =	vst.idx.msk $0xffff, v63  }
0x3ad: {  	[hbm4b:s6+s13] =	stream.strided.scatter [tilespmem:s14], [sflag:$0x4], $0x8000, s8, s13, $0x38;
	[tilespmem:$0x18800] =	vst v63  }
0x3ae: {  	s17 =	sadd.s32 $0x1, s17  }
0x3af: {  	_ =	swait.ge [sflag:s15], $0x8000;
	p0 =	sne.s32 s17, s7  }
.Ltmp2:
0x3b0: {  	[sflag:s15] =	ssyncset.done $0x0;
	(pc) =	sbr.rel @p0 .LBB2_1-.Ltmp2, $4  }
0x3b1: {  	[sflag:s15] =	ssyncadd.s32 $0xFFFF8000  }
0x3b2: {  	_ =	swait.ge [sflag:s16], $0x8000  }
0x3b3: {  	[sflag:s16] =	ssyncset.done $0x0  }
0x3b4: {  	[sflag:s16] =	ssyncadd.s32 $0xFFFF8000  }
0x3b5: {  	_ =	sfence.sel $0x180000  }
0x3b6: {  	[bflag:$0x0] =	sbarrier.arrive $0xFFFF  }
0x3b7: {  	p0 =	sne.s32 s0, $0x0;
	_ =	strace $0x90000047  }
0x3b8: {  	s0 =	sadd.s32 @!p0 $0x100000, s1;
	[bflag:$0x2] =	sbarrier.arrive $0xFFFF  }
0x3b9: {  	[sflag:s0] =	ssyncadd.tile.s32 @!p0 $0x1;
	_ =	shalt  }
.Lfunc_end2:
_tile_overlayer_lowered:
.L_overlay_start_2:
0x3ba: {  	(tag) =	ssettag $0x2  }
0x3bb: {  	s0 =	rddreg [dreg:$0x0];
	s2 =	stileid.u32  }
0x3bc: {  	s1 =	rddreg [dreg:$0x1];
	p0 =	sne.s32 s2, $0x0  }
0x3bd: {  	s3 =	rddreg [dreg:$0x2];
	[bflag:$0x3] =	sbarrier.arrive $0xFFFF;
	s2 =	simm.s32 @!p0 $0x1C05  }
0x3be: {  	[timem:s3], [sflag:s2] =	dma.local @!p0 [hbm:s0], s1  }
0x3bf: {  	s0 =	simm.s32 @!p0 $0x5  }
0x3c0: {  	_ =	swait.ge @!p0 [sflag:s0], s1  }
0x3c1: {  	s1 =	ssub.s32 @!p0 $0x0, s1;
	[sflag:s0] =	ssyncset.done @!p0 $0x0  }
0x3c2: {  	[sflag:s0] =	ssyncadd.s32 @!p0 s1  }
0x3c3: {  	[bflag:$0x3] =	sbarrier.arrive $0xFFFF  }
0x3c4: {  	_ =	shalt  }

</sc_bundles>
